<compile_context>
chip_gen: v7x
topology: tpu7x:2x2x1
jax: 0.10.2.dev20260603
libtpu: 0.0.44.dev20260713+nightly
codegen_flags: <defaults>
</compile_context>

<pallas_src>
import functools

import jax
import jax.numpy as jnp
from jax import lax
from jax.experimental import pallas as pl
from jax.experimental.pallas import tpu as pltpu
from jax.experimental.pallas import tpu_sc as plsc

N = 10000
E = 320000
D_IN = 128
D_F = 128
D_H = 256
D_E = 16
NCLS = 10

NUM_SC = 2
NUM_TILES = 16
NW = NUM_SC * NUM_TILES
EPW = E // NW
ECH = 80
NCH = EPW // ECH
NPAD = 10240
ROWS_PER_TILE = NPAD // NUM_TILES

NBLK = 1000
EBLK = 4000

_F32 = jnp.float32


def _mm(a, b):
    return jnp.dot(a, b, preferred_element_type=jnp.float32)


def _encoder_body(x_ref, w0, b0, w1, b1, w2, b2, h_ref):
    t = jax.nn.relu(_mm(x_ref[...], w0[...]) + b0[...])
    t = jax.nn.relu(_mm(t, w1[...]) + b1[...])
    h_ref[...] = _mm(t, w2[...]) + b2[...]


def _encode(x, We0, be0, We1, be1, We2, be2):
    full = lambda a: pl.BlockSpec(a.shape, lambda i: (0,) * a.ndim)
    return pl.pallas_call(
        _encoder_body,
        grid=(N // NBLK,),
        in_specs=[pl.BlockSpec((NBLK, D_IN), lambda i: (i, 0)),
                  full(We0), full(be0), full(We1), full(be1), full(We2), full(be2)],
        out_specs=pl.BlockSpec((NBLK, D_F), lambda i: (i, 0)),
        out_shape=jax.ShapeDtypeStruct((N, D_F), _F32),
    )(x, We0, be0, We1, be1, We2, be2)


SCH = 200
GSUB = 5
GCH = SCH // GSUB
NSCH = EPW // SCH


def _sc_gather(h, src, dst):
    mesh = plsc.VectorSubcoreMesh(core_axis_name="c", subcore_axis_name="s")

    @functools.partial(
        pl.kernel,
        out_type=[jax.ShapeDtypeStruct((E, D_F), _F32),
                  jax.ShapeDtypeStruct((E, D_F), _F32)],
        mesh=mesh,
        scratch_types=[pltpu.VMEM((SCH,), jnp.int32),
                       pltpu.VMEM((SCH,), jnp.int32),
                       pltpu.VMEM((SCH, D_F), _F32),
                       pltpu.VMEM((SCH, D_F), _F32),
                       pltpu.VMEM((SCH,), jnp.int32),
                       pltpu.VMEM((SCH,), jnp.int32),
                       pltpu.VMEM((SCH, D_F), _F32),
                       pltpu.VMEM((SCH, D_F), _F32),
                       pltpu.SemaphoreType.DMA,
                       pltpu.SemaphoreType.DMA,
                       pltpu.SemaphoreType.DMA,
                       pltpu.SemaphoreType.DMA,
                       pltpu.SemaphoreType.DMA],
    )
    def k(h_hbm, src_hbm, dst_hbm, gs_hbm, gd_hbm,
          siA, diA, srA, drA, siB, diB, srB, drB,
          lA_sem, lB_sem, g_sem, wA_sem, wB_sem):
        wid = lax.axis_index("s") * NUM_SC + lax.axis_index("c")
        base = wid * EPW

        def issue_loads(s, si, di, lsem):
            off = base + s * SCH
            pltpu.async_copy(src_hbm.at[pl.ds(off, SCH)], si, lsem)
            pltpu.async_copy(dst_hbm.at[pl.ds(off, SCH)], di, lsem)

        def wait_loads(si, di, lsem):
            pltpu.make_async_copy(src_hbm.at[pl.ds(0, SCH)], si, lsem).wait()
            pltpu.make_async_copy(dst_hbm.at[pl.ds(0, SCH)], di, lsem).wait()

        def wait_writes(sr, dr, wsem):
            pltpu.make_async_copy(sr, gs_hbm.at[pl.ds(0, SCH)], wsem).wait()
            pltpu.make_async_copy(dr, gd_hbm.at[pl.ds(0, SCH)], wsem).wait()

        def step(s, si, di, sr, dr, lsem, wsem, nsi, ndi, nlsem):
            wait_loads(si, di, lsem)

            @pl.when(s > 1)
            def _():
                wait_writes(sr, dr, wsem)

            gathers = []
            for j in range(GSUB):
                sl = pl.ds(j * GCH, GCH)
                gathers.append(pltpu.async_copy(h_hbm.at[si.at[sl]], sr.at[sl], g_sem))
                gathers.append(pltpu.async_copy(h_hbm.at[di.at[sl]], dr.at[sl], g_sem))

            @pl.when(s < NSCH - 1)
            def _():
                issue_loads(s + 1, nsi, ndi, nlsem)

            for g in gathers:
                g.wait()
            off = base + s * SCH
            pltpu.async_copy(sr, gs_hbm.at[pl.ds(off, SCH)], wsem)
            pltpu.async_copy(dr, gd_hbm.at[pl.ds(off, SCH)], wsem)

        issue_loads(0, siA, diA, lA_sem)

        @pl.loop(0, NSCH)
        def _(s):
            @pl.when(s % 2 == 0)
            def _():
                step(s, siA, diA, srA, drA, lA_sem, wA_sem, siB, diB, lB_sem)

            @pl.when(s % 2 == 1)
            def _():
                step(s, siB, diB, srB, drB, lB_sem, wB_sem, siA, diA, lA_sem)

        wait_writes(srA, drA, wA_sem)
        wait_writes(srB, drB, wB_sem)

    return k(h, src, dst)


def _edge_body(gs_ref, gd_ref, ea_ref, w0s, w0d, w0e, b0, w1, b1, w2, b2, m_ref):
    bf = jnp.bfloat16
    t = (_mm(gs_ref[...].astype(bf), w0s[...]) + _mm(gd_ref[...].astype(bf), w0d[...])
         + _mm(ea_ref[...].astype(bf), w0e[...]) + b0[...])
    t = jax.nn.relu(t)
    t = jax.nn.relu(_mm(t.astype(bf), w1[...]) + b1[...])
    m_ref[...] = _mm(t.astype(bf), w2[...]) + b2[...]


def _edge_mlp(gs, gd, ea, Wi0s, Wi0d, Wi0e, bi0, Wi1, bi1, Wi2, bi2):
    full = lambda a: pl.BlockSpec(a.shape, lambda i: (0,) * a.ndim)
    return pl.pallas_call(
        _edge_body,
        grid=(E // EBLK,),
        in_specs=[pl.BlockSpec((EBLK, D_F), lambda i: (i, 0)),
                  pl.BlockSpec((EBLK, D_F), lambda i: (i, 0)),
                  pl.BlockSpec((EBLK, D_E), lambda i: (i, 0)),
                  full(Wi0s), full(Wi0d), full(Wi0e), full(bi0),
                  full(Wi1), full(bi1), full(Wi2), full(bi2)],
        out_specs=pl.BlockSpec((EBLK, D_F), lambda i: (i, 0)),
        out_shape=jax.ShapeDtypeStruct((E, D_F), _F32),
    )(gs, gd, ea, Wi0s, Wi0d, Wi0e, bi0, Wi1, bi1, Wi2, bi2)


def _sc_agg(m, dst):
    mesh = plsc.VectorSubcoreMesh(core_axis_name="c", subcore_axis_name="s")

    @functools.partial(
        pl.kernel,
        out_type=jax.ShapeDtypeStruct((NUM_SC * NPAD, D_F), _F32),
        mesh=mesh,
        scratch_types=[pltpu.VMEM((ECH, D_F), _F32),
                       pltpu.VMEM((ECH, D_F), _F32),
                       pltpu.VMEM((ECH,), jnp.int32),
                       pltpu.VMEM((ECH,), jnp.int32),
                       pltpu.VMEM_SHARED((NPAD, D_F), _F32),
                       pltpu.SemaphoreType.DMA,
                       pltpu.SemaphoreType.DMA],
    )
    def agg_k(m_hbm, dst_hbm, agg_hbm, mA, mB, iA, iB, sh_agg, lA_sem, lB_sem):
        cid = lax.axis_index("c")
        sid = lax.axis_index("s")
        wid = sid * NUM_SC + cid
        base = wid * EPW

        @pl.loop(0, ECH)
        def _(r):
            @pl.loop(0, D_F, step=16)
            def _(c):
                mA.at[r, pl.ds(c, 16)][...] = jnp.zeros((16,), _F32)

        @pl.loop(0, ROWS_PER_TILE // ECH)
        def _(j):
            pltpu.sync_copy(mA, sh_agg.at[pl.ds(sid * ROWS_PER_TILE + j * ECH, ECH)])

        plsc.subcore_barrier()

        def issue_loads(s, mbuf, ibuf, lsem):
            off = base + s * ECH
            pltpu.async_copy(m_hbm.at[pl.ds(off, ECH)], mbuf, lsem)
            pltpu.async_copy(dst_hbm.at[pl.ds(off, ECH)], ibuf, lsem)

        def step(s, mc, ic, lc, mn, inx, ln):
            pltpu.make_async_copy(m_hbm.at[pl.ds(0, ECH)], mc, lc).wait()
            pltpu.make_async_copy(dst_hbm.at[pl.ds(0, ECH)], ic, lc).wait()

            @pl.when(s < NCH - 1)
            def _():
                issue_loads(s + 1, mn, inx, ln)

            pltpu.sync_copy(mc, sh_agg.at[ic], add=True)

        issue_loads(0, mA, iA, lA_sem)

        @pl.loop(0, NCH)
        def _(s):
            @pl.when(s % 2 == 0)
            def _():
                step(s, mA, iA, lA_sem, mB, iB, lB_sem)

            @pl.when(s % 2 == 1)
            def _():
                step(s, mB, iB, lB_sem, mA, iA, lA_sem)

        plsc.subcore_barrier()
        r0 = sid * ROWS_PER_TILE
        pltpu.sync_copy(sh_agg.at[pl.ds(r0, ROWS_PER_TILE)],
                        agg_hbm.at[pl.ds(cid * NPAD + r0, ROWS_PER_TILE)])

    return agg_k(m, dst)


def _sc_cnt(dst):
    mesh = plsc.VectorSubcoreMesh(core_axis_name="c", subcore_axis_name="s")

    @functools.partial(
        pl.kernel,
        out_type=jax.ShapeDtypeStruct((NUM_SC * NPAD, D_F), _F32),
        mesh=mesh,
        scratch_types=[pltpu.VMEM((ECH, D_F), _F32),
                       pltpu.VMEM((ECH,), jnp.int32),
                       pltpu.VMEM((ECH,), jnp.int32),
                       pltpu.VMEM_SHARED((NPAD, D_F), _F32),
                       pltpu.SemaphoreType.DMA,
                       pltpu.SemaphoreType.DMA],
    )
    def cnt_k(dst_hbm, cnt_hbm, ones_v, iA, iB, sh_cnt, lA_sem, lB_sem):
        cid = lax.axis_index("c")
        sid = lax.axis_index("s")
        wid = sid * NUM_SC + cid
        base = wid * EPW

        @pl.loop(0, ECH)
        def _(r):
            @pl.loop(0, D_F, step=16)
            def _(c):
                ones_v.at[r, pl.ds(c, 16)][...] = jnp.zeros((16,), _F32)

        @pl.loop(0, ROWS_PER_TILE // ECH)
        def _(j):
            pltpu.sync_copy(ones_v, sh_cnt.at[pl.ds(sid * ROWS_PER_TILE + j * ECH, ECH)])

        @pl.loop(0, ECH)
        def _(r):
            @pl.loop(0, D_F, step=16)
            def _(c):
                ones_v.at[r, pl.ds(c, 16)][...] = jnp.full((16,), 1.0, _F32)

        plsc.subcore_barrier()

        def step(s, ic, lc, inx, ln):
            pltpu.make_async_copy(dst_hbm.at[pl.ds(0, ECH)], ic, lc).wait()

            @pl.when(s < NCH - 1)
            def _():
                pltpu.async_copy(dst_hbm.at[pl.ds(base + (s + 1) * ECH, ECH)], inx, ln)

            pltpu.sync_copy(ones_v, sh_cnt.at[ic], add=True)

        pltpu.async_copy(dst_hbm.at[pl.ds(base, ECH)], iA, lA_sem)

        @pl.loop(0, NCH)
        def _(s):
            @pl.when(s % 2 == 0)
            def _():
                step(s, iA, lA_sem, iB, lB_sem)

            @pl.when(s % 2 == 1)
            def _():
                step(s, iB, lB_sem, iA, lA_sem)

        plsc.subcore_barrier()
        r0 = sid * ROWS_PER_TILE
        pltpu.sync_copy(sh_cnt.at[pl.ds(r0, ROWS_PER_TILE)],
                        cnt_hbm.at[pl.ds(cid * NPAD + r0, ROWS_PER_TILE)])

    return cnt_k(dst)


def _node_body(h_ref, a0_ref, a1_ref, c0_ref, c1_ref, wn0h, wn0a, bn0, wn1, bn1,
               wn2, bn2, wo0, bo0, wo1, bo1, wo2, bo2, out_ref):
    cnt = c0_ref[...][:, 0:1] + c1_ref[...][:, 0:1]
    agg = (a0_ref[...] + a1_ref[...]) / jnp.maximum(cnt, 1.0)
    t = jax.nn.relu(_mm(h_ref[...], wn0h[...]) + _mm(agg, wn0a[...]) + bn0[...])
    t = jax.nn.relu(_mm(t, wn1[...]) + bn1[...])
    h2 = _mm(t, wn2[...]) + bn2[...]
    t = jax.nn.relu(_mm(h2, wo0[...]) + bo0[...])
    t = jax.nn.relu(_mm(t, wo1[...]) + bo1[...])
    out_ref[...] = _mm(t, wo2[...]) + bo2[...]


def _node_mlp(h, a0, a1, c0, c1, Wn0h, Wn0a, bn0, Wn1, bn1, Wn2, bn2,
              Wo0, bo0, Wo1, bo1, Wo2, bo2):
    full = lambda a: pl.BlockSpec(a.shape, lambda i: (0,) * a.ndim)
    row = lambda d: pl.BlockSpec((NBLK, d), lambda i: (i, 0))
    ws = (Wn0h, Wn0a, bn0, Wn1, bn1, Wn2, bn2, Wo0, bo0, Wo1, bo1, Wo2, bo2)
    return pl.pallas_call(
        _node_body,
        grid=(N // NBLK,),
        in_specs=[row(D_F), row(D_F), row(D_F), row(D_F), row(D_F)]
                 + [full(w) for w in ws],
        out_specs=pl.BlockSpec((NBLK, NCLS), lambda i: (i, 0)),
        out_shape=jax.ShapeDtypeStruct((N, NCLS), _F32),
    )(h, a0, a1, c0, c1, *ws)


def kernel(x, edge_index, edge_attr, We0, be0, We1, be1, We2, be2,
           Wi0, bi0, Wi1, bi1, Wi2, bi2, Wn0, bn0, Wn1, bn1, Wn2, bn2,
           Wo0, bo0, Wo1, bo1, Wo2, bo2):
    src = edge_index[0]
    dst = edge_index[1]
    r1 = lambda b: b.reshape(1, -1)

    cnt_flat = _sc_cnt(dst)
    h = _encode(x, We0, r1(be0), We1, r1(be1), We2, r1(be2))
    gs, gd = _sc_gather(h, src, dst)
    bf = jnp.bfloat16
    m = _edge_mlp(gs, gd, edge_attr,
                  Wi0[:D_F].astype(bf), Wi0[D_F:2 * D_F].astype(bf),
                  Wi0[2 * D_F:].astype(bf), r1(bi0),
                  Wi1.astype(bf), r1(bi1), Wi2.astype(bf), r1(bi2))
    agg_flat = _sc_agg(m, dst)
    aggp = agg_flat.reshape(NUM_SC, NPAD, D_F)[:, :N]
    cntp = cnt_flat.reshape(NUM_SC, NPAD, D_F)[:, :N]
    out = _node_mlp(h, aggp[0], aggp[1], cntp[0], cntp[1],
                    Wn0[:D_F], Wn0[D_F:], r1(bn0), Wn1, r1(bn1), Wn2, r1(bn2),
                    Wo0, r1(bo0), Wo1, r1(bo1), Wo2, r1(bo2))
    return out

# --- scband reference (transcript-rebuilt; emitter-appended) ---
"""Pipeline reference for scband-cell-fate-net-83854941487285 (READ-ONLY COPY).

The authoritative reference and input builder live on the scoring server;
editing this copy changes nothing except your own understanding.
"""

import jax, jax.numpy as jnp
import numpy as np

N = 10000
E = 320000
D_IN = 128
D_F = 128
D_H = 256
D_E = 16
NC = 10


def _mlp(h, Ws, bs):
    n = len(Ws)
    for i in range(n):
        h = h @ Ws[i] + bs[i]
        if i < n - 1:
            h = jax.nn.relu(h)
    return h


def setup_inputs(seed: int = 0):
    key = jax.random.key(seed)
    ks = jax.random.split(key, 16)

    def lin(k, fi, fo):
        k1, k2 = jax.random.split(k)
        s = 1.0 / np.sqrt(fi)
        W = jax.random.uniform(k1, (fi, fo), jnp.float32, -s, s)
        b = jax.random.uniform(k2, (fo,), jnp.float32, -s, s)
        return W, b

    inp = {}
    inp["x"] = jax.random.normal(ks[0], (N, D_IN), dtype=jnp.float32)
    inp["edge_index"] = jax.random.randint(ks[1], (2, E), 0, N, dtype=jnp.int32)
    inp["edge_attr"] = jax.random.normal(ks[2], (E, D_E), dtype=jnp.float32)
    inp["We0"], inp["be0"] = lin(ks[3], D_IN, D_H)
    inp["We1"], inp["be1"] = lin(ks[4], D_H, D_H)
    inp["We2"], inp["be2"] = lin(ks[5], D_H, D_F)
    inp["Wi0"], inp["bi0"] = lin(ks[6], 2 * D_F + D_E, D_H)
    inp["Wi1"], inp["bi1"] = lin(ks[7], D_H, D_H)
    inp["Wi2"], inp["bi2"] = lin(ks[8], D_H, D_F)
    inp["Wn0"], inp["bn0"] = lin(ks[9], 2 * D_F, D_H)
    inp["Wn1"], inp["bn1"] = lin(ks[10], D_H, D_H)
    inp["Wn2"], inp["bn2"] = lin(ks[11], D_H, D_F)
    inp["Wo0"], inp["bo0"] = lin(ks[12], D_F, D_H)
    inp["Wo1"], inp["bo1"] = lin(ks[13], D_H, D_H)
    inp["Wo2"], inp["bo2"] = lin(ks[14], D_H, NC)
    return inp


def reference(x, edge_index, edge_attr, We0, be0, We1, be1, We2, be2, Wi0, bi0, Wi1, bi1, Wi2, bi2, Wn0, bn0, Wn1, bn1, Wn2, bn2, Wo0, bo0, Wo1, bo1, Wo2, bo2):
    # encode node raw features -> latent
    h = _mlp(x, (We0, We1, We2), (be0, be1, be2))
    src = edge_index[0]
    dst = edge_index[1]
    # per-edge interaction MLP on concat(src latent, dst latent, edge feats)  (skip=0, edge_switch=1)
    e_in = jnp.concatenate([h[src], h[dst], edge_attr], axis=1)
    m = _mlp(e_in, (Wi0, Wi1, Wi2), (bi0, bi1, bi2))
    # mean aggregation to destination nodes (average_switch=1)
    agg = jax.ops.segment_sum(m, dst, num_segments=N)
    cnt = jax.ops.segment_sum(jnp.ones((E, 1), dtype=m.dtype), dst, num_segments=N)
    agg = agg / jnp.clip(cnt, 1.0, None)
    # node update MLP on concat(node latent, aggregated message)  (skip=0)
    h2 = _mlp(jnp.concatenate([h, agg], axis=1), (Wn0, Wn1, Wn2), (bn0, bn1, bn2))
    # decode to celltype logits
    out = _mlp(h2, (Wo0, Wo1, Wo2), (bo0, bo1, bo2))
    return out

if __name__ == "__main__":
    import jax
    _d = setup_inputs()
    print(jax.jit(kernel)(*tuple(_d.values())))

</pallas_src>

<mosaic_0001>
#map = affine_map<(d0, d1) -> (0, 0)>
#map1 = affine_map<(d0, d1) -> (0)>
module attributes {stable_mosaic.version = 14 : i64} {
  func.func @agg_k(%arg0: i32, %arg1: i32, %arg2: memref<320000x128xf32, #tpu.memory_space<hbm>>, %arg3: memref<320000xi32, #tpu.memory_space<hbm>>, %arg4: memref<20480x128xf32, #tpu.memory_space<hbm>>, %arg5: memref<80x128xf32, #tpu.memory_space<vmem>>, %arg6: memref<80x128xf32, #tpu.memory_space<vmem>>, %arg7: memref<80xi32, #tpu.memory_space<vmem>>, %arg8: memref<80xi32, #tpu.memory_space<vmem>>, %arg9: memref<10240x128xf32, #tpu.memory_space<vmem_shared>>, %arg10: memref<!tpu.dma_semaphore, #tpu.memory_space<semaphore_mem>>, %arg11: memref<!tpu.dma_semaphore, #tpu.memory_space<semaphore_mem>>) attributes {dimension_semantics = [#tpu.dimension_semantics<core_parallel>, #tpu.dimension_semantics<subcore_parallel>], iteration_bounds = array<i64: 2, 16>, scalar_prefetch = 0 : i64, scratch_operands = 7 : i64, tpu.core_type = #tpu.core_type<sc_vector_subcore>, window_params = [{transform_indices = #map}, {transform_indices = #map1}, {transform_indices = #map}]} {
    %mul3A = arith.constant 2 : i32
    %mul3A_0 = arith.muli %arg1, %mul3A : i32
    %add3A = arith.addi %mul3A_0, %arg0 : i32
    %mul3A_1 = arith.constant 10000 : i32
    %mul3A_2 = arith.muli %add3A, %mul3A_1 : i32
    %scan3A = arith.constant 0 : i32
    %scan3A_3 = arith.constant 80 : i32
    %scan3A_4 = arith.addi %scan3A, %scan3A_3 : i32
    %scan3A_5 = arith.constant 1 : i32
    scf.for %scan3A_30 = %scan3A to %scan3A_4 step %scan3A_5  : i32 {
      %mul3A_31 = arith.constant 1 : i32
      %mul3A_32 = arith.muli %scan3A_30, %mul3A_31 : i32
      %add3A_33 = arith.constant 0 : i32
      %add3A_34 = arith.addi %add3A_33, %mul3A_32 : i32
      %scan3A_35 = arith.constant 0 : i32
      %scan3A_36 = arith.constant 8 : i32
      %scan3A_37 = arith.addi %scan3A_35, %scan3A_36 : i32
      %scan3A_38 = arith.constant 1 : i32
      scf.for %scan3A_40 = %scan3A_35 to %scan3A_37 step %scan3A_38  : i32 {
        %mul3A_41 = arith.constant 16 : i32
        %mul3A_42 = arith.muli %scan3A_40, %mul3A_41 : i32
        %add3A_43 = arith.constant 0 : i32
        %add3A_44 = arith.addi %add3A_43, %mul3A_42 : i32
        %broadcast_in_dim3A = arith.constant 0.000000e+00 : f32
        %broadcast_in_dim3A_45 = vector.broadcast %broadcast_in_dim3A : f32 to vector<16xf32>
        %swap3A = arith.index_cast %add3A_34 : i32 to index
        %swap3A_46 = arith.index_cast %add3A_44 : i32 to index
        %swap3A_47 = tpu.vector_load %arg5[%swap3A, %swap3A_46] {strides = array<i32>} : memref<80x128xf32, #tpu.memory_space<vmem>>, vector<1x16xf32>,
        %swap3A_48 = vector.shape_cast %swap3A_47 : vector<1x16xf32> to vector<16xf32>
        %swap3A_49 = vector.shape_cast %broadcast_in_dim3A_45 : vector<16xf32> to vector<1x16xf32>
        tpu.vector_store %arg5[%swap3A, %swap3A_46], %swap3A_49 {strides = array<i32>} : memref<80x128xf32, #tpu.memory_space<vmem>>, vector<1x16xf32>,
      }
      %scan3A_39 = arith.constant 8 : i32
    }
    %scan3A_6 = arith.constant 80 : i32
    %scan3A_7 = arith.constant 0 : i32
    %scan3A_8 = arith.constant 8 : i32
    %scan3A_9 = arith.addi %scan3A_7, %scan3A_8 : i32
    %scan3A_10 = arith.constant 1 : i32
    scf.for %scan3A_30 = %scan3A_7 to %scan3A_9 step %scan3A_10  : i32 {
      %mul3A_31 = arith.constant 1 : i32
      %mul3A_32 = arith.muli %scan3A_30, %mul3A_31 : i32
      %add3A_33 = arith.constant 0 : i32
      %add3A_34 = arith.addi %add3A_33, %mul3A_32 : i32
      %mul3A_35 = arith.constant 640 : i32
      %mul3A_36 = arith.muli %arg1, %mul3A_35 : i32
      %mul3A_37 = arith.constant 80 : i32
      %mul3A_38 = arith.muli %add3A_34, %mul3A_37 : i32
      %add3A_39 = arith.addi %mul3A_36, %mul3A_38 : i32
      "tpu.region"() ({
        %run_scoped3A = tpu.sem_alloc : memref<!tpu.dma_semaphore, #tpu.memory_space<semaphore_mem>>
        %dma_start3A_40 = arith.constant 0 : i32
        %dma_start3A_41 = tpu.memref_slice %arg9[%add3A_39, %dma_start3A_40] : memref<10240x128xf32, #tpu.memory_space<vmem_shared>> -> memref<80x128xf32, #tpu.memory_space<vmem_shared>>
        %dma_start3A_42 = arith.constant 0 : i32
        %dma_start3A_43 = tpu.memref_slice %arg9[%add3A_39, %dma_start3A_42] : memref<10240x128xf32, #tpu.memory_space<vmem_shared>> -> memref<80x128xf32, #tpu.memory_space<vmem_shared>>
        tpu.enqueue_dma source(%arg5 : memref<80x128xf32, #tpu.memory_space<vmem>>) target(%dma_start3A_43 : memref<80x128xf32, #tpu.memory_space<vmem_shared>>) target_semaphore(%run_scoped3A : memref<!tpu.dma_semaphore, #tpu.memory_space<semaphore_mem>>)
        %dma_wait3A = arith.constant 0 : i32
        %dma_wait3A_44 = tpu.memref_slice %arg9[%add3A_39, %dma_wait3A] : memref<10240x128xf32, #tpu.memory_space<vmem_shared>> -> memref<80x128xf32, #tpu.memory_space<vmem_shared>>
        %dma_wait3A_45 = arith.constant 0 : i32
        %dma_wait3A_46 = tpu.memref_slice %arg9[%add3A_39, %dma_wait3A_45] : memref<10240x128xf32, #tpu.memory_space<vmem_shared>> -> memref<80x128xf32, #tpu.memory_space<vmem_shared>>
        tpu.wait_dma2 semaphore(%run_scoped3A : memref<!tpu.dma_semaphore, #tpu.memory_space<semaphore_mem>>) src(%arg5 : memref<80x128xf32, #tpu.memory_space<vmem>>) dst(%dma_wait3A_46 : memref<80x128xf32, #tpu.memory_space<vmem_shared>>)
        tpu.yield
      }) : () -> ()
    }
    %scan3A_11 = arith.constant 8 : i32
    %barrier3A = arith.constant 0 : index
    tpu.barrier barrier_id(%barrier3A)
    %add3A_12 = arith.constant 0 : i32
    %add3A_13 = arith.addi %mul3A_2, %add3A_12 : i32
    %dma_start3A = arith.constant 0 : i32
    %dma_start3A_14 = tpu.memref_slice %arg2[%add3A_13, %dma_start3A] : memref<320000x128xf32, #tpu.memory_space<hbm>> -> memref<80x128xf32, #tpu.memory_space<hbm>>
    %dma_start3A_15 = arith.constant 0 : i32
    %dma_start3A_16 = tpu.memref_slice %arg2[%add3A_13, %dma_start3A_15] : memref<320000x128xf32, #tpu.memory_space<hbm>> -> memref<80x128xf32, #tpu.memory_space<hbm>>
    tpu.enqueue_dma source(%dma_start3A_16 : memref<80x128xf32, #tpu.memory_space<hbm>>) target(%arg5 : memref<80x128xf32, #tpu.memory_space<vmem>>) target_semaphore(%arg10 : memref<!tpu.dma_semaphore, #tpu.memory_space<semaphore_mem>>)
    %dma_start3A_17 = tpu.memref_slice %arg3[%add3A_13] : memref<320000xi32, #tpu.memory_space<hbm>> -> memref<80xi32, #tpu.memory_space<hbm>>
    %dma_start3A_18 = tpu.memref_slice %arg3[%add3A_13] : memref<320000xi32, #tpu.memory_space<hbm>> -> memref<80xi32, #tpu.memory_space<hbm>>
    tpu.enqueue_dma source(%dma_start3A_18 : memref<80xi32, #tpu.memory_space<hbm>>) target(%arg7 : memref<80xi32, #tpu.memory_space<vmem>>) target_semaphore(%arg10 : memref<!tpu.dma_semaphore, #tpu.memory_space<semaphore_mem>>)
    %scan3A_19 = arith.constant 0 : i32
    %scan3A_20 = arith.constant 125 : i32
    %scan3A_21 = arith.addi %scan3A_19, %scan3A_20 : i32
    %scan3A_22 = arith.constant 1 : i32
    scf.for %scan3A_30 = %scan3A_19 to %scan3A_21 step %scan3A_22  : i32 {
      %mul3A_31 = arith.constant 1 : i32
      %mul3A_32 = arith.muli %scan3A_30, %mul3A_31 : i32
      %add3A_33 = arith.constant 0 : i32
      %add3A_34 = arith.addi %add3A_33, %mul3A_32 : i32
      %jit3A = arith.constant 2 : i32
      %eq3A = arith.constant 0 : i32
      %eq3A_35 = arith.cmpi eq, %jit3A, %eq3A : i32
      %jit3A_36 = arith.constant 1 : i32
      %select_n3A = arith.select %eq3A_35, %jit3A_36, %jit3A : i32
      %rem3A = arith.remsi %add3A_34, %select_n3A : i32
      %ne3A = arith.constant 0 : i32
      %ne3A_37 = arith.cmpi ne, %rem3A, %ne3A : i32
      %lt3A = arith.constant 0 : i32
      %lt3A_38 = arith.cmpi slt, %rem3A, %lt3A : i32
      %lt3A_39 = arith.constant 0 : i32
      %lt3A_40 = arith.cmpi slt, %select_n3A, %lt3A_39 : i32
      %ne3A_41 = arith.xori %lt3A_38, %lt3A_40 : i1
      %and3A = arith.andi %ne3A_41, %ne3A_37 : i1
      %add3A_42 = arith.addi %rem3A, %select_n3A : i32
      %select_n3A_43 = arith.select %and3A, %add3A_42, %rem3A : i32
      %eq3A_44 = arith.constant 0 : i32
      %eq3A_45 = arith.cmpi eq, %select_n3A_43, %eq3A_44 : i32
      %convert_element_type3A = arith.extui %eq3A_45 : i1 to i32
      %cond3A = arith.constant 0 : i32
      %cond3A_46 = arith.cmpi ne, %convert_element_type3A, %cond3A : i32
      scf.if %cond3A_46 {
        %dma_wait3A = arith.constant 0 : i32
        %dma_wait3A_68 = arith.constant 0 : i32
        %dma_wait3A_69 = tpu.memref_slice %arg2[%dma_wait3A, %dma_wait3A_68] : memref<320000x128xf32, #tpu.memory_space<hbm>> -> memref<80x128xf32, #tpu.memory_space<hbm>>
        %dma_wait3A_70 = arith.constant 0 : i32
        %dma_wait3A_71 = arith.constant 0 : i32
        %dma_wait3A_72 = tpu.memref_slice %arg2[%dma_wait3A_70, %dma_wait3A_71] : memref<320000x128xf32, #tpu.memory_space<hbm>> -> memref<80x128xf32, #tpu.memory_space<hbm>>
        tpu.wait_dma2 semaphore(%arg10 : memref<!tpu.dma_semaphore, #tpu.memory_space<semaphore_mem>>) src(%dma_wait3A_72 : memref<80x128xf32, #tpu.memory_space<hbm>>) dst(%arg5 : memref<80x128xf32, #tpu.memory_space<vmem>>)
        %dma_wait3A_73 = arith.constant 0 : i32
        %dma_wait3A_74 = tpu.memref_slice %arg3[%dma_wait3A_73] : memref<320000xi32, #tpu.memory_space<hbm>> -> memref<80xi32, #tpu.memory_space<hbm>>
        %dma_wait3A_75 = arith.constant 0 : i32
        %dma_wait3A_76 = tpu.memref_slice %arg3[%dma_wait3A_75] : memref<320000xi32, #tpu.memory_space<hbm>> -> memref<80xi32, #tpu.memory_space<hbm>>
        tpu.wait_dma2 semaphore(%arg10 : memref<!tpu.dma_semaphore, #tpu.memory_space<semaphore_mem>>) src(%dma_wait3A_76 : memref<80xi32, #tpu.memory_space<hbm>>) dst(%arg7 : memref<80xi32, #tpu.memory_space<vmem>>)
        %lt3A_77 = arith.constant 124 : i32
        %lt3A_78 = arith.cmpi slt, %add3A_34, %lt3A_77 : i32
        %convert_element_type3A_79 = arith.extui %lt3A_78 : i1 to i32
        %cond3A_80 = arith.constant 0 : i32
        %cond3A_81 = arith.cmpi ne, %convert_element_type3A_79, %cond3A_80 : i32
        scf.if %cond3A_81 {
          %add3A_82 = arith.constant 1 : i32
          %add3A_83 = arith.addi %add3A_34, %add3A_82 : i32
          %mul3A_84 = arith.constant 80 : i32
          %mul3A_85 = arith.muli %add3A_83, %mul3A_84 : i32
          %add3A_86 = arith.addi %mul3A_2, %mul3A_85 : i32
          %dma_start3A_87 = arith.constant 0 : i32
          %dma_start3A_88 = tpu.memref_slice %arg2[%add3A_86, %dma_start3A_87] : memref<320000x128xf32, #tpu.memory_space<hbm>> -> memref<80x128xf32, #tpu.memory_space<hbm>>
          %dma_start3A_89 = arith.constant 0 : i32
          %dma_start3A_90 = tpu.memref_slice %arg2[%add3A_86, %dma_start3A_89] : memref<320000x128xf32, #tpu.memory_space<hbm>> -> memref<80x128xf32, #tpu.memory_space<hbm>>
          tpu.enqueue_dma source(%dma_start3A_90 : memref<80x128xf32, #tpu.memory_space<hbm>>) target(%arg6 : memref<80x128xf32, #tpu.memory_space<vmem>>) target_semaphore(%arg11 : memref<!tpu.dma_semaphore, #tpu.memory_space<semaphore_mem>>)
          %dma_start3A_91 = tpu.memref_slice %arg3[%add3A_86] : memref<320000xi32, #tpu.memory_space<hbm>> -> memref<80xi32, #tpu.memory_space<hbm>>
          %dma_start3A_92 = tpu.memref_slice %arg3[%add3A_86] : memref<320000xi32, #tpu.memory_space<hbm>> -> memref<80xi32, #tpu.memory_space<hbm>>
          tpu.enqueue_dma source(%dma_start3A_92 : memref<80xi32, #tpu.memory_space<hbm>>) target(%arg8 : memref<80xi32, #tpu.memory_space<vmem>>) target_semaphore(%arg11 : memref<!tpu.dma_semaphore, #tpu.memory_space<semaphore_mem>>)
        } else {
        }
        "tpu.region"() ({
          %run_scoped3A = tpu.sem_alloc : memref<!tpu.dma_semaphore, #tpu.memory_space<semaphore_mem>>
          %dma_start3A_82 = arith.constant 0 : i32
          %dma_start3A_83 = arith.constant 0 : i32
          %dma_start3A_84 = tpu.memref_slice %arg9[%dma_start3A_82, %dma_start3A_83] : memref<10240x128xf32, #tpu.memory_space<vmem_shared>> -> memref<10240x128xf32, #tpu.memory_space<vmem_shared>>
          tpu.enqueue_indirect_dma source(%arg5 : memref<80x128xf32, #tpu.memory_space<vmem>>) target(%dma_start3A_84 : memref<10240x128xf32, #tpu.memory_space<vmem_shared>>) offsets(%arg7 : memref<80xi32, #tpu.memory_space<vmem>>) semaphore(%run_scoped3A : memref<!tpu.dma_semaphore, #tpu.memory_space<semaphore_mem>>) {add = true}
          %dma_wait3A_85 = arith.constant 0 : i32
          %dma_wait3A_86 = arith.constant 0 : i32
          %dma_wait3A_87 = tpu.memref_slice %arg9[%dma_wait3A_85, %dma_wait3A_86] : memref<10240x128xf32, #tpu.memory_space<vmem_shared>> -> memref<10240x128xf32, #tpu.memory_space<vmem_shared>>
          tpu.wait_indirect_dma semaphore(%run_scoped3A : memref<!tpu.dma_semaphore, #tpu.memory_space<semaphore_mem>>) src(%arg5 : memref<80x128xf32, #tpu.memory_space<vmem>>) dst(%dma_wait3A_87 : memref<10240x128xf32, #tpu.memory_space<vmem_shared>>)
          tpu.yield
        }) : () -> ()
      } else {
      }
      %jit3A_47 = arith.constant 2 : i32
      %eq3A_48 = arith.constant 0 : i32
      %eq3A_49 = arith.cmpi eq, %jit3A_47, %eq3A_48 : i32
      %jit3A_50 = arith.constant 1 : i32
      %select_n3A_51 = arith.select %eq3A_49, %jit3A_50, %jit3A_47 : i32
      %rem3A_52 = arith.remsi %add3A_34, %select_n3A_51 : i32
      %ne3A_53 = arith.constant 0 : i32
      %ne3A_54 = arith.cmpi ne, %rem3A_52, %ne3A_53 : i32
      %lt3A_55 = arith.constant 0 : i32
      %lt3A_56 = arith.cmpi slt, %rem3A_52, %lt3A_55 : i32
      %lt3A_57 = arith.constant 0 : i32
      %lt3A_58 = arith.cmpi slt, %select_n3A_51, %lt3A_57 : i32
      %ne3A_59 = arith.xori %lt3A_56, %lt3A_58 : i1
      %and3A_60 = arith.andi %ne3A_59, %ne3A_54 : i1
      %add3A_61 = arith.addi %rem3A_52, %select_n3A_51 : i32
      %select_n3A_62 = arith.select %and3A_60, %add3A_61, %rem3A_52 : i32
      %eq3A_63 = arith.constant 1 : i32
      %eq3A_64 = arith.cmpi eq, %select_n3A_62, %eq3A_63 : i32
      %convert_element_type3A_65 = arith.extui %eq3A_64 : i1 to i32
      %cond3A_66 = arith.constant 0 : i32
      %cond3A_67 = arith.cmpi ne, %convert_element_type3A_65, %cond3A_66 : i32
      scf.if %cond3A_67 {
        %dma_wait3A = arith.constant 0 : i32
        %dma_wait3A_68 = arith.constant 0 : i32
        %dma_wait3A_69 = tpu.memref_slice %arg2[%dma_wait3A, %dma_wait3A_68] : memref<320000x128xf32, #tpu.memory_space<hbm>> -> memref<80x128xf32, #tpu.memory_space<hbm>>
        %dma_wait3A_70 = arith.constant 0 : i32
        %dma_wait3A_71 = arith.constant 0 : i32
        %dma_wait3A_72 = tpu.memref_slice %arg2[%dma_wait3A_70, %dma_wait3A_71] : memref<320000x128xf32, #tpu.memory_space<hbm>> -> memref<80x128xf32, #tpu.memory_space<hbm>>
        tpu.wait_dma2 semaphore(%arg11 : memref<!tpu.dma_semaphore, #tpu.memory_space<semaphore_mem>>) src(%dma_wait3A_72 : memref<80x128xf32, #tpu.memory_space<hbm>>) dst(%arg6 : memref<80x128xf32, #tpu.memory_space<vmem>>)
        %dma_wait3A_73 = arith.constant 0 : i32
        %dma_wait3A_74 = tpu.memref_slice %arg3[%dma_wait3A_73] : memref<320000xi32, #tpu.memory_space<hbm>> -> memref<80xi32, #tpu.memory_space<hbm>>
        %dma_wait3A_75 = arith.constant 0 : i32
        %dma_wait3A_76 = tpu.memref_slice %arg3[%dma_wait3A_75] : memref<320000xi32, #tpu.memory_space<hbm>> -> memref<80xi32, #tpu.memory_space<hbm>>
        tpu.wait_dma2 semaphore(%arg11 : memref<!tpu.dma_semaphore, #tpu.memory_space<semaphore_mem>>) src(%dma_wait3A_76 : memref<80xi32, #tpu.memory_space<hbm>>) dst(%arg8 : memref<80xi32, #tpu.memory_space<vmem>>)
        %lt3A_77 = arith.constant 124 : i32
        %lt3A_78 = arith.cmpi slt, %add3A_34, %lt3A_77 : i32
        %convert_element_type3A_79 = arith.extui %lt3A_78 : i1 to i32
        %cond3A_80 = arith.constant 0 : i32
        %cond3A_81 = arith.cmpi ne, %convert_element_type3A_79, %cond3A_80 : i32
        scf.if %cond3A_81 {
          %add3A_82 = arith.constant 1 : i32
          %add3A_83 = arith.addi %add3A_34, %add3A_82 : i32
          %mul3A_84 = arith.constant 80 : i32
          %mul3A_85 = arith.muli %add3A_83, %mul3A_84 : i32
          %add3A_86 = arith.addi %mul3A_2, %mul3A_85 : i32
          %dma_start3A_87 = arith.constant 0 : i32
          %dma_start3A_88 = tpu.memref_slice %arg2[%add3A_86, %dma_start3A_87] : memref<320000x128xf32, #tpu.memory_space<hbm>> -> memref<80x128xf32, #tpu.memory_space<hbm>>
          %dma_start3A_89 = arith.constant 0 : i32
          %dma_start3A_90 = tpu.memref_slice %arg2[%add3A_86, %dma_start3A_89] : memref<320000x128xf32, #tpu.memory_space<hbm>> -> memref<80x128xf32, #tpu.memory_space<hbm>>
          tpu.enqueue_dma source(%dma_start3A_90 : memref<80x128xf32, #tpu.memory_space<hbm>>) target(%arg5 : memref<80x128xf32, #tpu.memory_space<vmem>>) target_semaphore(%arg10 : memref<!tpu.dma_semaphore, #tpu.memory_space<semaphore_mem>>)
          %dma_start3A_91 = tpu.memref_slice %arg3[%add3A_86] : memref<320000xi32, #tpu.memory_space<hbm>> -> memref<80xi32, #tpu.memory_space<hbm>>
          %dma_start3A_92 = tpu.memref_slice %arg3[%add3A_86] : memref<320000xi32, #tpu.memory_space<hbm>> -> memref<80xi32, #tpu.memory_space<hbm>>
          tpu.enqueue_dma source(%dma_start3A_92 : memref<80xi32, #tpu.memory_space<hbm>>) target(%arg7 : memref<80xi32, #tpu.memory_space<vmem>>) target_semaphore(%arg10 : memref<!tpu.dma_semaphore, #tpu.memory_space<semaphore_mem>>)
        } else {
        }
        "tpu.region"() ({
          %run_scoped3A = tpu.sem_alloc : memref<!tpu.dma_semaphore, #tpu.memory_space<semaphore_mem>>
          %dma_start3A_82 = arith.constant 0 : i32
          %dma_start3A_83 = arith.constant 0 : i32
          %dma_start3A_84 = tpu.memref_slice %arg9[%dma_start3A_82, %dma_start3A_83] : memref<10240x128xf32, #tpu.memory_space<vmem_shared>> -> memref<10240x128xf32, #tpu.memory_space<vmem_shared>>
          tpu.enqueue_indirect_dma source(%arg6 : memref<80x128xf32, #tpu.memory_space<vmem>>) target(%dma_start3A_84 : memref<10240x128xf32, #tpu.memory_space<vmem_shared>>) offsets(%arg8 : memref<80xi32, #tpu.memory_space<vmem>>) semaphore(%run_scoped3A : memref<!tpu.dma_semaphore, #tpu.memory_space<semaphore_mem>>) {add = true}
          %dma_wait3A_85 = arith.constant 0 : i32
          %dma_wait3A_86 = arith.constant 0 : i32
          %dma_wait3A_87 = tpu.memref_slice %arg9[%dma_wait3A_85, %dma_wait3A_86] : memref<10240x128xf32, #tpu.memory_space<vmem_shared>> -> memref<10240x128xf32, #tpu.memory_space<vmem_shared>>
          tpu.wait_indirect_dma semaphore(%run_scoped3A : memref<!tpu.dma_semaphore, #tpu.memory_space<semaphore_mem>>) src(%arg6 : memref<80x128xf32, #tpu.memory_space<vmem>>) dst(%dma_wait3A_87 : memref<10240x128xf32, #tpu.memory_space<vmem_shared>>)
          tpu.yield
        }) : () -> ()
      } else {
      }
    }
    %scan3A_23 = arith.constant 125 : i32
    %barrier3A_24 = arith.constant 0 : index
    tpu.barrier barrier_id(%barrier3A_24)
    %mul3A_25 = arith.constant 640 : i32
    %mul3A_26 = arith.muli %arg1, %mul3A_25 : i32
    %mul3A_27 = arith.constant 10240 : i32
    %mul3A_28 = arith.muli %arg0, %mul3A_27 : i32
    %add3A_29 = arith.addi %mul3A_28, %mul3A_26 : i32
    "tpu.region"() ({
      %run_scoped3A = tpu.sem_alloc : memref<!tpu.dma_semaphore, #tpu.memory_space<semaphore_mem>>
      %dma_start3A_30 = arith.constant 0 : i32
      %dma_start3A_31 = tpu.memref_slice %arg4[%add3A_29, %dma_start3A_30] : memref<20480x128xf32, #tpu.memory_space<hbm>> -> memref<640x128xf32, #tpu.memory_space<hbm>>
      %dma_start3A_32 = arith.constant 0 : i32
      %dma_start3A_33 = tpu.memref_slice %arg9[%mul3A_26, %dma_start3A_32] : memref<10240x128xf32, #tpu.memory_space<vmem_shared>> -> memref<640x128xf32, #tpu.memory_space<vmem_shared>>
      tpu.enqueue_dma source(%dma_start3A_33 : memref<640x128xf32, #tpu.memory_space<vmem_shared>>) target(%dma_start3A_31 : memref<640x128xf32, #tpu.memory_space<hbm>>) target_semaphore(%run_scoped3A : memref<!tpu.dma_semaphore, #tpu.memory_space<semaphore_mem>>)
      %dma_wait3A = arith.constant 0 : i32
      %dma_wait3A_34 = tpu.memref_slice %arg4[%add3A_29, %dma_wait3A] : memref<20480x128xf32, #tpu.memory_space<hbm>> -> memref<640x128xf32, #tpu.memory_space<hbm>>
      %dma_wait3A_35 = arith.constant 0 : i32
      %dma_wait3A_36 = tpu.memref_slice %arg9[%mul3A_26, %dma_wait3A_35] : memref<10240x128xf32, #tpu.memory_space<vmem_shared>> -> memref<640x128xf32, #tpu.memory_space<vmem_shared>>
      tpu.wait_dma2 semaphore(%run_scoped3A : memref<!tpu.dma_semaphore, #tpu.memory_space<semaphore_mem>>) src(%dma_wait3A_36 : memref<640x128xf32, #tpu.memory_space<vmem_shared>>) dst(%dma_wait3A_34 : memref<640x128xf32, #tpu.memory_space<hbm>>)
      tpu.yield
    }) : () -> ()
    return
  }
}

#map = affine_map<(d0, d1) -> (0, 0)>
#map1 = affine_map<(d0, d1) -> (0)>
module attributes {stable_mosaic.version = 14 : i64} {
  func.func @k(%arg0: i32, %arg1: i32, %arg2: memref<10000x128xf32, #tpu.memory_space<hbm>>, %arg3: memref<320000xi32, #tpu.memory_space<hbm>>, %arg4: memref<320000xi32, #tpu.memory_space<hbm>>, %arg5: memref<320000x128xf32, #tpu.memory_space<hbm>>, %arg6: memref<320000x128xf32, #tpu.memory_space<hbm>>, %arg7: memref<200xi32, #tpu.memory_space<vmem>>, %arg8: memref<200xi32, #tpu.memory_space<vmem>>, %arg9: memref<200x128xf32, #tpu.memory_space<vmem>>, %arg10: memref<200x128xf32, #tpu.memory_space<vmem>>, %arg11: memref<200xi32, #tpu.memory_space<vmem>>, %arg12: memref<200xi32, #tpu.memory_space<vmem>>, %arg13: memref<200x128xf32, #tpu.memory_space<vmem>>, %arg14: memref<200x128xf32, #tpu.memory_space<vmem>>, %arg15: memref<!tpu.dma_semaphore, #tpu.memory_space<semaphore_mem>>, %arg16: memref<!tpu.dma_semaphore, #tpu.memory_space<semaphore_mem>>, %arg17: memref<!tpu.dma_semaphore, #tpu.memory_space<semaphore_mem>>, %arg18: memref<!tpu.dma_semaphore, #tpu.memory_space<semaphore_mem>>, %arg19: memref<!tpu.dma_semaphore, #tpu.memory_space<semaphore_mem>>) attributes {dimension_semantics = [#tpu.dimension_semantics<core_parallel>, #tpu.dimension_semantics<subcore_parallel>], iteration_bounds = array<i64: 2, 16>, scalar_prefetch = 0 : i64, scratch_operands = 13 : i64, tpu.core_type = #tpu.core_type<sc_vector_subcore>, window_params = [{transform_indices = #map}, {transform_indices = #map1}, {transform_indices = #map1}, {transform_indices = #map}, {transform_indices = #map}]} {
    %mul3A = arith.constant 2 : i32
    %mul3A_0 = arith.muli %arg1, %mul3A : i32
    %add3A = arith.addi %mul3A_0, %arg0 : i32
    %mul3A_1 = arith.constant 10000 : i32
    %mul3A_2 = arith.muli %add3A, %mul3A_1 : i32
    %add3A_3 = arith.constant 0 : i32
    %add3A_4 = arith.addi %mul3A_2, %add3A_3 : i32
    %dma_start3A = tpu.memref_slice %arg3[%add3A_4] : memref<320000xi32, #tpu.memory_space<hbm>> -> memref<200xi32, #tpu.memory_space<hbm>>
    %dma_start3A_5 = tpu.memref_slice %arg3[%add3A_4] : memref<320000xi32, #tpu.memory_space<hbm>> -> memref<200xi32, #tpu.memory_space<hbm>>
    tpu.enqueue_dma source(%dma_start3A_5 : memref<200xi32, #tpu.memory_space<hbm>>) target(%arg7 : memref<200xi32, #tpu.memory_space<vmem>>) target_semaphore(%arg15 : memref<!tpu.dma_semaphore, #tpu.memory_space<semaphore_mem>>)
    %dma_start3A_6 = tpu.memref_slice %arg4[%add3A_4] : memref<320000xi32, #tpu.memory_space<hbm>> -> memref<200xi32, #tpu.memory_space<hbm>>
    %dma_start3A_7 = tpu.memref_slice %arg4[%add3A_4] : memref<320000xi32, #tpu.memory_space<hbm>> -> memref<200xi32, #tpu.memory_space<hbm>>
    tpu.enqueue_dma source(%dma_start3A_7 : memref<200xi32, #tpu.memory_space<hbm>>) target(%arg8 : memref<200xi32, #tpu.memory_space<vmem>>) target_semaphore(%arg15 : memref<!tpu.dma_semaphore, #tpu.memory_space<semaphore_mem>>)
    %scan3A = arith.constant 0 : i32
    %scan3A_8 = arith.constant 50 : i32
    %scan3A_9 = arith.addi %scan3A, %scan3A_8 : i32
    %scan3A_10 = arith.constant 1 : i32
    scf.for %scan3A_35 = %scan3A to %scan3A_9 step %scan3A_10  : i32 {
      %mul3A_36 = arith.constant 1 : i32
      %mul3A_37 = arith.muli %scan3A_35, %mul3A_36 : i32
      %add3A_38 = arith.constant 0 : i32
      %add3A_39 = arith.addi %add3A_38, %mul3A_37 : i32
      %jit3A = arith.constant 2 : i32
      %eq3A = arith.constant 0 : i32
      %eq3A_40 = arith.cmpi eq, %jit3A, %eq3A : i32
      %jit3A_41 = arith.constant 1 : i32
      %select_n3A = arith.select %eq3A_40, %jit3A_41, %jit3A : i32
      %rem3A = arith.remsi %add3A_39, %select_n3A : i32
      %ne3A = arith.constant 0 : i32
      %ne3A_42 = arith.cmpi ne, %rem3A, %ne3A : i32
      %lt3A = arith.constant 0 : i32
      %lt3A_43 = arith.cmpi slt, %rem3A, %lt3A : i32
      %lt3A_44 = arith.constant 0 : i32
      %lt3A_45 = arith.cmpi slt, %select_n3A, %lt3A_44 : i32
      %ne3A_46 = arith.xori %lt3A_43, %lt3A_45 : i1
      %and3A = arith.andi %ne3A_46, %ne3A_42 : i1
      %add3A_47 = arith.addi %rem3A, %select_n3A : i32
      %select_n3A_48 = arith.select %and3A, %add3A_47, %rem3A : i32
      %eq3A_49 = arith.constant 0 : i32
      %eq3A_50 = arith.cmpi eq, %select_n3A_48, %eq3A_49 : i32
      %convert_element_type3A = arith.extui %eq3A_50 : i1 to i32
      %cond3A = arith.constant 0 : i32
      %cond3A_51 = arith.cmpi ne, %convert_element_type3A, %cond3A : i32
      scf.if %cond3A_51 {
        %dma_wait3A_73 = arith.constant 0 : i32
        %dma_wait3A_74 = tpu.memref_slice %arg3[%dma_wait3A_73] : memref<320000xi32, #tpu.memory_space<hbm>> -> memref<200xi32, #tpu.memory_space<hbm>>
        %dma_wait3A_75 = arith.constant 0 : i32
        %dma_wait3A_76 = tpu.memref_slice %arg3[%dma_wait3A_75] : memref<320000xi32, #tpu.memory_space<hbm>> -> memref<200xi32, #tpu.memory_space<hbm>>
        tpu.wait_dma2 semaphore(%arg15 : memref<!tpu.dma_semaphore, #tpu.memory_space<semaphore_mem>>) src(%dma_wait3A_76 : memref<200xi32, #tpu.memory_space<hbm>>) dst(%arg7 : memref<200xi32, #tpu.memory_space<vmem>>)
        %dma_wait3A_77 = arith.constant 0 : i32
        %dma_wait3A_78 = tpu.memref_slice %arg4[%dma_wait3A_77] : memref<320000xi32, #tpu.memory_space<hbm>> -> memref<200xi32, #tpu.memory_space<hbm>>
        %dma_wait3A_79 = arith.constant 0 : i32
        %dma_wait3A_80 = tpu.memref_slice %arg4[%dma_wait3A_79] : memref<320000xi32, #tpu.memory_space<hbm>> -> memref<200xi32, #tpu.memory_space<hbm>>
        tpu.wait_dma2 semaphore(%arg15 : memref<!tpu.dma_semaphore, #tpu.memory_space<semaphore_mem>>) src(%dma_wait3A_80 : memref<200xi32, #tpu.memory_space<hbm>>) dst(%arg8 : memref<200xi32, #tpu.memory_space<vmem>>)
        %gt3A = arith.constant 1 : i32
        %gt3A_81 = arith.cmpi sgt, %add3A_39, %gt3A : i32
        %convert_element_type3A_82 = arith.extui %gt3A_81 : i1 to i32
        %cond3A_83 = arith.constant 0 : i32
        %cond3A_84 = arith.cmpi ne, %convert_element_type3A_82, %cond3A_83 : i32
        scf.if %cond3A_84 {
          %dma_wait3A_261 = arith.constant 0 : i32
          %dma_wait3A_262 = arith.constant 0 : i32
          %dma_wait3A_263 = tpu.memref_slice %arg5[%dma_wait3A_261, %dma_wait3A_262] : memref<320000x128xf32, #tpu.memory_space<hbm>> -> memref<200x128xf32, #tpu.memory_space<hbm>>
          %dma_wait3A_264 = arith.constant 0 : i32
          %dma_wait3A_265 = arith.constant 0 : i32
          %dma_wait3A_266 = tpu.memref_slice %arg5[%dma_wait3A_264, %dma_wait3A_265] : memref<320000x128xf32, #tpu.memory_space<hbm>> -> memref<200x128xf32, #tpu.memory_space<hbm>>
          tpu.wait_dma2 semaphore(%arg18 : memref<!tpu.dma_semaphore, #tpu.memory_space<semaphore_mem>>) src(%arg9 : memref<200x128xf32, #tpu.memory_space<vmem>>) dst(%dma_wait3A_266 : memref<200x128xf32, #tpu.memory_space<hbm>>)
          %dma_wait3A_267 = arith.constant 0 : i32
          %dma_wait3A_268 = arith.constant 0 : i32
          %dma_wait3A_269 = tpu.memref_slice %arg6[%dma_wait3A_267, %dma_wait3A_268] : memref<320000x128xf32, #tpu.memory_space<hbm>> -> memref<200x128xf32, #tpu.memory_space<hbm>>
          %dma_wait3A_270 = arith.constant 0 : i32
          %dma_wait3A_271 = arith.constant 0 : i32
          %dma_wait3A_272 = tpu.memref_slice %arg6[%dma_wait3A_270, %dma_wait3A_271] : memref<320000x128xf32, #tpu.memory_space<hbm>> -> memref<200x128xf32, #tpu.memory_space<hbm>>
          tpu.wait_dma2 semaphore(%arg18 : memref<!tpu.dma_semaphore, #tpu.memory_space<semaphore_mem>>) src(%arg10 : memref<200x128xf32, #tpu.memory_space<vmem>>) dst(%dma_wait3A_272 : memref<200x128xf32, #tpu.memory_space<hbm>>)
        } else {
        }
        %dma_start3A_85 = arith.constant 0 : i32
        %dma_start3A_86 = arith.constant 0 : i32
        %dma_start3A_87 = tpu.memref_slice %arg9[%dma_start3A_85, %dma_start3A_86] : memref<200x128xf32, #tpu.memory_space<vmem>> -> memref<40x128xf32, #tpu.memory_space<vmem>>
        %dma_start3A_88 = arith.constant 0 : i32
        %dma_start3A_89 = tpu.memref_slice %arg7[%dma_start3A_88] : memref<200xi32, #tpu.memory_space<vmem>> -> memref<40xi32, #tpu.memory_space<vmem>>
        %dma_start3A_90 = arith.constant 0 : i32
        %dma_start3A_91 = arith.constant 0 : i32
        %dma_start3A_92 = tpu.memref_slice %arg2[%dma_start3A_90, %dma_start3A_91] : memref<10000x128xf32, #tpu.memory_space<hbm>> -> memref<10000x128xf32, #tpu.memory_space<hbm>>
        tpu.enqueue_indirect_dma source(%dma_start3A_92 : memref<10000x128xf32, #tpu.memory_space<hbm>>) target(%dma_start3A_87 : memref<40x128xf32, #tpu.memory_space<vmem>>) offsets(%dma_start3A_89 : memref<40xi32, #tpu.memory_space<vmem>>) semaphore(%arg17 : memref<!tpu.dma_semaphore, #tpu.memory_space<semaphore_mem>>)
        %dma_start3A_93 = arith.constant 0 : i32
        %dma_start3A_94 = arith.constant 0 : i32
        %dma_start3A_95 = tpu.memref_slice %arg10[%dma_start3A_93, %dma_start3A_94] : memref<200x128xf32, #tpu.memory_space<vmem>> -> memref<40x128xf32, #tpu.memory_space<vmem>>
        %dma_start3A_96 = arith.constant 0 : i32
        %dma_start3A_97 = tpu.memref_slice %arg8[%dma_start3A_96] : memref<200xi32, #tpu.memory_space<vmem>> -> memref<40xi32, #tpu.memory_space<vmem>>
        %dma_start3A_98 = arith.constant 0 : i32
        %dma_start3A_99 = arith.constant 0 : i32
        %dma_start3A_100 = tpu.memref_slice %arg2[%dma_start3A_98, %dma_start3A_99] : memref<10000x128xf32, #tpu.memory_space<hbm>> -> memref<10000x128xf32, #tpu.memory_space<hbm>>
        tpu.enqueue_indirect_dma source(%dma_start3A_100 : memref<10000x128xf32, #tpu.memory_space<hbm>>) target(%dma_start3A_95 : memref<40x128xf32, #tpu.memory_space<vmem>>) offsets(%dma_start3A_97 : memref<40xi32, #tpu.memory_space<vmem>>) semaphore(%arg17 : memref<!tpu.dma_semaphore, #tpu.memory_space<semaphore_mem>>)
        %dma_start3A_101 = arith.constant 40 : i32
        %dma_start3A_102 = arith.constant 0 : i32
        %dma_start3A_103 = tpu.memref_slice %arg9[%dma_start3A_101, %dma_start3A_102] : memref<200x128xf32, #tpu.memory_space<vmem>> -> memref<40x128xf32, #tpu.memory_space<vmem>>
        %dma_start3A_104 = arith.constant 40 : i32
        %dma_start3A_105 = tpu.memref_slice %arg7[%dma_start3A_104] : memref<200xi32, #tpu.memory_space<vmem>> -> memref<40xi32, #tpu.memory_space<vmem>>
        %dma_start3A_106 = arith.constant 0 : i32
        %dma_start3A_107 = arith.constant 0 : i32
        %dma_start3A_108 = tpu.memref_slice %arg2[%dma_start3A_106, %dma_start3A_107] : memref<10000x128xf32, #tpu.memory_space<hbm>> -> memref<10000x128xf32, #tpu.memory_space<hbm>>
        tpu.enqueue_indirect_dma source(%dma_start3A_108 : memref<10000x128xf32, #tpu.memory_space<hbm>>) target(%dma_start3A_103 : memref<40x128xf32, #tpu.memory_space<vmem>>) offsets(%dma_start3A_105 : memref<40xi32, #tpu.memory_space<vmem>>) semaphore(%arg17 : memref<!tpu.dma_semaphore, #tpu.memory_space<semaphore_mem>>)
        %dma_start3A_109 = arith.constant 40 : i32
        %dma_start3A_110 = arith.constant 0 : i32
        %dma_start3A_111 = tpu.memref_slice %arg10[%dma_start3A_109, %dma_start3A_110] : memref<200x128xf32, #tpu.memory_space<vmem>> -> memref<40x128xf32, #tpu.memory_space<vmem>>
        %dma_start3A_112 = arith.constant 40 : i32
        %dma_start3A_113 = tpu.memref_slice %arg8[%dma_start3A_112] : memref<200xi32, #tpu.memory_space<vmem>> -> memref<40xi32, #tpu.memory_space<vmem>>
        %dma_start3A_114 = arith.constant 0 : i32
        %dma_start3A_115 = arith.constant 0 : i32
        %dma_start3A_116 = tpu.memref_slice %arg2[%dma_start3A_114, %dma_start3A_115] : memref<10000x128xf32, #tpu.memory_space<hbm>> -> memref<10000x128xf32, #tpu.memory_space<hbm>>
        tpu.enqueue_indirect_dma source(%dma_start3A_116 : memref<10000x128xf32, #tpu.memory_space<hbm>>) target(%dma_start3A_111 : memref<40x128xf32, #tpu.memory_space<vmem>>) offsets(%dma_start3A_113 : memref<40xi32, #tpu.memory_space<vmem>>) semaphore(%arg17 : memref<!tpu.dma_semaphore, #tpu.memory_space<semaphore_mem>>)
        %dma_start3A_117 = arith.constant 80 : i32
        %dma_start3A_118 = arith.constant 0 : i32
        %dma_start3A_119 = tpu.memref_slice %arg9[%dma_start3A_117, %dma_start3A_118] : memref<200x128xf32, #tpu.memory_space<vmem>> -> memref<40x128xf32, #tpu.memory_space<vmem>>
        %dma_start3A_120 = arith.constant 80 : i32
        %dma_start3A_121 = tpu.memref_slice %arg7[%dma_start3A_120] : memref<200xi32, #tpu.memory_space<vmem>> -> memref<40xi32, #tpu.memory_space<vmem>>
        %dma_start3A_122 = arith.constant 0 : i32
        %dma_start3A_123 = arith.constant 0 : i32
        %dma_start3A_124 = tpu.memref_slice %arg2[%dma_start3A_122, %dma_start3A_123] : memref<10000x128xf32, #tpu.memory_space<hbm>> -> memref<10000x128xf32, #tpu.memory_space<hbm>>
        tpu.enqueue_indirect_dma source(%dma_start3A_124 : memref<10000x128xf32, #tpu.memory_space<hbm>>) target(%dma_start3A_119 : memref<40x128xf32, #tpu.memory_space<vmem>>) offsets(%dma_start3A_121 : memref<40xi32, #tpu.memory_space<vmem>>) semaphore(%arg17 : memref<!tpu.dma_semaphore, #tpu.memory_space<semaphore_mem>>)
        %dma_start3A_125 = arith.constant 80 : i32
        %dma_start3A_126 = arith.constant 0 : i32
        %dma_start3A_127 = tpu.memref_slice %arg10[%dma_start3A_125, %dma_start3A_126] : memref<200x128xf32, #tpu.memory_space<vmem>> -> memref<40x128xf32, #tpu.memory_space<vmem>>
        %dma_start3A_128 = arith.constant 80 : i32
        %dma_start3A_129 = tpu.memref_slice %arg8[%dma_start3A_128] : memref<200xi32, #tpu.memory_space<vmem>> -> memref<40xi32, #tpu.memory_space<vmem>>
        %dma_start3A_130 = arith.constant 0 : i32
        %dma_start3A_131 = arith.constant 0 : i32
        %dma_start3A_132 = tpu.memref_slice %arg2[%dma_start3A_130, %dma_start3A_131] : memref<10000x128xf32, #tpu.memory_space<hbm>> -> memref<10000x128xf32, #tpu.memory_space<hbm>>
        tpu.enqueue_indirect_dma source(%dma_start3A_132 : memref<10000x128xf32, #tpu.memory_space<hbm>>) target(%dma_start3A_127 : memref<40x128xf32, #tpu.memory_space<vmem>>) offsets(%dma_start3A_129 : memref<40xi32, #tpu.memory_space<vmem>>) semaphore(%arg17 : memref<!tpu.dma_semaphore, #tpu.memory_space<semaphore_mem>>)
        %dma_start3A_133 = arith.constant 120 : i32
        %dma_start3A_134 = arith.constant 0 : i32
        %dma_start3A_135 = tpu.memref_slice %arg9[%dma_start3A_133, %dma_start3A_134] : memref<200x128xf32, #tpu.memory_space<vmem>> -> memref<40x128xf32, #tpu.memory_space<vmem>>
        %dma_start3A_136 = arith.constant 120 : i32
        %dma_start3A_137 = tpu.memref_slice %arg7[%dma_start3A_136] : memref<200xi32, #tpu.memory_space<vmem>> -> memref<40xi32, #tpu.memory_space<vmem>>
        %dma_start3A_138 = arith.constant 0 : i32
        %dma_start3A_139 = arith.constant 0 : i32
        %dma_start3A_140 = tpu.memref_slice %arg2[%dma_start3A_138, %dma_start3A_139] : memref<10000x128xf32, #tpu.memory_space<hbm>> -> memref<10000x128xf32, #tpu.memory_space<hbm>>
        tpu.enqueue_indirect_dma source(%dma_start3A_140 : memref<10000x128xf32, #tpu.memory_space<hbm>>) target(%dma_start3A_135 : memref<40x128xf32, #tpu.memory_space<vmem>>) offsets(%dma_start3A_137 : memref<40xi32, #tpu.memory_space<vmem>>) semaphore(%arg17 : memref<!tpu.dma_semaphore, #tpu.memory_space<semaphore_mem>>)
        %dma_start3A_141 = arith.constant 120 : i32
        %dma_start3A_142 = arith.constant 0 : i32
        %dma_start3A_143 = tpu.memref_slice %arg10[%dma_start3A_141, %dma_start3A_142] : memref<200x128xf32, #tpu.memory_space<vmem>> -> memref<40x128xf32, #tpu.memory_space<vmem>>
        %dma_start3A_144 = arith.constant 120 : i32
        %dma_start3A_145 = tpu.memref_slice %arg8[%dma_start3A_144] : memref<200xi32, #tpu.memory_space<vmem>> -> memref<40xi32, #tpu.memory_space<vmem>>
        %dma_start3A_146 = arith.constant 0 : i32
        %dma_start3A_147 = arith.constant 0 : i32
        %dma_start3A_148 = tpu.memref_slice %arg2[%dma_start3A_146, %dma_start3A_147] : memref<10000x128xf32, #tpu.memory_space<hbm>> -> memref<10000x128xf32, #tpu.memory_space<hbm>>
        tpu.enqueue_indirect_dma source(%dma_start3A_148 : memref<10000x128xf32, #tpu.memory_space<hbm>>) target(%dma_start3A_143 : memref<40x128xf32, #tpu.memory_space<vmem>>) offsets(%dma_start3A_145 : memref<40xi32, #tpu.memory_space<vmem>>) semaphore(%arg17 : memref<!tpu.dma_semaphore, #tpu.memory_space<semaphore_mem>>)
        %dma_start3A_149 = arith.constant 160 : i32
        %dma_start3A_150 = arith.constant 0 : i32
        %dma_start3A_151 = tpu.memref_slice %arg9[%dma_start3A_149, %dma_start3A_150] : memref<200x128xf32, #tpu.memory_space<vmem>> -> memref<40x128xf32, #tpu.memory_space<vmem>>
        %dma_start3A_152 = arith.constant 160 : i32
        %dma_start3A_153 = tpu.memref_slice %arg7[%dma_start3A_152] : memref<200xi32, #tpu.memory_space<vmem>> -> memref<40xi32, #tpu.memory_space<vmem>>
        %dma_start3A_154 = arith.constant 0 : i32
        %dma_start3A_155 = arith.constant 0 : i32
        %dma_start3A_156 = tpu.memref_slice %arg2[%dma_start3A_154, %dma_start3A_155] : memref<10000x128xf32, #tpu.memory_space<hbm>> -> memref<10000x128xf32, #tpu.memory_space<hbm>>
        tpu.enqueue_indirect_dma source(%dma_start3A_156 : memref<10000x128xf32, #tpu.memory_space<hbm>>) target(%dma_start3A_151 : memref<40x128xf32, #tpu.memory_space<vmem>>) offsets(%dma_start3A_153 : memref<40xi32, #tpu.memory_space<vmem>>) semaphore(%arg17 : memref<!tpu.dma_semaphore, #tpu.memory_space<semaphore_mem>>)
        %dma_start3A_157 = arith.constant 160 : i32
        %dma_start3A_158 = arith.constant 0 : i32
        %dma_start3A_159 = tpu.memref_slice %arg10[%dma_start3A_157, %dma_start3A_158] : memref<200x128xf32, #tpu.memory_space<vmem>> -> memref<40x128xf32, #tpu.memory_space<vmem>>
        %dma_start3A_160 = arith.constant 160 : i32
        %dma_start3A_161 = tpu.memref_slice %arg8[%dma_start3A_160] : memref<200xi32, #tpu.memory_space<vmem>> -> memref<40xi32, #tpu.memory_space<vmem>>
        %dma_start3A_162 = arith.constant 0 : i32
        %dma_start3A_163 = arith.constant 0 : i32
        %dma_start3A_164 = tpu.memref_slice %arg2[%dma_start3A_162, %dma_start3A_163] : memref<10000x128xf32, #tpu.memory_space<hbm>> -> memref<10000x128xf32, #tpu.memory_space<hbm>>
        tpu.enqueue_indirect_dma source(%dma_start3A_164 : memref<10000x128xf32, #tpu.memory_space<hbm>>) target(%dma_start3A_159 : memref<40x128xf32, #tpu.memory_space<vmem>>) offsets(%dma_start3A_161 : memref<40xi32, #tpu.memory_space<vmem>>) semaphore(%arg17 : memref<!tpu.dma_semaphore, #tpu.memory_space<semaphore_mem>>)
        %lt3A_165 = arith.constant 49 : i32
        %lt3A_166 = arith.cmpi slt, %add3A_39, %lt3A_165 : i32
        %convert_element_type3A_167 = arith.extui %lt3A_166 : i1 to i32
        %cond3A_168 = arith.constant 0 : i32
        %cond3A_169 = arith.cmpi ne, %convert_element_type3A_167, %cond3A_168 : i32
        scf.if %cond3A_169 {
          %add3A_261 = arith.constant 1 : i32
          %add3A_262 = arith.addi %add3A_39, %add3A_261 : i32
          %mul3A_263 = arith.constant 200 : i32
          %mul3A_264 = arith.muli %add3A_262, %mul3A_263 : i32
          %add3A_265 = arith.addi %mul3A_2, %mul3A_264 : i32
          %dma_start3A_266 = tpu.memref_slice %arg3[%add3A_265] : memref<320000xi32, #tpu.memory_space<hbm>> -> memref<200xi32, #tpu.memory_space<hbm>>
          %dma_start3A_267 = tpu.memref_slice %arg3[%add3A_265] : memref<320000xi32, #tpu.memory_space<hbm>> -> memref<200xi32, #tpu.memory_space<hbm>>
          tpu.enqueue_dma source(%dma_start3A_267 : memref<200xi32, #tpu.memory_space<hbm>>) target(%arg11 : memref<200xi32, #tpu.memory_space<vmem>>) target_semaphore(%arg16 : memref<!tpu.dma_semaphore, #tpu.memory_space<semaphore_mem>>)
          %dma_start3A_268 = tpu.memref_slice %arg4[%add3A_265] : memref<320000xi32, #tpu.memory_space<hbm>> -> memref<200xi32, #tpu.memory_space<hbm>>
          %dma_start3A_269 = tpu.memref_slice %arg4[%add3A_265] : memref<320000xi32, #tpu.memory_space<hbm>> -> memref<200xi32, #tpu.memory_space<hbm>>
          tpu.enqueue_dma source(%dma_start3A_269 : memref<200xi32, #tpu.memory_space<hbm>>) target(%arg12 : memref<200xi32, #tpu.memory_space<vmem>>) target_semaphore(%arg16 : memref<!tpu.dma_semaphore, #tpu.memory_space<semaphore_mem>>)
        } else {
        }
        %dma_wait3A_170 = arith.constant 0 : i32
        %dma_wait3A_171 = arith.constant 0 : i32
        %dma_wait3A_172 = tpu.memref_slice %arg9[%dma_wait3A_170, %dma_wait3A_171] : memref<200x128xf32, #tpu.memory_space<vmem>> -> memref<40x128xf32, #tpu.memory_space<vmem>>
        %dma_wait3A_173 = arith.constant 0 : i32
        %dma_wait3A_174 = tpu.memref_slice %arg7[%dma_wait3A_173] : memref<200xi32, #tpu.memory_space<vmem>> -> memref<40xi32, #tpu.memory_space<vmem>>
        %dma_wait3A_175 = arith.constant 0 : i32
        %dma_wait3A_176 = arith.constant 0 : i32
        %dma_wait3A_177 = tpu.memref_slice %arg2[%dma_wait3A_175, %dma_wait3A_176] : memref<10000x128xf32, #tpu.memory_space<hbm>> -> memref<10000x128xf32, #tpu.memory_space<hbm>>
        tpu.wait_indirect_dma semaphore(%arg17 : memref<!tpu.dma_semaphore, #tpu.memory_space<semaphore_mem>>) src(%dma_wait3A_177 : memref<10000x128xf32, #tpu.memory_space<hbm>>) dst(%dma_wait3A_172 : memref<40x128xf32, #tpu.memory_space<vmem>>)
        %dma_wait3A_178 = arith.constant 0 : i32
        %dma_wait3A_179 = arith.constant 0 : i32
        %dma_wait3A_180 = tpu.memref_slice %arg10[%dma_wait3A_178, %dma_wait3A_179] : memref<200x128xf32, #tpu.memory_space<vmem>> -> memref<40x128xf32, #tpu.memory_space<vmem>>
        %dma_wait3A_181 = arith.constant 0 : i32
        %dma_wait3A_182 = tpu.memref_slice %arg8[%dma_wait3A_181] : memref<200xi32, #tpu.memory_space<vmem>> -> memref<40xi32, #tpu.memory_space<vmem>>
        %dma_wait3A_183 = arith.constant 0 : i32
        %dma_wait3A_184 = arith.constant 0 : i32
        %dma_wait3A_185 = tpu.memref_slice %arg2[%dma_wait3A_183, %dma_wait3A_184] : memref<10000x128xf32, #tpu.memory_space<hbm>> -> memref<10000x128xf32, #tpu.memory_space<hbm>>
        tpu.wait_indirect_dma semaphore(%arg17 : memref<!tpu.dma_semaphore, #tpu.memory_space<semaphore_mem>>) src(%dma_wait3A_185 : memref<10000x128xf32, #tpu.memory_space<hbm>>) dst(%dma_wait3A_180 : memref<40x128xf32, #tpu.memory_space<vmem>>)
        %dma_wait3A_186 = arith.constant 40 : i32
        %dma_wait3A_187 = arith.constant 0 : i32
        %dma_wait3A_188 = tpu.memref_slice %arg9[%dma_wait3A_186, %dma_wait3A_187] : memref<200x128xf32, #tpu.memory_space<vmem>> -> memref<40x128xf32, #tpu.memory_space<vmem>>
        %dma_wait3A_189 = arith.constant 40 : i32
        %dma_wait3A_190 = tpu.memref_slice %arg7[%dma_wait3A_189] : memref<200xi32, #tpu.memory_space<vmem>> -> memref<40xi32, #tpu.memory_space<vmem>>
        %dma_wait3A_191 = arith.constant 0 : i32
        %dma_wait3A_192 = arith.constant 0 : i32
        %dma_wait3A_193 = tpu.memref_slice %arg2[%dma_wait3A_191, %dma_wait3A_192] : memref<10000x128xf32, #tpu.memory_space<hbm>> -> memref<10000x128xf32, #tpu.memory_space<hbm>>
        tpu.wait_indirect_dma semaphore(%arg17 : memref<!tpu.dma_semaphore, #tpu.memory_space<semaphore_mem>>) src(%dma_wait3A_193 : memref<10000x128xf32, #tpu.memory_space<hbm>>) dst(%dma_wait3A_188 : memref<40x128xf32, #tpu.memory_space<vmem>>)
        %dma_wait3A_194 = arith.constant 40 : i32
        %dma_wait3A_195 = arith.constant 0 : i32
        %dma_wait3A_196 = tpu.memref_slice %arg10[%dma_wait3A_194, %dma_wait3A_195] : memref<200x128xf32, #tpu.memory_space<vmem>> -> memref<40x128xf32, #tpu.memory_space<vmem>>
        %dma_wait3A_197 = arith.constant 40 : i32
        %dma_wait3A_198 = tpu.memref_slice %arg8[%dma_wait3A_197] : memref<200xi32, #tpu.memory_space<vmem>> -> memref<40xi32, #tpu.memory_space<vmem>>
        %dma_wait3A_199 = arith.constant 0 : i32
        %dma_wait3A_200 = arith.constant 0 : i32
        %dma_wait3A_201 = tpu.memref_slice %arg2[%dma_wait3A_199, %dma_wait3A_200] : memref<10000x128xf32, #tpu.memory_space<hbm>> -> memref<10000x128xf32, #tpu.memory_space<hbm>>
        tpu.wait_indirect_dma semaphore(%arg17 : memref<!tpu.dma_semaphore, #tpu.memory_space<semaphore_mem>>) src(%dma_wait3A_201 : memref<10000x128xf32, #tpu.memory_space<hbm>>) dst(%dma_wait3A_196 : memref<40x128xf32, #tpu.memory_space<vmem>>)
        %dma_wait3A_202 = arith.constant 80 : i32
        %dma_wait3A_203 = arith.constant 0 : i32
        %dma_wait3A_204 = tpu.memref_slice %arg9[%dma_wait3A_202, %dma_wait3A_203] : memref<200x128xf32, #tpu.memory_space<vmem>> -> memref<40x128xf32, #tpu.memory_space<vmem>>
        %dma_wait3A_205 = arith.constant 80 : i32
        %dma_wait3A_206 = tpu.memref_slice %arg7[%dma_wait3A_205] : memref<200xi32, #tpu.memory_space<vmem>> -> memref<40xi32, #tpu.memory_space<vmem>>
        %dma_wait3A_207 = arith.constant 0 : i32
        %dma_wait3A_208 = arith.constant 0 : i32
        %dma_wait3A_209 = tpu.memref_slice %arg2[%dma_wait3A_207, %dma_wait3A_208] : memref<10000x128xf32, #tpu.memory_space<hbm>> -> memref<10000x128xf32, #tpu.memory_space<hbm>>
        tpu.wait_indirect_dma semaphore(%arg17 : memref<!tpu.dma_semaphore, #tpu.memory_space<semaphore_mem>>) src(%dma_wait3A_209 : memref<10000x128xf32, #tpu.memory_space<hbm>>) dst(%dma_wait3A_204 : memref<40x128xf32, #tpu.memory_space<vmem>>)
        %dma_wait3A_210 = arith.constant 80 : i32
        %dma_wait3A_211 = arith.constant 0 : i32
        %dma_wait3A_212 = tpu.memref_slice %arg10[%dma_wait3A_210, %dma_wait3A_211] : memref<200x128xf32, #tpu.memory_space<vmem>> -> memref<40x128xf32, #tpu.memory_space<vmem>>
        %dma_wait3A_213 = arith.constant 80 : i32
        %dma_wait3A_214 = tpu.memref_slice %arg8[%dma_wait3A_213] : memref<200xi32, #tpu.memory_space<vmem>> -> memref<40xi32, #tpu.memory_space<vmem>>
        %dma_wait3A_215 = arith.constant 0 : i32
        %dma_wait3A_216 = arith.constant 0 : i32
        %dma_wait3A_217 = tpu.memref_slice %arg2[%dma_wait3A_215, %dma_wait3A_216] : memref<10000x128xf32, #tpu.memory_space<hbm>> -> memref<10000x128xf32, #tpu.memory_space<hbm>>
        tpu.wait_indirect_dma semaphore(%arg17 : memref<!tpu.dma_semaphore, #tpu.memory_space<semaphore_mem>>) src(%dma_wait3A_217 : memref<10000x128xf32, #tpu.memory_space<hbm>>) dst(%dma_wait3A_212 : memref<40x128xf32, #tpu.memory_space<vmem>>)
        %dma_wait3A_218 = arith.constant 120 : i32
        %dma_wait3A_219 = arith.constant 0 : i32
        %dma_wait3A_220 = tpu.memref_slice %arg9[%dma_wait3A_218, %dma_wait3A_219] : memref<200x128xf32, #tpu.memory_space<vmem>> -> memref<40x128xf32, #tpu.memory_space<vmem>>
        %dma_wait3A_221 = arith.constant 120 : i32
        %dma_wait3A_222 = tpu.memref_slice %arg7[%dma_wait3A_221] : memref<200xi32, #tpu.memory_space<vmem>> -> memref<40xi32, #tpu.memory_space<vmem>>
        %dma_wait3A_223 = arith.constant 0 : i32
        %dma_wait3A_224 = arith.constant 0 : i32
        %dma_wait3A_225 = tpu.memref_slice %arg2[%dma_wait3A_223, %dma_wait3A_224] : memref<10000x128xf32, #tpu.memory_space<hbm>> -> memref<10000x128xf32, #tpu.memory_space<hbm>>
        tpu.wait_indirect_dma semaphore(%arg17 : memref<!tpu.dma_semaphore, #tpu.memory_space<semaphore_mem>>) src(%dma_wait3A_225 : memref<10000x128xf32, #tpu.memory_space<hbm>>) dst(%dma_wait3A_220 : memref<40x128xf32, #tpu.memory_space<vmem>>)
        %dma_wait3A_226 = arith.constant 120 : i32
        %dma_wait3A_227 = arith.constant 0 : i32
        %dma_wait3A_228 = tpu.memref_slice %arg10[%dma_wait3A_226, %dma_wait3A_227] : memref<200x128xf32, #tpu.memory_space<vmem>> -> memref<40x128xf32, #tpu.memory_space<vmem>>
        %dma_wait3A_229 = arith.constant 120 : i32
        %dma_wait3A_230 = tpu.memref_slice %arg8[%dma_wait3A_229] : memref<200xi32, #tpu.memory_space<vmem>> -> memref<40xi32, #tpu.memory_space<vmem>>
        %dma_wait3A_231 = arith.constant 0 : i32
        %dma_wait3A_232 = arith.constant 0 : i32
        %dma_wait3A_233 = tpu.memref_slice %arg2[%dma_wait3A_231, %dma_wait3A_232] : memref<10000x128xf32, #tpu.memory_space<hbm>> -> memref<10000x128xf32, #tpu.memory_space<hbm>>
        tpu.wait_indirect_dma semaphore(%arg17 : memref<!tpu.dma_semaphore, #tpu.memory_space<semaphore_mem>>) src(%dma_wait3A_233 : memref<10000x128xf32, #tpu.memory_space<hbm>>) dst(%dma_wait3A_228 : memref<40x128xf32, #tpu.memory_space<vmem>>)
        %dma_wait3A_234 = arith.constant 160 : i32
        %dma_wait3A_235 = arith.constant 0 : i32
        %dma_wait3A_236 = tpu.memref_slice %arg9[%dma_wait3A_234, %dma_wait3A_235] : memref<200x128xf32, #tpu.memory_space<vmem>> -> memref<40x128xf32, #tpu.memory_space<vmem>>
        %dma_wait3A_237 = arith.constant 160 : i32
        %dma_wait3A_238 = tpu.memref_slice %arg7[%dma_wait3A_237] : memref<200xi32, #tpu.memory_space<vmem>> -> memref<40xi32, #tpu.memory_space<vmem>>
        %dma_wait3A_239 = arith.constant 0 : i32
        %dma_wait3A_240 = arith.constant 0 : i32
        %dma_wait3A_241 = tpu.memref_slice %arg2[%dma_wait3A_239, %dma_wait3A_240] : memref<10000x128xf32, #tpu.memory_space<hbm>> -> memref<10000x128xf32, #tpu.memory_space<hbm>>
        tpu.wait_indirect_dma semaphore(%arg17 : memref<!tpu.dma_semaphore, #tpu.memory_space<semaphore_mem>>) src(%dma_wait3A_241 : memref<10000x128xf32, #tpu.memory_space<hbm>>) dst(%dma_wait3A_236 : memref<40x128xf32, #tpu.memory_space<vmem>>)
        %dma_wait3A_242 = arith.constant 160 : i32
        %dma_wait3A_243 = arith.constant 0 : i32
        %dma_wait3A_244 = tpu.memref_slice %arg10[%dma_wait3A_242, %dma_wait3A_243] : memref<200x128xf32, #tpu.memory_space<vmem>> -> memref<40x128xf32, #tpu.memory_space<vmem>>
        %dma_wait3A_245 = arith.constant 160 : i32
        %dma_wait3A_246 = tpu.memref_slice %arg8[%dma_wait3A_245] : memref<200xi32, #tpu.memory_space<vmem>> -> memref<40xi32, #tpu.memory_space<vmem>>
        %dma_wait3A_247 = arith.constant 0 : i32
        %dma_wait3A_248 = arith.constant 0 : i32
        %dma_wait3A_249 = tpu.memref_slice %arg2[%dma_wait3A_247, %dma_wait3A_248] : memref<10000x128xf32, #tpu.memory_space<hbm>> -> memref<10000x128xf32, #tpu.memory_space<hbm>>
        tpu.wait_indirect_dma semaphore(%arg17 : memref<!tpu.dma_semaphore, #tpu.memory_space<semaphore_mem>>) src(%dma_wait3A_249 : memref<10000x128xf32, #tpu.memory_space<hbm>>) dst(%dma_wait3A_244 : memref<40x128xf32, #tpu.memory_space<vmem>>)
        %mul3A_250 = arith.constant 200 : i32
        %mul3A_251 = arith.muli %add3A_39, %mul3A_250 : i32
        %add3A_252 = arith.addi %mul3A_2, %mul3A_251 : i32
        %dma_start3A_253 = arith.constant 0 : i32
        %dma_start3A_254 = tpu.memref_slice %arg5[%add3A_252, %dma_start3A_253] : memref<320000x128xf32, #tpu.memory_space<hbm>> -> memref<200x128xf32, #tpu.memory_space<hbm>>
        %dma_start3A_255 = arith.constant 0 : i32
        %dma_start3A_256 = tpu.memref_slice %arg5[%add3A_252, %dma_start3A_255] : memref<320000x128xf32, #tpu.memory_space<hbm>> -> memref<200x128xf32, #tpu.memory_space<hbm>>
        tpu.enqueue_dma source(%arg9 : memref<200x128xf32, #tpu.memory_space<vmem>>) target(%dma_start3A_256 : memref<200x128xf32, #tpu.memory_space<hbm>>) target_semaphore(%arg18 : memref<!tpu.dma_semaphore, #tpu.memory_space<semaphore_mem>>)
        %dma_start3A_257 = arith.constant 0 : i32
        %dma_start3A_258 = tpu.memref_slice %arg6[%add3A_252, %dma_start3A_257] : memref<320000x128xf32, #tpu.memory_space<hbm>> -> memref<200x128xf32, #tpu.memory_space<hbm>>
        %dma_start3A_259 = arith.constant 0 : i32
        %dma_start3A_260 = tpu.memref_slice %arg6[%add3A_252, %dma_start3A_259] : memref<320000x128xf32, #tpu.memory_space<hbm>> -> memref<200x128xf32, #tpu.memory_space<hbm>>
        tpu.enqueue_dma source(%arg10 : memref<200x128xf32, #tpu.memory_space<vmem>>) target(%dma_start3A_260 : memref<200x128xf32, #tpu.memory_space<hbm>>) target_semaphore(%arg18 : memref<!tpu.dma_semaphore, #tpu.memory_space<semaphore_mem>>)
      } else {
      }
      %jit3A_52 = arith.constant 2 : i32
      %eq3A_53 = arith.constant 0 : i32
      %eq3A_54 = arith.cmpi eq, %jit3A_52, %eq3A_53 : i32
      %jit3A_55 = arith.constant 1 : i32
      %select_n3A_56 = arith.select %eq3A_54, %jit3A_55, %jit3A_52 : i32
      %rem3A_57 = arith.remsi %add3A_39, %select_n3A_56 : i32
      %ne3A_58 = arith.constant 0 : i32
      %ne3A_59 = arith.cmpi ne, %rem3A_57, %ne3A_58 : i32
      %lt3A_60 = arith.constant 0 : i32
      %lt3A_61 = arith.cmpi slt, %rem3A_57, %lt3A_60 : i32
      %lt3A_62 = arith.constant 0 : i32
      %lt3A_63 = arith.cmpi slt, %select_n3A_56, %lt3A_62 : i32
      %ne3A_64 = arith.xori %lt3A_61, %lt3A_63 : i1
      %and3A_65 = arith.andi %ne3A_64, %ne3A_59 : i1
      %add3A_66 = arith.addi %rem3A_57, %select_n3A_56 : i32
      %select_n3A_67 = arith.select %and3A_65, %add3A_66, %rem3A_57 : i32
      %eq3A_68 = arith.constant 1 : i32
      %eq3A_69 = arith.cmpi eq, %select_n3A_67, %eq3A_68 : i32
      %convert_element_type3A_70 = arith.extui %eq3A_69 : i1 to i32
      %cond3A_71 = arith.constant 0 : i32
      %cond3A_72 = arith.cmpi ne, %convert_element_type3A_70, %cond3A_71 : i32
      scf.if %cond3A_72 {
        %dma_wait3A_73 = arith.constant 0 : i32
        %dma_wait3A_74 = tpu.memref_slice %arg3[%dma_wait3A_73] : memref<320000xi32, #tpu.memory_space<hbm>> -> memref<200xi32, #tpu.memory_space<hbm>>
        %dma_wait3A_75 = arith.constant 0 : i32
        %dma_wait3A_76 = tpu.memref_slice %arg3[%dma_wait3A_75] : memref<320000xi32, #tpu.memory_space<hbm>> -> memref<200xi32, #tpu.memory_space<hbm>>
        tpu.wait_dma2 semaphore(%arg16 : memref<!tpu.dma_semaphore, #tpu.memory_space<semaphore_mem>>) src(%dma_wait3A_76 : memref<200xi32, #tpu.memory_space<hbm>>) dst(%arg11 : memref<200xi32, #tpu.memory_space<vmem>>)
        %dma_wait3A_77 = arith.constant 0 : i32
        %dma_wait3A_78 = tpu.memref_slice %arg4[%dma_wait3A_77] : memref<320000xi32, #tpu.memory_space<hbm>> -> memref<200xi32, #tpu.memory_space<hbm>>
        %dma_wait3A_79 = arith.constant 0 : i32
        %dma_wait3A_80 = tpu.memref_slice %arg4[%dma_wait3A_79] : memref<320000xi32, #tpu.memory_space<hbm>> -> memref<200xi32, #tpu.memory_space<hbm>>
        tpu.wait_dma2 semaphore(%arg16 : memref<!tpu.dma_semaphore, #tpu.memory_space<semaphore_mem>>) src(%dma_wait3A_80 : memref<200xi32, #tpu.memory_space<hbm>>) dst(%arg12 : memref<200xi32, #tpu.memory_space<vmem>>)
        %gt3A = arith.constant 1 : i32
        %gt3A_81 = arith.cmpi sgt, %add3A_39, %gt3A : i32
        %convert_element_type3A_82 = arith.extui %gt3A_81 : i1 to i32
        %cond3A_83 = arith.constant 0 : i32
        %cond3A_84 = arith.cmpi ne, %convert_element_type3A_82, %cond3A_83 : i32
        scf.if %cond3A_84 {
          %dma_wait3A_261 = arith.constant 0 : i32
          %dma_wait3A_262 = arith.constant 0 : i32
          %dma_wait3A_263 = tpu.memref_slice %arg5[%dma_wait3A_261, %dma_wait3A_262] : memref<320000x128xf32, #tpu.memory_space<hbm>> -> memref<200x128xf32, #tpu.memory_space<hbm>>
          %dma_wait3A_264 = arith.constant 0 : i32
          %dma_wait3A_265 = arith.constant 0 : i32
          %dma_wait3A_266 = tpu.memref_slice %arg5[%dma_wait3A_264, %dma_wait3A_265] : memref<320000x128xf32, #tpu.memory_space<hbm>> -> memref<200x128xf32, #tpu.memory_space<hbm>>
          tpu.wait_dma2 semaphore(%arg19 : memref<!tpu.dma_semaphore, #tpu.memory_space<semaphore_mem>>) src(%arg13 : memref<200x128xf32, #tpu.memory_space<vmem>>) dst(%dma_wait3A_266 : memref<200x128xf32, #tpu.memory_space<hbm>>)
          %dma_wait3A_267 = arith.constant 0 : i32
          %dma_wait3A_268 = arith.constant 0 : i32
          %dma_wait3A_269 = tpu.memref_slice %arg6[%dma_wait3A_267, %dma_wait3A_268] : memref<320000x128xf32, #tpu.memory_space<hbm>> -> memref<200x128xf32, #tpu.memory_space<hbm>>
          %dma_wait3A_270 = arith.constant 0 : i32
          %dma_wait3A_271 = arith.constant 0 : i32
          %dma_wait3A_272 = tpu.memref_slice %arg6[%dma_wait3A_270, %dma_wait3A_271] : memref<320000x128xf32, #tpu.memory_space<hbm>> -> memref<200x128xf32, #tpu.memory_space<hbm>>
          tpu.wait_dma2 semaphore(%arg19 : memref<!tpu.dma_semaphore, #tpu.memory_space<semaphore_mem>>) src(%arg14 : memref<200x128xf32, #tpu.memory_space<vmem>>) dst(%dma_wait3A_272 : memref<200x128xf32, #tpu.memory_space<hbm>>)
        } else {
        }
        %dma_start3A_85 = arith.constant 0 : i32
        %dma_start3A_86 = arith.constant 0 : i32
        %dma_start3A_87 = tpu.memref_slice %arg13[%dma_start3A_85, %dma_start3A_86] : memref<200x128xf32, #tpu.memory_space<vmem>> -> memref<40x128xf32, #tpu.memory_space<vmem>>
        %dma_start3A_88 = arith.constant 0 : i32
        %dma_start3A_89 = tpu.memref_slice %arg11[%dma_start3A_88] : memref<200xi32, #tpu.memory_space<vmem>> -> memref<40xi32, #tpu.memory_space<vmem>>
        %dma_start3A_90 = arith.constant 0 : i32
        %dma_start3A_91 = arith.constant 0 : i32
        %dma_start3A_92 = tpu.memref_slice %arg2[%dma_start3A_90, %dma_start3A_91] : memref<10000x128xf32, #tpu.memory_space<hbm>> -> memref<10000x128xf32, #tpu.memory_space<hbm>>
        tpu.enqueue_indirect_dma source(%dma_start3A_92 : memref<10000x128xf32, #tpu.memory_space<hbm>>) target(%dma_start3A_87 : memref<40x128xf32, #tpu.memory_space<vmem>>) offsets(%dma_start3A_89 : memref<40xi32, #tpu.memory_space<vmem>>) semaphore(%arg17 : memref<!tpu.dma_semaphore, #tpu.memory_space<semaphore_mem>>)
        %dma_start3A_93 = arith.constant 0 : i32
        %dma_start3A_94 = arith.constant 0 : i32
        %dma_start3A_95 = tpu.memref_slice %arg14[%dma_start3A_93, %dma_start3A_94] : memref<200x128xf32, #tpu.memory_space<vmem>> -> memref<40x128xf32, #tpu.memory_space<vmem>>
        %dma_start3A_96 = arith.constant 0 : i32
        %dma_start3A_97 = tpu.memref_slice %arg12[%dma_start3A_96] : memref<200xi32, #tpu.memory_space<vmem>> -> memref<40xi32, #tpu.memory_space<vmem>>
        %dma_start3A_98 = arith.constant 0 : i32
        %dma_start3A_99 = arith.constant 0 : i32
        %dma_start3A_100 = tpu.memref_slice %arg2[%dma_start3A_98, %dma_start3A_99] : memref<10000x128xf32, #tpu.memory_space<hbm>> -> memref<10000x128xf32, #tpu.memory_space<hbm>>
        tpu.enqueue_indirect_dma source(%dma_start3A_100 : memref<10000x128xf32, #tpu.memory_space<hbm>>) target(%dma_start3A_95 : memref<40x128xf32, #tpu.memory_space<vmem>>) offsets(%dma_start3A_97 : memref<40xi32, #tpu.memory_space<vmem>>) semaphore(%arg17 : memref<!tpu.dma_semaphore, #tpu.memory_space<semaphore_mem>>)
        %dma_start3A_101 = arith.constant 40 : i32
        %dma_start3A_102 = arith.constant 0 : i32
        %dma_start3A_103 = tpu.memref_slice %arg13[%dma_start3A_101, %dma_start3A_102] : memref<200x128xf32, #tpu.memory_space<vmem>> -> memref<40x128xf32, #tpu.memory_space<vmem>>
        %dma_start3A_104 = arith.constant 40 : i32
        %dma_start3A_105 = tpu.memref_slice %arg11[%dma_start3A_104] : memref<200xi32, #tpu.memory_space<vmem>> -> memref<40xi32, #tpu.memory_space<vmem>>
        %dma_start3A_106 = arith.constant 0 : i32
        %dma_start3A_107 = arith.constant 0 : i32
        %dma_start3A_108 = tpu.memref_slice %arg2[%dma_start3A_106, %dma_start3A_107] : memref<10000x128xf32, #tpu.memory_space<hbm>> -> memref<10000x128xf32, #tpu.memory_space<hbm>>
        tpu.enqueue_indirect_dma source(%dma_start3A_108 : memref<10000x128xf32, #tpu.memory_space<hbm>>) target(%dma_start3A_103 : memref<40x128xf32, #tpu.memory_space<vmem>>) offsets(%dma_start3A_105 : memref<40xi32, #tpu.memory_space<vmem>>) semaphore(%arg17 : memref<!tpu.dma_semaphore, #tpu.memory_space<semaphore_mem>>)
        %dma_start3A_109 = arith.constant 40 : i32
        %dma_start3A_110 = arith.constant 0 : i32
        %dma_start3A_111 = tpu.memref_slice %arg14[%dma_start3A_109, %dma_start3A_110] : memref<200x128xf32, #tpu.memory_space<vmem>> -> memref<40x128xf32, #tpu.memory_space<vmem>>
        %dma_start3A_112 = arith.constant 40 : i32
        %dma_start3A_113 = tpu.memref_slice %arg12[%dma_start3A_112] : memref<200xi32, #tpu.memory_space<vmem>> -> memref<40xi32, #tpu.memory_space<vmem>>
        %dma_start3A_114 = arith.constant 0 : i32
        %dma_start3A_115 = arith.constant 0 : i32
        %dma_start3A_116 = tpu.memref_slice %arg2[%dma_start3A_114, %dma_start3A_115] : memref<10000x128xf32, #tpu.memory_space<hbm>> -> memref<10000x128xf32, #tpu.memory_space<hbm>>
        tpu.enqueue_indirect_dma source(%dma_start3A_116 : memref<10000x128xf32, #tpu.memory_space<hbm>>) target(%dma_start3A_111 : memref<40x128xf32, #tpu.memory_space<vmem>>) offsets(%dma_start3A_113 : memref<40xi32, #tpu.memory_space<vmem>>) semaphore(%arg17 : memref<!tpu.dma_semaphore, #tpu.memory_space<semaphore_mem>>)
        %dma_start3A_117 = arith.constant 80 : i32
        %dma_start3A_118 = arith.constant 0 : i32
        %dma_start3A_119 = tpu.memref_slice %arg13[%dma_start3A_117, %dma_start3A_118] : memref<200x128xf32, #tpu.memory_space<vmem>> -> memref<40x128xf32, #tpu.memory_space<vmem>>
        %dma_start3A_120 = arith.constant 80 : i32
        %dma_start3A_121 = tpu.memref_slice %arg11[%dma_start3A_120] : memref<200xi32, #tpu.memory_space<vmem>> -> memref<40xi32, #tpu.memory_space<vmem>>
        %dma_start3A_122 = arith.constant 0 : i32
        %dma_start3A_123 = arith.constant 0 : i32
        %dma_start3A_124 = tpu.memref_slice %arg2[%dma_start3A_122, %dma_start3A_123] : memref<10000x128xf32, #tpu.memory_space<hbm>> -> memref<10000x128xf32, #tpu.memory_space<hbm>>
        tpu.enqueue_indirect_dma source(%dma_start3A_124 : memref<10000x128xf32, #tpu.memory_space<hbm>>) target(%dma_start3A_119 : memref<40x128xf32, #tpu.memory_space<vmem>>) offsets(%dma_start3A_121 : memref<40xi32, #tpu.memory_space<vmem>>) semaphore(%arg17 : memref<!tpu.dma_semaphore, #tpu.memory_space<semaphore_mem>>)
        %dma_start3A_125 = arith.constant 80 : i32
        %dma_start3A_126 = arith.constant 0 : i32
        %dma_start3A_127 = tpu.memref_slice %arg14[%dma_start3A_125, %dma_start3A_126] : memref<200x128xf32, #tpu.memory_space<vmem>> -> memref<40x128xf32, #tpu.memory_space<vmem>>
        %dma_start3A_128 = arith.constant 80 : i32
        %dma_start3A_129 = tpu.memref_slice %arg12[%dma_start3A_128] : memref<200xi32, #tpu.memory_space<vmem>> -> memref<40xi32, #tpu.memory_space<vmem>>
        %dma_start3A_130 = arith.constant 0 : i32
        %dma_start3A_131 = arith.constant 0 : i32
        %dma_start3A_132 = tpu.memref_slice %arg2[%dma_start3A_130, %dma_start3A_131] : memref<10000x128xf32, #tpu.memory_space<hbm>> -> memref<10000x128xf32, #tpu.memory_space<hbm>>
        tpu.enqueue_indirect_dma source(%dma_start3A_132 : memref<10000x128xf32, #tpu.memory_space<hbm>>) target(%dma_start3A_127 : memref<40x128xf32, #tpu.memory_space<vmem>>) offsets(%dma_start3A_129 : memref<40xi32, #tpu.memory_space<vmem>>) semaphore(%arg17 : memref<!tpu.dma_semaphore, #tpu.memory_space<semaphore_mem>>)
        %dma_start3A_133 = arith.constant 120 : i32
        %dma_start3A_134 = arith.constant 0 : i32
        %dma_start3A_135 = tpu.memref_slice %arg13[%dma_start3A_133, %dma_start3A_134] : memref<200x128xf32, #tpu.memory_space<vmem>> -> memref<40x128xf32, #tpu.memory_space<vmem>>
        %dma_start3A_136 = arith.constant 120 : i32
        %dma_start3A_137 = tpu.memref_slice %arg11[%dma_start3A_136] : memref<200xi32, #tpu.memory_space<vmem>> -> memref<40xi32, #tpu.memory_space<vmem>>
        %dma_start3A_138 = arith.constant 0 : i32
        %dma_start3A_139 = arith.constant 0 : i32
        %dma_start3A_140 = tpu.memref_slice %arg2[%dma_start3A_138, %dma_start3A_139] : memref<10000x128xf32, #tpu.memory_space<hbm>> -> memref<10000x128xf32, #tpu.memory_space<hbm>>
        tpu.enqueue_indirect_dma source(%dma_start3A_140 : memref<10000x128xf32, #tpu.memory_space<hbm>>) target(%dma_start3A_135 : memref<40x128xf32, #tpu.memory_space<vmem>>) offsets(%dma_start3A_137 : memref<40xi32, #tpu.memory_space<vmem>>) semaphore(%arg17 : memref<!tpu.dma_semaphore, #tpu.memory_space<semaphore_mem>>)
        %dma_start3A_141 = arith.constant 120 : i32
        %dma_start3A_142 = arith.constant 0 : i32
        %dma_start3A_143 = tpu.memref_slice %arg14[%dma_start3A_141, %dma_start3A_142] : memref<200x128xf32, #tpu.memory_space<vmem>> -> memref<40x128xf32, #tpu.memory_space<vmem>>
        %dma_start3A_144 = arith.constant 120 : i32
        %dma_start3A_145 = tpu.memref_slice %arg12[%dma_start3A_144] : memref<200xi32, #tpu.memory_space<vmem>> -> memref<40xi32, #tpu.memory_space<vmem>>
        %dma_start3A_146 = arith.constant 0 : i32
        %dma_start3A_147 = arith.constant 0 : i32
        %dma_start3A_148 = tpu.memref_slice %arg2[%dma_start3A_146, %dma_start3A_147] : memref<10000x128xf32, #tpu.memory_space<hbm>> -> memref<10000x128xf32, #tpu.memory_space<hbm>>
        tpu.enqueue_indirect_dma source(%dma_start3A_148 : memref<10000x128xf32, #tpu.memory_space<hbm>>) target(%dma_start3A_143 : memref<40x128xf32, #tpu.memory_space<vmem>>) offsets(%dma_start3A_145 : memref<40xi32, #tpu.memory_space<vmem>>) semaphore(%arg17 : memref<!tpu.dma_semaphore, #tpu.memory_space<semaphore_mem>>)
        %dma_start3A_149 = arith.constant 160 : i32
        %dma_start3A_150 = arith.constant 0 : i32
        %dma_start3A_151 = tpu.memref_slice %arg13[%dma_start3A_149, %dma_start3A_150] : memref<200x128xf32, #tpu.memory_space<vmem>> -> memref<40x128xf32, #tpu.memory_space<vmem>>
        %dma_start3A_152 = arith.constant 160 : i32
        %dma_start3A_153 = tpu.memref_slice %arg11[%dma_start3A_152] : memref<200xi32, #tpu.memory_space<vmem>> -> memref<40xi32, #tpu.memory_space<vmem>>
        %dma_start3A_154 = arith.constant 0 : i32
        %dma_start3A_155 = arith.constant 0 : i32
        %dma_start3A_156 = tpu.memref_slice %arg2[%dma_start3A_154, %dma_start3A_155] : memref<10000x128xf32, #tpu.memory_space<hbm>> -> memref<10000x128xf32, #tpu.memory_space<hbm>>
        tpu.enqueue_indirect_dma source(%dma_start3A_156 : memref<10000x128xf32, #tpu.memory_space<hbm>>) target(%dma_start3A_151 : memref<40x128xf32, #tpu.memory_space<vmem>>) offsets(%dma_start3A_153 : memref<40xi32, #tpu.memory_space<vmem>>) semaphore(%arg17 : memref<!tpu.dma_semaphore, #tpu.memory_space<semaphore_mem>>)
        %dma_start3A_157 = arith.constant 160 : i32
        %dma_start3A_158 = arith.constant 0 : i32
        %dma_start3A_159 = tpu.memref_slice %arg14[%dma_start3A_157, %dma_start3A_158] : memref<200x128xf32, #tpu.memory_space<vmem>> -> memref<40x128xf32, #tpu.memory_space<vmem>>
        %dma_start3A_160 = arith.constant 160 : i32
        %dma_start3A_161 = tpu.memref_slice %arg12[%dma_start3A_160] : memref<200xi32, #tpu.memory_space<vmem>> -> memref<40xi32, #tpu.memory_space<vmem>>
        %dma_start3A_162 = arith.constant 0 : i32
        %dma_start3A_163 = arith.constant 0 : i32
        %dma_start3A_164 = tpu.memref_slice %arg2[%dma_start3A_162, %dma_start3A_163] : memref<10000x128xf32, #tpu.memory_space<hbm>> -> memref<10000x128xf32, #tpu.memory_space<hbm>>
        tpu.enqueue_indirect_dma source(%dma_start3A_164 : memref<10000x128xf32, #tpu.memory_space<hbm>>) target(%dma_start3A_159 : memref<40x128xf32, #tpu.memory_space<vmem>>) offsets(%dma_start3A_161 : memref<40xi32, #tpu.memory_space<vmem>>) semaphore(%arg17 : memref<!tpu.dma_semaphore, #tpu.memory_space<semaphore_mem>>)
        %lt3A_165 = arith.constant 49 : i32
        %lt3A_166 = arith.cmpi slt, %add3A_39, %lt3A_165 : i32
        %convert_element_type3A_167 = arith.extui %lt3A_166 : i1 to i32
        %cond3A_168 = arith.constant 0 : i32
        %cond3A_169 = arith.cmpi ne, %convert_element_type3A_167, %cond3A_168 : i32
        scf.if %cond3A_169 {
          %add3A_261 = arith.constant 1 : i32
          %add3A_262 = arith.addi %add3A_39, %add3A_261 : i32
          %mul3A_263 = arith.constant 200 : i32
          %mul3A_264 = arith.muli %add3A_262, %mul3A_263 : i32
          %add3A_265 = arith.addi %mul3A_2, %mul3A_264 : i32
          %dma_start3A_266 = tpu.memref_slice %arg3[%add3A_265] : memref<320000xi32, #tpu.memory_space<hbm>> -> memref<200xi32, #tpu.memory_space<hbm>>
          %dma_start3A_267 = tpu.memref_slice %arg3[%add3A_265] : memref<320000xi32, #tpu.memory_space<hbm>> -> memref<200xi32, #tpu.memory_space<hbm>>
          tpu.enqueue_dma source(%dma_start3A_267 : memref<200xi32, #tpu.memory_space<hbm>>) target(%arg7 : memref<200xi32, #tpu.memory_space<vmem>>) target_semaphore(%arg15 : memref<!tpu.dma_semaphore, #tpu.memory_space<semaphore_mem>>)
          %dma_start3A_268 = tpu.memref_slice %arg4[%add3A_265] : memref<320000xi32, #tpu.memory_space<hbm>> -> memref<200xi32, #tpu.memory_space<hbm>>
          %dma_start3A_269 = tpu.memref_slice %arg4[%add3A_265] : memref<320000xi32, #tpu.memory_space<hbm>> -> memref<200xi32, #tpu.memory_space<hbm>>
          tpu.enqueue_dma source(%dma_start3A_269 : memref<200xi32, #tpu.memory_space<hbm>>) target(%arg8 : memref<200xi32, #tpu.memory_space<vmem>>) target_semaphore(%arg15 : memref<!tpu.dma_semaphore, #tpu.memory_space<semaphore_mem>>)
        } else {
        }
        %dma_wait3A_170 = arith.constant 0 : i32
        %dma_wait3A_171 = arith.constant 0 : i32
        %dma_wait3A_172 = tpu.memref_slice %arg13[%dma_wait3A_170, %dma_wait3A_171] : memref<200x128xf32, #tpu.memory_space<vmem>> -> memref<40x128xf32, #tpu.memory_space<vmem>>
        %dma_wait3A_173 = arith.constant 0 : i32
        %dma_wait3A_174 = tpu.memref_slice %arg11[%dma_wait3A_173] : memref<200xi32, #tpu.memory_space<vmem>> -> memref<40xi32, #tpu.memory_space<vmem>>
        %dma_wait3A_175 = arith.constant 0 : i32
        %dma_wait3A_176 = arith.constant 0 : i32
        %dma_wait3A_177 = tpu.memref_slice %arg2[%dma_wait3A_175, %dma_wait3A_176] : memref<10000x128xf32, #tpu.memory_space<hbm>> -> memref<10000x128xf32, #tpu.memory_space<hbm>>
        tpu.wait_indirect_dma semaphore(%arg17 : memref<!tpu.dma_semaphore, #tpu.memory_space<semaphore_mem>>) src(%dma_wait3A_177 : memref<10000x128xf32, #tpu.memory_space<hbm>>) dst(%dma_wait3A_172 : memref<40x128xf32, #tpu.memory_space<vmem>>)
        %dma_wait3A_178 = arith.constant 0 : i32
        %dma_wait3A_179 = arith.constant 0 : i32
        %dma_wait3A_180 = tpu.memref_slice %arg14[%dma_wait3A_178, %dma_wait3A_179] : memref<200x128xf32, #tpu.memory_space<vmem>> -> memref<40x128xf32, #tpu.memory_space<vmem>>
        %dma_wait3A_181 = arith.constant 0 : i32
        %dma_wait3A_182 = tpu.memref_slice %arg12[%dma_wait3A_181] : memref<200xi32, #tpu.memory_space<vmem>> -> memref<40xi32, #tpu.memory_space<vmem>>
        %dma_wait3A_183 = arith.constant 0 : i32
        %dma_wait3A_184 = arith.constant 0 : i32
        %dma_wait3A_185 = tpu.memref_slice %arg2[%dma_wait3A_183, %dma_wait3A_184] : memref<10000x128xf32, #tpu.memory_space<hbm>> -> memref<10000x128xf32, #tpu.memory_space<hbm>>
        tpu.wait_indirect_dma semaphore(%arg17 : memref<!tpu.dma_semaphore, #tpu.memory_space<semaphore_mem>>) src(%dma_wait3A_185 : memref<10000x128xf32, #tpu.memory_space<hbm>>) dst(%dma_wait3A_180 : memref<40x128xf32, #tpu.memory_space<vmem>>)
        %dma_wait3A_186 = arith.constant 40 : i32
        %dma_wait3A_187 = arith.constant 0 : i32
        %dma_wait3A_188 = tpu.memref_slice %arg13[%dma_wait3A_186, %dma_wait3A_187] : memref<200x128xf32, #tpu.memory_space<vmem>> -> memref<40x128xf32, #tpu.memory_space<vmem>>
        %dma_wait3A_189 = arith.constant 40 : i32
        %dma_wait3A_190 = tpu.memref_slice %arg11[%dma_wait3A_189] : memref<200xi32, #tpu.memory_space<vmem>> -> memref<40xi32, #tpu.memory_space<vmem>>
        %dma_wait3A_191 = arith.constant 0 : i32
        %dma_wait3A_192 = arith.constant 0 : i32
        %dma_wait3A_193 = tpu.memref_slice %arg2[%dma_wait3A_191, %dma_wait3A_192] : memref<10000x128xf32, #tpu.memory_space<hbm>> -> memref<10000x128xf32, #tpu.memory_space<hbm>>
        tpu.wait_indirect_dma semaphore(%arg17 : memref<!tpu.dma_semaphore, #tpu.memory_space<semaphore_mem>>) src(%dma_wait3A_193 : memref<10000x128xf32, #tpu.memory_space<hbm>>) dst(%dma_wait3A_188 : memref<40x128xf32, #tpu.memory_space<vmem>>)
        %dma_wait3A_194 = arith.constant 40 : i32
        %dma_wait3A_195 = arith.constant 0 : i32
        %dma_wait3A_196 = tpu.memref_slice %arg14[%dma_wait3A_194, %dma_wait3A_195] : memref<200x128xf32, #tpu.memory_space<vmem>> -> memref<40x128xf32, #tpu.memory_space<vmem>>
        %dma_wait3A_197 = arith.constant 40 : i32
        %dma_wait3A_198 = tpu.memref_slice %arg12[%dma_wait3A_197] : memref<200xi32, #tpu.memory_space<vmem>> -> memref<40xi32, #tpu.memory_space<vmem>>
        %dma_wait3A_199 = arith.constant 0 : i32
        %dma_wait3A_200 = arith.constant 0 : i32
        %dma_wait3A_201 = tpu.memref_slice %arg2[%dma_wait3A_199, %dma_wait3A_200] : memref<10000x128xf32, #tpu.memory_space<hbm>> -> memref<10000x128xf32, #tpu.memory_space<hbm>>
        tpu.wait_indirect_dma semaphore(%arg17 : memref<!tpu.dma_semaphore, #tpu.memory_space<semaphore_mem>>) src(%dma_wait3A_201 : memref<10000x128xf32, #tpu.memory_space<hbm>>) dst(%dma_wait3A_196 : memref<40x128xf32, #tpu.memory_space<vmem>>)
        %dma_wait3A_202 = arith.constant 80 : i32
        %dma_wait3A_203 = arith.constant 0 : i32
        %dma_wait3A_204 = tpu.memref_slice %arg13[%dma_wait3A_202, %dma_wait3A_203] : memref<200x128xf32, #tpu.memory_space<vmem>> -> memref<40x128xf32, #tpu.memory_space<vmem>>
        %dma_wait3A_205 = arith.constant 80 : i32
        %dma_wait3A_206 = tpu.memref_slice %arg11[%dma_wait3A_205] : memref<200xi32, #tpu.memory_space<vmem>> -> memref<40xi32, #tpu.memory_space<vmem>>
        %dma_wait3A_207 = arith.constant 0 : i32
        %dma_wait3A_208 = arith.constant 0 : i32
        %dma_wait3A_209 = tpu.memref_slice %arg2[%dma_wait3A_207, %dma_wait3A_208] : memref<10000x128xf32, #tpu.memory_space<hbm>> -> memref<10000x128xf32, #tpu.memory_space<hbm>>
        tpu.wait_indirect_dma semaphore(%arg17 : memref<!tpu.dma_semaphore, #tpu.memory_space<semaphore_mem>>) src(%dma_wait3A_209 : memref<10000x128xf32, #tpu.memory_space<hbm>>) dst(%dma_wait3A_204 : memref<40x128xf32, #tpu.memory_space<vmem>>)
        %dma_wait3A_210 = arith.constant 80 : i32
        %dma_wait3A_211 = arith.constant 0 : i32
        %dma_wait3A_212 = tpu.memref_slice %arg14[%dma_wait3A_210, %dma_wait3A_211] : memref<200x128xf32, #tpu.memory_space<vmem>> -> memref<40x128xf32, #tpu.memory_space<vmem>>
        %dma_wait3A_213 = arith.constant 80 : i32
        %dma_wait3A_214 = tpu.memref_slice %arg12[%dma_wait3A_213] : memref<200xi32, #tpu.memory_space<vmem>> -> memref<40xi32, #tpu.memory_space<vmem>>
        %dma_wait3A_215 = arith.constant 0 : i32
        %dma_wait3A_216 = arith.constant 0 : i32
        %dma_wait3A_217 = tpu.memref_slice %arg2[%dma_wait3A_215, %dma_wait3A_216] : memref<10000x128xf32, #tpu.memory_space<hbm>> -> memref<10000x128xf32, #tpu.memory_space<hbm>>
        tpu.wait_indirect_dma semaphore(%arg17 : memref<!tpu.dma_semaphore, #tpu.memory_space<semaphore_mem>>) src(%dma_wait3A_217 : memref<10000x128xf32, #tpu.memory_space<hbm>>) dst(%dma_wait3A_212 : memref<40x128xf32, #tpu.memory_space<vmem>>)
        %dma_wait3A_218 = arith.constant 120 : i32
        %dma_wait3A_219 = arith.constant 0 : i32
        %dma_wait3A_220 = tpu.memref_slice %arg13[%dma_wait3A_218, %dma_wait3A_219] : memref<200x128xf32, #tpu.memory_space<vmem>> -> memref<40x128xf32, #tpu.memory_space<vmem>>
        %dma_wait3A_221 = arith.constant 120 : i32
        %dma_wait3A_222 = tpu.memref_slice %arg11[%dma_wait3A_221] : memref<200xi32, #tpu.memory_space<vmem>> -> memref<40xi32, #tpu.memory_space<vmem>>
        %dma_wait3A_223 = arith.constant 0 : i32
        %dma_wait3A_224 = arith.constant 0 : i32
        %dma_wait3A_225 = tpu.memref_slice %arg2[%dma_wait3A_223, %dma_wait3A_224] : memref<10000x128xf32, #tpu.memory_space<hbm>> -> memref<10000x128xf32, #tpu.memory_space<hbm>>
        tpu.wait_indirect_dma semaphore(%arg17 : memref<!tpu.dma_semaphore, #tpu.memory_space<semaphore_mem>>) src(%dma_wait3A_225 : memref<10000x128xf32, #tpu.memory_space<hbm>>) dst(%dma_wait3A_220 : memref<40x128xf32, #tpu.memory_space<vmem>>)
        %dma_wait3A_226 = arith.constant 120 : i32
        %dma_wait3A_227 = arith.constant 0 : i32
        %dma_wait3A_228 = tpu.memref_slice %arg14[%dma_wait3A_226, %dma_wait3A_227] : memref<200x128xf32, #tpu.memory_space<vmem>> -> memref<40x128xf32, #tpu.memory_space<vmem>>
        %dma_wait3A_229 = arith.constant 120 : i32
        %dma_wait3A_230 = tpu.memref_slice %arg12[%dma_wait3A_229] : memref<200xi32, #tpu.memory_space<vmem>> -> memref<40xi32, #tpu.memory_space<vmem>>
        %dma_wait3A_231 = arith.constant 0 : i32
        %dma_wait3A_232 = arith.constant 0 : i32
        %dma_wait3A_233 = tpu.memref_slice %arg2[%dma_wait3A_231, %dma_wait3A_232] : memref<10000x128xf32, #tpu.memory_space<hbm>> -> memref<10000x128xf32, #tpu.memory_space<hbm>>
        tpu.wait_indirect_dma semaphore(%arg17 : memref<!tpu.dma_semaphore, #tpu.memory_space<semaphore_mem>>) src(%dma_wait3A_233 : memref<10000x128xf32, #tpu.memory_space<hbm>>) dst(%dma_wait3A_228 : memref<40x128xf32, #tpu.memory_space<vmem>>)
        %dma_wait3A_234 = arith.constant 160 : i32
        %dma_wait3A_235 = arith.constant 0 : i32
        %dma_wait3A_236 = tpu.memref_slice %arg13[%dma_wait3A_234, %dma_wait3A_235] : memref<200x128xf32, #tpu.memory_space<vmem>> -> memref<40x128xf32, #tpu.memory_space<vmem>>
        %dma_wait3A_237 = arith.constant 160 : i32
        %dma_wait3A_238 = tpu.memref_slice %arg11[%dma_wait3A_237] : memref<200xi32, #tpu.memory_space<vmem>> -> memref<40xi32, #tpu.memory_space<vmem>>
        %dma_wait3A_239 = arith.constant 0 : i32
        %dma_wait3A_240 = arith.constant 0 : i32
        %dma_wait3A_241 = tpu.memref_slice %arg2[%dma_wait3A_239, %dma_wait3A_240] : memref<10000x128xf32, #tpu.memory_space<hbm>> -> memref<10000x128xf32, #tpu.memory_space<hbm>>
        tpu.wait_indirect_dma semaphore(%arg17 : memref<!tpu.dma_semaphore, #tpu.memory_space<semaphore_mem>>) src(%dma_wait3A_241 : memref<10000x128xf32, #tpu.memory_space<hbm>>) dst(%dma_wait3A_236 : memref<40x128xf32, #tpu.memory_space<vmem>>)
        %dma_wait3A_242 = arith.constant 160 : i32
        %dma_wait3A_243 = arith.constant 0 : i32
        %dma_wait3A_244 = tpu.memref_slice %arg14[%dma_wait3A_242, %dma_wait3A_243] : memref<200x128xf32, #tpu.memory_space<vmem>> -> memref<40x128xf32, #tpu.memory_space<vmem>>
        %dma_wait3A_245 = arith.constant 160 : i32
        %dma_wait3A_246 = tpu.memref_slice %arg12[%dma_wait3A_245] : memref<200xi32, #tpu.memory_space<vmem>> -> memref<40xi32, #tpu.memory_space<vmem>>
        %dma_wait3A_247 = arith.constant 0 : i32
        %dma_wait3A_248 = arith.constant 0 : i32
        %dma_wait3A_249 = tpu.memref_slice %arg2[%dma_wait3A_247, %dma_wait3A_248] : memref<10000x128xf32, #tpu.memory_space<hbm>> -> memref<10000x128xf32, #tpu.memory_space<hbm>>
        tpu.wait_indirect_dma semaphore(%arg17 : memref<!tpu.dma_semaphore, #tpu.memory_space<semaphore_mem>>) src(%dma_wait3A_249 : memref<10000x128xf32, #tpu.memory_space<hbm>>) dst(%dma_wait3A_244 : memref<40x128xf32, #tpu.memory_space<vmem>>)
        %mul3A_250 = arith.constant 200 : i32
        %mul3A_251 = arith.muli %add3A_39, %mul3A_250 : i32
        %add3A_252 = arith.addi %mul3A_2, %mul3A_251 : i32
        %dma_start3A_253 = arith.constant 0 : i32
        %dma_start3A_254 = tpu.memref_slice %arg5[%add3A_252, %dma_start3A_253] : memref<320000x128xf32, #tpu.memory_space<hbm>> -> memref<200x128xf32, #tpu.memory_space<hbm>>
        %dma_start3A_255 = arith.constant 0 : i32
        %dma_start3A_256 = tpu.memref_slice %arg5[%add3A_252, %dma_start3A_255] : memref<320000x128xf32, #tpu.memory_space<hbm>> -> memref<200x128xf32, #tpu.memory_space<hbm>>
        tpu.enqueue_dma source(%arg13 : memref<200x128xf32, #tpu.memory_space<vmem>>) target(%dma_start3A_256 : memref<200x128xf32, #tpu.memory_space<hbm>>) target_semaphore(%arg19 : memref<!tpu.dma_semaphore, #tpu.memory_space<semaphore_mem>>)
        %dma_start3A_257 = arith.constant 0 : i32
        %dma_start3A_258 = tpu.memref_slice %arg6[%add3A_252, %dma_start3A_257] : memref<320000x128xf32, #tpu.memory_space<hbm>> -> memref<200x128xf32, #tpu.memory_space<hbm>>
        %dma_start3A_259 = arith.constant 0 : i32
        %dma_start3A_260 = tpu.memref_slice %arg6[%add3A_252, %dma_start3A_259] : memref<320000x128xf32, #tpu.memory_space<hbm>> -> memref<200x128xf32, #tpu.memory_space<hbm>>
        tpu.enqueue_dma source(%arg14 : memref<200x128xf32, #tpu.memory_space<vmem>>) target(%dma_start3A_260 : memref<200x128xf32, #tpu.memory_space<hbm>>) target_semaphore(%arg19 : memref<!tpu.dma_semaphore, #tpu.memory_space<semaphore_mem>>)
      } else {
      }
    }
    %scan3A_11 = arith.constant 50 : i32
    %dma_wait3A = arith.constant 0 : i32
    %dma_wait3A_12 = arith.constant 0 : i32
    %dma_wait3A_13 = tpu.memref_slice %arg5[%dma_wait3A, %dma_wait3A_12] : memref<320000x128xf32, #tpu.memory_space<hbm>> -> memref<200x128xf32, #tpu.memory_space<hbm>>
    %dma_wait3A_14 = arith.constant 0 : i32
    %dma_wait3A_15 = arith.constant 0 : i32
    %dma_wait3A_16 = tpu.memref_slice %arg5[%dma_wait3A_14, %dma_wait3A_15] : memref<320000x128xf32, #tpu.memory_space<hbm>> -> memref<200x128xf32, #tpu.memory_space<hbm>>
    tpu.wait_dma2 semaphore(%arg18 : memref<!tpu.dma_semaphore, #tpu.memory_space<semaphore_mem>>) src(%arg9 : memref<200x128xf32, #tpu.memory_space<vmem>>) dst(%dma_wait3A_16 : memref<200x128xf32, #tpu.memory_space<hbm>>)
    %dma_wait3A_17 = arith.constant 0 : i32
    %dma_wait3A_18 = arith.constant 0 : i32
    %dma_wait3A_19 = tpu.memref_slice %arg6[%dma_wait3A_17, %dma_wait3A_18] : memref<320000x128xf32, #tpu.memory_space<hbm>> -> memref<200x128xf32, #tpu.memory_space<hbm>>
    %dma_wait3A_20 = arith.constant 0 : i32
    %dma_wait3A_21 = arith.constant 0 : i32
    %dma_wait3A_22 = tpu.memref_slice %arg6[%dma_wait3A_20, %dma_wait3A_21] : memref<320000x128xf32, #tpu.memory_space<hbm>> -> memref<200x128xf32, #tpu.memory_space<hbm>>
    tpu.wait_dma2 semaphore(%arg18 : memref<!tpu.dma_semaphore, #tpu.memory_space<semaphore_mem>>) src(%arg10 : memref<200x128xf32, #tpu.memory_space<vmem>>) dst(%dma_wait3A_22 : memref<200x128xf32, #tpu.memory_space<hbm>>)
    %dma_wait3A_23 = arith.constant 0 : i32
    %dma_wait3A_24 = arith.constant 0 : i32
    %dma_wait3A_25 = tpu.memref_slice %arg5[%dma_wait3A_23, %dma_wait3A_24] : memref<320000x128xf32, #tpu.memory_space<hbm>> -> memref<200x128xf32, #tpu.memory_space<hbm>>
    %dma_wait3A_26 = arith.constant 0 : i32
    %dma_wait3A_27 = arith.constant 0 : i32
    %dma_wait3A_28 = tpu.memref_slice %arg5[%dma_wait3A_26, %dma_wait3A_27] : memref<320000x128xf32, #tpu.memory_space<hbm>> -> memref<200x128xf32, #tpu.memory_space<hbm>>
    tpu.wait_dma2 semaphore(%arg19 : memref<!tpu.dma_semaphore, #tpu.memory_space<semaphore_mem>>) src(%arg13 : memref<200x128xf32, #tpu.memory_space<vmem>>) dst(%dma_wait3A_28 : memref<200x128xf32, #tpu.memory_space<hbm>>)
    %dma_wait3A_29 = arith.constant 0 : i32
    %dma_wait3A_30 = arith.constant 0 : i32
    %dma_wait3A_31 = tpu.memref_slice %arg6[%dma_wait3A_29, %dma_wait3A_30] : memref<320000x128xf32, #tpu.memory_space<hbm>> -> memref<200x128xf32, #tpu.memory_space<hbm>>
    %dma_wait3A_32 = arith.constant 0 : i32
    %dma_wait3A_33 = arith.constant 0 : i32
    %dma_wait3A_34 = tpu.memref_slice %arg6[%dma_wait3A_32, %dma_wait3A_33] : memref<320000x128xf32, #tpu.memory_space<hbm>> -> memref<200x128xf32, #tpu.memory_space<hbm>>
    tpu.wait_dma2 semaphore(%arg19 : memref<!tpu.dma_semaphore, #tpu.memory_space<semaphore_mem>>) src(%arg14 : memref<200x128xf32, #tpu.memory_space<vmem>>) dst(%dma_wait3A_34 : memref<200x128xf32, #tpu.memory_space<hbm>>)
    return
  }
}

#map = affine_map<(d0, d1) -> (0)>
#map1 = affine_map<(d0, d1) -> (0, 0)>
module attributes {stable_mosaic.version = 14 : i64} {
  func.func @cnt_k(%arg0: i32, %arg1: i32, %arg2: memref<320000xi32, #tpu.memory_space<hbm>>, %arg3: memref<20480x128xf32, #tpu.memory_space<hbm>>, %arg4: memref<80x128xf32, #tpu.memory_space<vmem>>, %arg5: memref<80xi32, #tpu.memory_space<vmem>>, %arg6: memref<80xi32, #tpu.memory_space<vmem>>, %arg7: memref<10240x128xf32, #tpu.memory_space<vmem_shared>>, %arg8: memref<!tpu.dma_semaphore, #tpu.memory_space<semaphore_mem>>, %arg9: memref<!tpu.dma_semaphore, #tpu.memory_space<semaphore_mem>>) attributes {dimension_semantics = [#tpu.dimension_semantics<core_parallel>, #tpu.dimension_semantics<subcore_parallel>], iteration_bounds = array<i64: 2, 16>, scalar_prefetch = 0 : i64, scratch_operands = 6 : i64, tpu.core_type = #tpu.core_type<sc_vector_subcore>, window_params = [{transform_indices = #map}, {transform_indices = #map1}]} {
    %mul3A = arith.constant 2 : i32
    %mul3A_0 = arith.muli %arg1, %mul3A : i32
    %add3A = arith.addi %mul3A_0, %arg0 : i32
    %mul3A_1 = arith.constant 10000 : i32
    %mul3A_2 = arith.muli %add3A, %mul3A_1 : i32
    %scan3A = arith.constant 0 : i32
    %scan3A_3 = arith.constant 80 : i32
    %scan3A_4 = arith.addi %scan3A, %scan3A_3 : i32
    %scan3A_5 = arith.constant 1 : i32
    scf.for %scan3A_29 = %scan3A to %scan3A_4 step %scan3A_5  : i32 {
      %mul3A_30 = arith.constant 1 : i32
      %mul3A_31 = arith.muli %scan3A_29, %mul3A_30 : i32
      %add3A_32 = arith.constant 0 : i32
      %add3A_33 = arith.addi %add3A_32, %mul3A_31 : i32
      %scan3A_34 = arith.constant 0 : i32
      %scan3A_35 = arith.constant 8 : i32
      %scan3A_36 = arith.addi %scan3A_34, %scan3A_35 : i32
      %scan3A_37 = arith.constant 1 : i32
      scf.for %scan3A_39 = %scan3A_34 to %scan3A_36 step %scan3A_37  : i32 {
        %mul3A_40 = arith.constant 16 : i32
        %mul3A_41 = arith.muli %scan3A_39, %mul3A_40 : i32
        %add3A_42 = arith.constant 0 : i32
        %add3A_43 = arith.addi %add3A_42, %mul3A_41 : i32
        %broadcast_in_dim3A = arith.constant 0.000000e+00 : f32
        %broadcast_in_dim3A_44 = vector.broadcast %broadcast_in_dim3A : f32 to vector<16xf32>
        %swap3A = arith.index_cast %add3A_33 : i32 to index
        %swap3A_45 = arith.index_cast %add3A_43 : i32 to index
        %swap3A_46 = tpu.vector_load %arg4[%swap3A, %swap3A_45] {strides = array<i32>} : memref<80x128xf32, #tpu.memory_space<vmem>>, vector<1x16xf32>,
        %swap3A_47 = vector.shape_cast %swap3A_46 : vector<1x16xf32> to vector<16xf32>
        %swap3A_48 = vector.shape_cast %broadcast_in_dim3A_44 : vector<16xf32> to vector<1x16xf32>
        tpu.vector_store %arg4[%swap3A, %swap3A_45], %swap3A_48 {strides = array<i32>} : memref<80x128xf32, #tpu.memory_space<vmem>>, vector<1x16xf32>,
      }
      %scan3A_38 = arith.constant 8 : i32
    }
    %scan3A_6 = arith.constant 80 : i32
    %scan3A_7 = arith.constant 0 : i32
    %scan3A_8 = arith.constant 8 : i32
    %scan3A_9 = arith.addi %scan3A_7, %scan3A_8 : i32
    %scan3A_10 = arith.constant 1 : i32
    scf.for %scan3A_29 = %scan3A_7 to %scan3A_9 step %scan3A_10  : i32 {
      %mul3A_30 = arith.constant 1 : i32
      %mul3A_31 = arith.muli %scan3A_29, %mul3A_30 : i32
      %add3A_32 = arith.constant 0 : i32
      %add3A_33 = arith.addi %add3A_32, %mul3A_31 : i32
      %mul3A_34 = arith.constant 640 : i32
      %mul3A_35 = arith.muli %arg1, %mul3A_34 : i32
      %mul3A_36 = arith.constant 80 : i32
      %mul3A_37 = arith.muli %add3A_33, %mul3A_36 : i32
      %add3A_38 = arith.addi %mul3A_35, %mul3A_37 : i32
      "tpu.region"() ({
        %run_scoped3A = tpu.sem_alloc : memref<!tpu.dma_semaphore, #tpu.memory_space<semaphore_mem>>
        %dma_start3A_39 = arith.constant 0 : i32
        %dma_start3A_40 = tpu.memref_slice %arg7[%add3A_38, %dma_start3A_39] : memref<10240x128xf32, #tpu.memory_space<vmem_shared>> -> memref<80x128xf32, #tpu.memory_space<vmem_shared>>
        %dma_start3A_41 = arith.constant 0 : i32
        %dma_start3A_42 = tpu.memref_slice %arg7[%add3A_38, %dma_start3A_41] : memref<10240x128xf32, #tpu.memory_space<vmem_shared>> -> memref<80x128xf32, #tpu.memory_space<vmem_shared>>
        tpu.enqueue_dma source(%arg4 : memref<80x128xf32, #tpu.memory_space<vmem>>) target(%dma_start3A_42 : memref<80x128xf32, #tpu.memory_space<vmem_shared>>) target_semaphore(%run_scoped3A : memref<!tpu.dma_semaphore, #tpu.memory_space<semaphore_mem>>)
        %dma_wait3A = arith.constant 0 : i32
        %dma_wait3A_43 = tpu.memref_slice %arg7[%add3A_38, %dma_wait3A] : memref<10240x128xf32, #tpu.memory_space<vmem_shared>> -> memref<80x128xf32, #tpu.memory_space<vmem_shared>>
        %dma_wait3A_44 = arith.constant 0 : i32
        %dma_wait3A_45 = tpu.memref_slice %arg7[%add3A_38, %dma_wait3A_44] : memref<10240x128xf32, #tpu.memory_space<vmem_shared>> -> memref<80x128xf32, #tpu.memory_space<vmem_shared>>
        tpu.wait_dma2 semaphore(%run_scoped3A : memref<!tpu.dma_semaphore, #tpu.memory_space<semaphore_mem>>) src(%arg4 : memref<80x128xf32, #tpu.memory_space<vmem>>) dst(%dma_wait3A_45 : memref<80x128xf32, #tpu.memory_space<vmem_shared>>)
        tpu.yield
      }) : () -> ()
    }
    %scan3A_11 = arith.constant 8 : i32
    %scan3A_12 = arith.constant 0 : i32
    %scan3A_13 = arith.constant 80 : i32
    %scan3A_14 = arith.addi %scan3A_12, %scan3A_13 : i32
    %scan3A_15 = arith.constant 1 : i32
    scf.for %scan3A_29 = %scan3A_12 to %scan3A_14 step %scan3A_15  : i32 {
      %mul3A_30 = arith.constant 1 : i32
      %mul3A_31 = arith.muli %scan3A_29, %mul3A_30 : i32
      %add3A_32 = arith.constant 0 : i32
      %add3A_33 = arith.addi %add3A_32, %mul3A_31 : i32
      %scan3A_34 = arith.constant 0 : i32
      %scan3A_35 = arith.constant 8 : i32
      %scan3A_36 = arith.addi %scan3A_34, %scan3A_35 : i32
      %scan3A_37 = arith.constant 1 : i32
      scf.for %scan3A_39 = %scan3A_34 to %scan3A_36 step %scan3A_37  : i32 {
        %mul3A_40 = arith.constant 16 : i32
        %mul3A_41 = arith.muli %scan3A_39, %mul3A_40 : i32
        %add3A_42 = arith.constant 0 : i32
        %add3A_43 = arith.addi %add3A_42, %mul3A_41 : i32
        %broadcast_in_dim3A = arith.constant 1.000000e+00 : f32
        %broadcast_in_dim3A_44 = vector.broadcast %broadcast_in_dim3A : f32 to vector<16xf32>
        %swap3A = arith.index_cast %add3A_33 : i32 to index
        %swap3A_45 = arith.index_cast %add3A_43 : i32 to index
        %swap3A_46 = tpu.vector_load %arg4[%swap3A, %swap3A_45] {strides = array<i32>} : memref<80x128xf32, #tpu.memory_space<vmem>>, vector<1x16xf32>,
        %swap3A_47 = vector.shape_cast %swap3A_46 : vector<1x16xf32> to vector<16xf32>
        %swap3A_48 = vector.shape_cast %broadcast_in_dim3A_44 : vector<16xf32> to vector<1x16xf32>
        tpu.vector_store %arg4[%swap3A, %swap3A_45], %swap3A_48 {strides = array<i32>} : memref<80x128xf32, #tpu.memory_space<vmem>>, vector<1x16xf32>,
      }
      %scan3A_38 = arith.constant 8 : i32
    }
    %scan3A_16 = arith.constant 80 : i32
    %barrier3A = arith.constant 0 : index
    tpu.barrier barrier_id(%barrier3A)
    %dma_start3A = tpu.memref_slice %arg2[%mul3A_2] : memref<320000xi32, #tpu.memory_space<hbm>> -> memref<80xi32, #tpu.memory_space<hbm>>
    %dma_start3A_17 = tpu.memref_slice %arg2[%mul3A_2] : memref<320000xi32, #tpu.memory_space<hbm>> -> memref<80xi32, #tpu.memory_space<hbm>>
    tpu.enqueue_dma source(%dma_start3A_17 : memref<80xi32, #tpu.memory_space<hbm>>) target(%arg5 : memref<80xi32, #tpu.memory_space<vmem>>) target_semaphore(%arg8 : memref<!tpu.dma_semaphore, #tpu.memory_space<semaphore_mem>>)
    %scan3A_18 = arith.constant 0 : i32
    %scan3A_19 = arith.constant 125 : i32
    %scan3A_20 = arith.addi %scan3A_18, %scan3A_19 : i32
    %scan3A_21 = arith.constant 1 : i32
    scf.for %scan3A_29 = %scan3A_18 to %scan3A_20 step %scan3A_21  : i32 {
      %mul3A_30 = arith.constant 1 : i32
      %mul3A_31 = arith.muli %scan3A_29, %mul3A_30 : i32
      %add3A_32 = arith.constant 0 : i32
      %add3A_33 = arith.addi %add3A_32, %mul3A_31 : i32
      %jit3A = arith.constant 2 : i32
      %eq3A = arith.constant 0 : i32
      %eq3A_34 = arith.cmpi eq, %jit3A, %eq3A : i32
      %jit3A_35 = arith.constant 1 : i32
      %select_n3A = arith.select %eq3A_34, %jit3A_35, %jit3A : i32
      %rem3A = arith.remsi %add3A_33, %select_n3A : i32
      %ne3A = arith.constant 0 : i32
      %ne3A_36 = arith.cmpi ne, %rem3A, %ne3A : i32
      %lt3A = arith.constant 0 : i32
      %lt3A_37 = arith.cmpi slt, %rem3A, %lt3A : i32
      %lt3A_38 = arith.constant 0 : i32
      %lt3A_39 = arith.cmpi slt, %select_n3A, %lt3A_38 : i32
      %ne3A_40 = arith.xori %lt3A_37, %lt3A_39 : i1
      %and3A = arith.andi %ne3A_40, %ne3A_36 : i1
      %add3A_41 = arith.addi %rem3A, %select_n3A : i32
      %select_n3A_42 = arith.select %and3A, %add3A_41, %rem3A : i32
      %eq3A_43 = arith.constant 0 : i32
      %eq3A_44 = arith.cmpi eq, %select_n3A_42, %eq3A_43 : i32
      %convert_element_type3A = arith.extui %eq3A_44 : i1 to i32
      %cond3A = arith.constant 0 : i32
      %cond3A_45 = arith.cmpi ne, %convert_element_type3A, %cond3A : i32
      scf.if %cond3A_45 {
        %dma_wait3A = arith.constant 0 : i32
        %dma_wait3A_67 = tpu.memref_slice %arg2[%dma_wait3A] : memref<320000xi32, #tpu.memory_space<hbm>> -> memref<80xi32, #tpu.memory_space<hbm>>
        %dma_wait3A_68 = arith.constant 0 : i32
        %dma_wait3A_69 = tpu.memref_slice %arg2[%dma_wait3A_68] : memref<320000xi32, #tpu.memory_space<hbm>> -> memref<80xi32, #tpu.memory_space<hbm>>
        tpu.wait_dma2 semaphore(%arg8 : memref<!tpu.dma_semaphore, #tpu.memory_space<semaphore_mem>>) src(%dma_wait3A_69 : memref<80xi32, #tpu.memory_space<hbm>>) dst(%arg5 : memref<80xi32, #tpu.memory_space<vmem>>)
        %lt3A_70 = arith.constant 124 : i32
        %lt3A_71 = arith.cmpi slt, %add3A_33, %lt3A_70 : i32
        %convert_element_type3A_72 = arith.extui %lt3A_71 : i1 to i32
        %cond3A_73 = arith.constant 0 : i32
        %cond3A_74 = arith.cmpi ne, %convert_element_type3A_72, %cond3A_73 : i32
        scf.if %cond3A_74 {
          %add3A_75 = arith.constant 1 : i32
          %add3A_76 = arith.addi %add3A_33, %add3A_75 : i32
          %mul3A_77 = arith.constant 80 : i32
          %mul3A_78 = arith.muli %add3A_76, %mul3A_77 : i32
          %add3A_79 = arith.addi %mul3A_2, %mul3A_78 : i32
          %dma_start3A_80 = tpu.memref_slice %arg2[%add3A_79] : memref<320000xi32, #tpu.memory_space<hbm>> -> memref<80xi32, #tpu.memory_space<hbm>>
          %dma_start3A_81 = tpu.memref_slice %arg2[%add3A_79] : memref<320000xi32, #tpu.memory_space<hbm>> -> memref<80xi32, #tpu.memory_space<hbm>>
          tpu.enqueue_dma source(%dma_start3A_81 : memref<80xi32, #tpu.memory_space<hbm>>) target(%arg6 : memref<80xi32, #tpu.memory_space<vmem>>) target_semaphore(%arg9 : memref<!tpu.dma_semaphore, #tpu.memory_space<semaphore_mem>>)
        } else {
        }
        "tpu.region"() ({
          %run_scoped3A = tpu.sem_alloc : memref<!tpu.dma_semaphore, #tpu.memory_space<semaphore_mem>>
          %dma_start3A_75 = arith.constant 0 : i32
          %dma_start3A_76 = arith.constant 0 : i32
          %dma_start3A_77 = tpu.memref_slice %arg7[%dma_start3A_75, %dma_start3A_76] : memref<10240x128xf32, #tpu.memory_space<vmem_shared>> -> memref<10240x128xf32, #tpu.memory_space<vmem_shared>>
          tpu.enqueue_indirect_dma source(%arg4 : memref<80x128xf32, #tpu.memory_space<vmem>>) target(%dma_start3A_77 : memref<10240x128xf32, #tpu.memory_space<vmem_shared>>) offsets(%arg5 : memref<80xi32, #tpu.memory_space<vmem>>) semaphore(%run_scoped3A : memref<!tpu.dma_semaphore, #tpu.memory_space<semaphore_mem>>) {add = true}
          %dma_wait3A_78 = arith.constant 0 : i32
          %dma_wait3A_79 = arith.constant 0 : i32
          %dma_wait3A_80 = tpu.memref_slice %arg7[%dma_wait3A_78, %dma_wait3A_79] : memref<10240x128xf32, #tpu.memory_space<vmem_shared>> -> memref<10240x128xf32, #tpu.memory_space<vmem_shared>>
          tpu.wait_indirect_dma semaphore(%run_scoped3A : memref<!tpu.dma_semaphore, #tpu.memory_space<semaphore_mem>>) src(%arg4 : memref<80x128xf32, #tpu.memory_space<vmem>>) dst(%dma_wait3A_80 : memref<10240x128xf32, #tpu.memory_space<vmem_shared>>)
          tpu.yield
        }) : () -> ()
      } else {
      }
      %jit3A_46 = arith.constant 2 : i32
      %eq3A_47 = arith.constant 0 : i32
      %eq3A_48 = arith.cmpi eq, %jit3A_46, %eq3A_47 : i32
      %jit3A_49 = arith.constant 1 : i32
      %select_n3A_50 = arith.select %eq3A_48, %jit3A_49, %jit3A_46 : i32
      %rem3A_51 = arith.remsi %add3A_33, %select_n3A_50 : i32
      %ne3A_52 = arith.constant 0 : i32
      %ne3A_53 = arith.cmpi ne, %rem3A_51, %ne3A_52 : i32
      %lt3A_54 = arith.constant 0 : i32
      %lt3A_55 = arith.cmpi slt, %rem3A_51, %lt3A_54 : i32
      %lt3A_56 = arith.constant 0 : i32
      %lt3A_57 = arith.cmpi slt, %select_n3A_50, %lt3A_56 : i32
      %ne3A_58 = arith.xori %lt3A_55, %lt3A_57 : i1
      %and3A_59 = arith.andi %ne3A_58, %ne3A_53 : i1
      %add3A_60 = arith.addi %rem3A_51, %select_n3A_50 : i32
      %select_n3A_61 = arith.select %and3A_59, %add3A_60, %rem3A_51 : i32
      %eq3A_62 = arith.constant 1 : i32
      %eq3A_63 = arith.cmpi eq, %select_n3A_61, %eq3A_62 : i32
      %convert_element_type3A_64 = arith.extui %eq3A_63 : i1 to i32
      %cond3A_65 = arith.constant 0 : i32
      %cond3A_66 = arith.cmpi ne, %convert_element_type3A_64, %cond3A_65 : i32
      scf.if %cond3A_66 {
        %dma_wait3A = arith.constant 0 : i32
        %dma_wait3A_67 = tpu.memref_slice %arg2[%dma_wait3A] : memref<320000xi32, #tpu.memory_space<hbm>> -> memref<80xi32, #tpu.memory_space<hbm>>
        %dma_wait3A_68 = arith.constant 0 : i32
        %dma_wait3A_69 = tpu.memref_slice %arg2[%dma_wait3A_68] : memref<320000xi32, #tpu.memory_space<hbm>> -> memref<80xi32, #tpu.memory_space<hbm>>
        tpu.wait_dma2 semaphore(%arg9 : memref<!tpu.dma_semaphore, #tpu.memory_space<semaphore_mem>>) src(%dma_wait3A_69 : memref<80xi32, #tpu.memory_space<hbm>>) dst(%arg6 : memref<80xi32, #tpu.memory_space<vmem>>)
        %lt3A_70 = arith.constant 124 : i32
        %lt3A_71 = arith.cmpi slt, %add3A_33, %lt3A_70 : i32
        %convert_element_type3A_72 = arith.extui %lt3A_71 : i1 to i32
        %cond3A_73 = arith.constant 0 : i32
        %cond3A_74 = arith.cmpi ne, %convert_element_type3A_72, %cond3A_73 : i32
        scf.if %cond3A_74 {
          %add3A_75 = arith.constant 1 : i32
          %add3A_76 = arith.addi %add3A_33, %add3A_75 : i32
          %mul3A_77 = arith.constant 80 : i32
          %mul3A_78 = arith.muli %add3A_76, %mul3A_77 : i32
          %add3A_79 = arith.addi %mul3A_2, %mul3A_78 : i32
          %dma_start3A_80 = tpu.memref_slice %arg2[%add3A_79] : memref<320000xi32, #tpu.memory_space<hbm>> -> memref<80xi32, #tpu.memory_space<hbm>>
          %dma_start3A_81 = tpu.memref_slice %arg2[%add3A_79] : memref<320000xi32, #tpu.memory_space<hbm>> -> memref<80xi32, #tpu.memory_space<hbm>>
          tpu.enqueue_dma source(%dma_start3A_81 : memref<80xi32, #tpu.memory_space<hbm>>) target(%arg5 : memref<80xi32, #tpu.memory_space<vmem>>) target_semaphore(%arg8 : memref<!tpu.dma_semaphore, #tpu.memory_space<semaphore_mem>>)
        } else {
        }
        "tpu.region"() ({
          %run_scoped3A = tpu.sem_alloc : memref<!tpu.dma_semaphore, #tpu.memory_space<semaphore_mem>>
          %dma_start3A_75 = arith.constant 0 : i32
          %dma_start3A_76 = arith.constant 0 : i32
          %dma_start3A_77 = tpu.memref_slice %arg7[%dma_start3A_75, %dma_start3A_76] : memref<10240x128xf32, #tpu.memory_space<vmem_shared>> -> memref<10240x128xf32, #tpu.memory_space<vmem_shared>>
          tpu.enqueue_indirect_dma source(%arg4 : memref<80x128xf32, #tpu.memory_space<vmem>>) target(%dma_start3A_77 : memref<10240x128xf32, #tpu.memory_space<vmem_shared>>) offsets(%arg6 : memref<80xi32, #tpu.memory_space<vmem>>) semaphore(%run_scoped3A : memref<!tpu.dma_semaphore, #tpu.memory_space<semaphore_mem>>) {add = true}
          %dma_wait3A_78 = arith.constant 0 : i32
          %dma_wait3A_79 = arith.constant 0 : i32
          %dma_wait3A_80 = tpu.memref_slice %arg7[%dma_wait3A_78, %dma_wait3A_79] : memref<10240x128xf32, #tpu.memory_space<vmem_shared>> -> memref<10240x128xf32, #tpu.memory_space<vmem_shared>>
          tpu.wait_indirect_dma semaphore(%run_scoped3A : memref<!tpu.dma_semaphore, #tpu.memory_space<semaphore_mem>>) src(%arg4 : memref<80x128xf32, #tpu.memory_space<vmem>>) dst(%dma_wait3A_80 : memref<10240x128xf32, #tpu.memory_space<vmem_shared>>)
          tpu.yield
        }) : () -> ()
      } else {
      }
    }
    %scan3A_22 = arith.constant 125 : i32
    %barrier3A_23 = arith.constant 0 : index
    tpu.barrier barrier_id(%barrier3A_23)
    %mul3A_24 = arith.constant 640 : i32
    %mul3A_25 = arith.muli %arg1, %mul3A_24 : i32
    %mul3A_26 = arith.constant 10240 : i32
    %mul3A_27 = arith.muli %arg0, %mul3A_26 : i32
    %add3A_28 = arith.addi %mul3A_27, %mul3A_25 : i32
    "tpu.region"() ({
      %run_scoped3A = tpu.sem_alloc : memref<!tpu.dma_semaphore, #tpu.memory_space<semaphore_mem>>
      %dma_start3A_29 = arith.constant 0 : i32
      %dma_start3A_30 = tpu.memref_slice %arg3[%add3A_28, %dma_start3A_29] : memref<20480x128xf32, #tpu.memory_space<hbm>> -> memref<640x128xf32, #tpu.memory_space<hbm>>
      %dma_start3A_31 = arith.constant 0 : i32
      %dma_start3A_32 = tpu.memref_slice %arg7[%mul3A_25, %dma_start3A_31] : memref<10240x128xf32, #tpu.memory_space<vmem_shared>> -> memref<640x128xf32, #tpu.memory_space<vmem_shared>>
      tpu.enqueue_dma source(%dma_start3A_32 : memref<640x128xf32, #tpu.memory_space<vmem_shared>>) target(%dma_start3A_30 : memref<640x128xf32, #tpu.memory_space<hbm>>) target_semaphore(%run_scoped3A : memref<!tpu.dma_semaphore, #tpu.memory_space<semaphore_mem>>)
      %dma_wait3A = arith.constant 0 : i32
      %dma_wait3A_33 = tpu.memref_slice %arg3[%add3A_28, %dma_wait3A] : memref<20480x128xf32, #tpu.memory_space<hbm>> -> memref<640x128xf32, #tpu.memory_space<hbm>>
      %dma_wait3A_34 = arith.constant 0 : i32
      %dma_wait3A_35 = tpu.memref_slice %arg7[%mul3A_25, %dma_wait3A_34] : memref<10240x128xf32, #tpu.memory_space<vmem_shared>> -> memref<640x128xf32, #tpu.memory_space<vmem_shared>>
      tpu.wait_dma2 semaphore(%run_scoped3A : memref<!tpu.dma_semaphore, #tpu.memory_space<semaphore_mem>>) src(%dma_wait3A_35 : memref<640x128xf32, #tpu.memory_space<vmem_shared>>) dst(%dma_wait3A_33 : memref<640x128xf32, #tpu.memory_space<hbm>>)
      tpu.yield
    }) : () -> ()
    return
  }
}

module attributes {stable_mosaic.version = 14 : i64} {
  func.func @_encoder_body(%arg0: i32, %arg1: memref<1000x128xf32, #tpu.memory_space<vmem>>, %arg2: memref<128x256xf32, #tpu.memory_space<vmem>>, %arg3: memref<1x256xf32, #tpu.memory_space<vmem>>, %arg4: memref<256x256xf32, #tpu.memory_space<vmem>>, %arg5: memref<1x256xf32, #tpu.memory_space<vmem>>, %arg6: memref<256x128xf32, #tpu.memory_space<vmem>>, %arg7: memref<1x128xf32, #tpu.memory_space<vmem>>, %arg8: memref<1000x128xf32, #tpu.memory_space<vmem>>) attributes {dimension_semantics = [#tpu.dimension_semantics<arbitrary>], iteration_bounds = array<i64: 10>, scalar_prefetch = 0 : i64, scratch_operands = 0 : i64, tpu.core_type = #tpu.core_type<tc>, window_params = [{transform_indices = @transform_0, window_bounds = array<i64: 1000, 128>}, {pipeline_mode = #tpu.pipeline_mode<synchronous>, transform_indices = @transform_1, window_bounds = array<i64: 128, 256>}, {pipeline_mode = #tpu.pipeline_mode<synchronous>, transform_indices = @transform_2, window_bounds = array<i64: 1, 256>}, {pipeline_mode = #tpu.pipeline_mode<synchronous>, transform_indices = @transform_3, window_bounds = array<i64: 256, 256>}, {pipeline_mode = #tpu.pipeline_mode<synchronous>, transform_indices = @transform_4, window_bounds = array<i64: 1, 256>}, {pipeline_mode = #tpu.pipeline_mode<synchronous>, transform_indices = @transform_5, window_bounds = array<i64: 256, 128>}, {pipeline_mode = #tpu.pipeline_mode<synchronous>, transform_indices = @transform_6, window_bounds = array<i64: 1, 128>}, {transform_indices = @transform_7, window_bounds = array<i64: 1000, 128>}]} {
    %get3A = arith.constant 0 : index
    %get3A_0 = arith.constant 0 : index
    %get3A_1 = vector.load %arg1[%get3A, %get3A_0] : memref<1000x128xf32, #tpu.memory_space<vmem>>, vector<1000x128xf32>
    %get3A_2 = arith.constant 0 : index
    %get3A_3 = arith.constant 0 : index
    %get3A_4 = vector.load %arg2[%get3A_2, %get3A_3] : memref<128x256xf32, #tpu.memory_space<vmem>>, vector<128x256xf32>
    %dot_general3A = arith.constant dense<0.000000e+00> : vector<1000x256xf32>
    %dot_general3A_5 = tpu.matmul %get3A_1, %get3A_4, %dot_general3A {dimension_numbers = #tpu.dot_dimension_numbers<[1], [0], [0], [1], [0, 0, 1, 1], [], []>, transpose_lhs_hint = false} : vector<1000x128xf32>, vector<128x256xf32>, vector<1000x256xf32> -> vector<1000x256xf32>
    %get3A_6 = arith.constant 0 : index
    %get3A_7 = arith.constant 0 : index
    %get3A_8 = vector.load %arg3[%get3A_6, %get3A_7] : memref<1x256xf32, #tpu.memory_space<vmem>>, vector<1x256xf32>
    %add3A = vector.broadcast %get3A_8 : vector<1x256xf32> to vector<1000x256xf32>
    %add3A_9 = arith.addf %dot_general3A_5, %add3A : vector<1000x256xf32>
    %max3A = arith.constant 0.000000e+00 : f32
    %max3A_10 = vector.broadcast %max3A : f32 to vector<1000x256xf32>
    %max3A_11 = arith.maximumf %add3A_9, %max3A_10 : vector<1000x256xf32>
    %get3A_12 = arith.constant 0 : index
    %get3A_13 = arith.constant 0 : index
    %get3A_14 = vector.load %arg4[%get3A_12, %get3A_13] : memref<256x256xf32, #tpu.memory_space<vmem>>, vector<256x256xf32>
    %dot_general3A_15 = arith.constant dense<0.000000e+00> : vector<1000x256xf32>
    %dot_general3A_16 = tpu.matmul %max3A_11, %get3A_14, %dot_general3A_15 {dimension_numbers = #tpu.dot_dimension_numbers<[1], [0], [0], [1], [0, 0, 1, 1], [], []>, transpose_lhs_hint = false} : vector<1000x256xf32>, vector<256x256xf32>, vector<1000x256xf32> -> vector<1000x256xf32>
    %get3A_17 = arith.constant 0 : index
    %get3A_18 = arith.constant 0 : index
    %get3A_19 = vector.load %arg5[%get3A_17, %get3A_18] : memref<1x256xf32, #tpu.memory_space<vmem>>, vector<1x256xf32>
    %add3A_20 = vector.broadcast %get3A_19 : vector<1x256xf32> to vector<1000x256xf32>
    %add3A_21 = arith.addf %dot_general3A_16, %add3A_20 : vector<1000x256xf32>
    %max3A_22 = arith.constant 0.000000e+00 : f32
    %max3A_23 = vector.broadcast %max3A_22 : f32 to vector<1000x256xf32>
    %max3A_24 = arith.maximumf %add3A_21, %max3A_23 : vector<1000x256xf32>
    %get3A_25 = arith.constant 0 : index
    %get3A_26 = arith.constant 0 : index
    %get3A_27 = vector.load %arg6[%get3A_25, %get3A_26] : memref<256x128xf32, #tpu.memory_space<vmem>>, vector<256x128xf32>
    %dot_general3A_28 = arith.constant dense<0.000000e+00> : vector<1000x128xf32>
    %dot_general3A_29 = tpu.matmul %max3A_24, %get3A_27, %dot_general3A_28 {dimension_numbers = #tpu.dot_dimension_numbers<[1], [0], [0], [1], [0, 0, 1, 1], [], []>, transpose_lhs_hint = false} : vector<1000x256xf32>, vector<256x128xf32>, vector<1000x128xf32> -> vector<1000x128xf32>
    %get3A_30 = arith.constant 0 : index
    %get3A_31 = arith.constant 0 : index
    %get3A_32 = vector.load %arg7[%get3A_30, %get3A_31] : memref<1x128xf32, #tpu.memory_space<vmem>>, vector<1x128xf32>
    %add3A_33 = vector.broadcast %get3A_32 : vector<1x128xf32> to vector<1000x128xf32>
    %add3A_34 = arith.addf %dot_general3A_29, %add3A_33 : vector<1000x128xf32>
    %swap3A = arith.constant 0 : index
    %swap3A_35 = arith.constant 0 : index
    %swap3A_36 = vector.load %arg8[%swap3A, %swap3A_35] : memref<1000x128xf32, #tpu.memory_space<vmem>>, vector<1000x128xf32>
    tpu.vector_store %arg8[%swap3A, %swap3A_35], %add3A_34 {strides = array<i32>} : memref<1000x128xf32, #tpu.memory_space<vmem>>, vector<1000x128xf32>,
    return
  }
  func.func @transform_0(%arg0: i32) -> (i32, i32) {
    %c0_i32 = arith.constant 0 : i32
    %c0_i32_0 = arith.constant 0 : i32
    return %arg0, %c0_i32 : i32, i32
  }
  func.func @transform_1(%arg0: i32) -> (i32, i32) {
    %c0_i32 = arith.constant 0 : i32
    %c0_i32_0 = arith.constant 0 : i32
    %c0_i32_1 = arith.constant 0 : i32
    return %c0_i32, %c0_i32_0 : i32, i32
  }
  func.func @transform_2(%arg0: i32) -> (i32, i32) {
    %c0_i32 = arith.constant 0 : i32
    %c0_i32_0 = arith.constant 0 : i32
    %c0_i32_1 = arith.constant 0 : i32
    return %c0_i32, %c0_i32_0 : i32, i32
  }
  func.func @transform_3(%arg0: i32) -> (i32, i32) {
    %c0_i32 = arith.constant 0 : i32
    %c0_i32_0 = arith.constant 0 : i32
    %c0_i32_1 = arith.constant 0 : i32
    return %c0_i32, %c0_i32_0 : i32, i32
  }
  func.func @transform_4(%arg0: i32) -> (i32, i32) {
    %c0_i32 = arith.constant 0 : i32
    %c0_i32_0 = arith.constant 0 : i32
    %c0_i32_1 = arith.constant 0 : i32
    return %c0_i32, %c0_i32_0 : i32, i32
  }
  func.func @transform_5(%arg0: i32) -> (i32, i32) {
    %c0_i32 = arith.constant 0 : i32
    %c0_i32_0 = arith.constant 0 : i32
    %c0_i32_1 = arith.constant 0 : i32
    return %c0_i32, %c0_i32_0 : i32, i32
  }
  func.func @transform_6(%arg0: i32) -> (i32, i32) {
    %c0_i32 = arith.constant 0 : i32
    %c0_i32_0 = arith.constant 0 : i32
    %c0_i32_1 = arith.constant 0 : i32
    return %c0_i32, %c0_i32_0 : i32, i32
  }
  func.func @transform_7(%arg0: i32) -> (i32, i32) {
    %c0_i32 = arith.constant 0 : i32
    %c0_i32_0 = arith.constant 0 : i32
    return %arg0, %c0_i32 : i32, i32
  }
}

module attributes {stable_mosaic.version = 14 : i64} {
  func.func @_edge_body(%arg0: i32, %arg1: memref<4000x128xf32, #tpu.memory_space<vmem>>, %arg2: memref<4000x128xf32, #tpu.memory_space<vmem>>, %arg3: memref<4000x16xf32, #tpu.memory_space<vmem>>, %arg4: memref<128x256xbf16, #tpu.memory_space<vmem>>, %arg5: memref<128x256xbf16, #tpu.memory_space<vmem>>, %arg6: memref<16x256xbf16, #tpu.memory_space<vmem>>, %arg7: memref<1x256xf32, #tpu.memory_space<vmem>>, %arg8: memref<256x256xbf16, #tpu.memory_space<vmem>>, %arg9: memref<1x256xf32, #tpu.memory_space<vmem>>, %arg10: memref<256x128xbf16, #tpu.memory_space<vmem>>, %arg11: memref<1x128xf32, #tpu.memory_space<vmem>>, %arg12: memref<4000x128xf32, #tpu.memory_space<vmem>>) attributes {dimension_semantics = [#tpu.dimension_semantics<arbitrary>], iteration_bounds = array<i64: 80>, scalar_prefetch = 0 : i64, scratch_operands = 0 : i64, tpu.core_type = #tpu.core_type<tc>, window_params = [{transform_indices = @transform_0, window_bounds = array<i64: 4000, 128>}, {transform_indices = @transform_1, window_bounds = array<i64: 4000, 128>}, {transform_indices = @transform_2, window_bounds = array<i64: 4000, 16>}, {pipeline_mode = #tpu.pipeline_mode<synchronous>, transform_indices = @transform_3, window_bounds = array<i64: 128, 256>}, {pipeline_mode = #tpu.pipeline_mode<synchronous>, transform_indices = @transform_4, window_bounds = array<i64: 128, 256>}, {pipeline_mode = #tpu.pipeline_mode<synchronous>, transform_indices = @transform_5, window_bounds = array<i64: 16, 256>}, {pipeline_mode = #tpu.pipeline_mode<synchronous>, transform_indices = @transform_6, window_bounds = array<i64: 1, 256>}, {pipeline_mode = #tpu.pipeline_mode<synchronous>, transform_indices = @transform_7, window_bounds = array<i64: 256, 256>}, {pipeline_mode = #tpu.pipeline_mode<synchronous>, transform_indices = @transform_8, window_bounds = array<i64: 1, 256>}, {pipeline_mode = #tpu.pipeline_mode<synchronous>, transform_indices = @transform_9, window_bounds = array<i64: 256, 128>}, {pipeline_mode = #tpu.pipeline_mode<synchronous>, transform_indices = @transform_10, window_bounds = array<i64: 1, 128>}, {transform_indices = @transform_11, window_bounds = array<i64: 4000, 128>}]} {
    %get3A = arith.constant 0 : index
    %get3A_0 = arith.constant 0 : index
    %get3A_1 = vector.load %arg1[%get3A, %get3A_0] : memref<4000x128xf32, #tpu.memory_space<vmem>>, vector<4000x128xf32>
    %convert_element_type3A = arith.truncf %get3A_1 : vector<4000x128xf32> to vector<4000x128xbf16>
    %get3A_2 = arith.constant 0 : index
    %get3A_3 = arith.constant 0 : index
    %get3A_4 = vector.load %arg4[%get3A_2, %get3A_3] : memref<128x256xbf16, #tpu.memory_space<vmem>>, vector<128x256xbf16>
    %dot_general3A = arith.constant dense<0.000000e+00> : vector<4000x256xf32>
    %dot_general3A_5 = tpu.matmul %convert_element_type3A, %get3A_4, %dot_general3A {dimension_numbers = #tpu.dot_dimension_numbers<[1], [0], [0], [1], [0, 0, 1, 1], [], []>, transpose_lhs_hint = false} : vector<4000x128xbf16>, vector<128x256xbf16>, vector<4000x256xf32> -> vector<4000x256xf32>
    %get3A_6 = arith.constant 0 : index
    %get3A_7 = arith.constant 0 : index
    %get3A_8 = vector.load %arg2[%get3A_6, %get3A_7] : memref<4000x128xf32, #tpu.memory_space<vmem>>, vector<4000x128xf32>
    %convert_element_type3A_9 = arith.truncf %get3A_8 : vector<4000x128xf32> to vector<4000x128xbf16>
    %get3A_10 = arith.constant 0 : index
    %get3A_11 = arith.constant 0 : index
    %get3A_12 = vector.load %arg5[%get3A_10, %get3A_11] : memref<128x256xbf16, #tpu.memory_space<vmem>>, vector<128x256xbf16>
    %dot_general3A_13 = arith.constant dense<0.000000e+00> : vector<4000x256xf32>
    %dot_general3A_14 = tpu.matmul %convert_element_type3A_9, %get3A_12, %dot_general3A_13 {dimension_numbers = #tpu.dot_dimension_numbers<[1], [0], [0], [1], [0, 0, 1, 1], [], []>, transpose_lhs_hint = false} : vector<4000x128xbf16>, vector<128x256xbf16>, vector<4000x256xf32> -> vector<4000x256xf32>
    %add3A = arith.addf %dot_general3A_5, %dot_general3A_14 : vector<4000x256xf32>
    %get3A_15 = arith.constant 0 : index
    %get3A_16 = arith.constant 0 : index
    %get3A_17 = vector.load %arg3[%get3A_15, %get3A_16] : memref<4000x16xf32, #tpu.memory_space<vmem>>, vector<4000x16xf32>
    %convert_element_type3A_18 = arith.truncf %get3A_17 : vector<4000x16xf32> to vector<4000x16xbf16>
    %get3A_19 = arith.constant 0 : index
    %get3A_20 = arith.constant 0 : index
    %get3A_21 = vector.load %arg6[%get3A_19, %get3A_20] : memref<16x256xbf16, #tpu.memory_space<vmem>>, vector<16x256xbf16>
    %dot_general3A_22 = arith.constant dense<0.000000e+00> : vector<4000x256xf32>
    %dot_general3A_23 = tpu.matmul %convert_element_type3A_18, %get3A_21, %dot_general3A_22 {dimension_numbers = #tpu.dot_dimension_numbers<[1], [0], [0], [1], [0, 0, 1, 1], [], []>, transpose_lhs_hint = false} : vector<4000x16xbf16>, vector<16x256xbf16>, vector<4000x256xf32> -> vector<4000x256xf32>
    %add3A_24 = arith.addf %add3A, %dot_general3A_23 : vector<4000x256xf32>
    %get3A_25 = arith.constant 0 : index
    %get3A_26 = arith.constant 0 : index
    %get3A_27 = vector.load %arg7[%get3A_25, %get3A_26] : memref<1x256xf32, #tpu.memory_space<vmem>>, vector<1x256xf32>
    %add3A_28 = vector.broadcast %get3A_27 : vector<1x256xf32> to vector<4000x256xf32>
    %add3A_29 = arith.addf %add3A_24, %add3A_28 : vector<4000x256xf32>
    %max3A = arith.constant 0.000000e+00 : f32
    %max3A_30 = vector.broadcast %max3A : f32 to vector<4000x256xf32>
    %max3A_31 = arith.maximumf %add3A_29, %max3A_30 : vector<4000x256xf32>
    %convert_element_type3A_32 = arith.truncf %max3A_31 : vector<4000x256xf32> to vector<4000x256xbf16>
    %get3A_33 = arith.constant 0 : index
    %get3A_34 = arith.constant 0 : index
    %get3A_35 = vector.load %arg8[%get3A_33, %get3A_34] : memref<256x256xbf16, #tpu.memory_space<vmem>>, vector<256x256xbf16>
    %dot_general3A_36 = arith.constant dense<0.000000e+00> : vector<4000x256xf32>
    %dot_general3A_37 = tpu.matmul %convert_element_type3A_32, %get3A_35, %dot_general3A_36 {dimension_numbers = #tpu.dot_dimension_numbers<[1], [0], [0], [1], [0, 0, 1, 1], [], []>, transpose_lhs_hint = false} : vector<4000x256xbf16>, vector<256x256xbf16>, vector<4000x256xf32> -> vector<4000x256xf32>
    %get3A_38 = arith.constant 0 : index
    %get3A_39 = arith.constant 0 : index
    %get3A_40 = vector.load %arg9[%get3A_38, %get3A_39] : memref<1x256xf32, #tpu.memory_space<vmem>>, vector<1x256xf32>
    %add3A_41 = vector.broadcast %get3A_40 : vector<1x256xf32> to vector<4000x256xf32>
    %add3A_42 = arith.addf %dot_general3A_37, %add3A_41 : vector<4000x256xf32>
    %max3A_43 = arith.constant 0.000000e+00 : f32
    %max3A_44 = vector.broadcast %max3A_43 : f32 to vector<4000x256xf32>
    %max3A_45 = arith.maximumf %add3A_42, %max3A_44 : vector<4000x256xf32>
    %convert_element_type3A_46 = arith.truncf %max3A_45 : vector<4000x256xf32> to vector<4000x256xbf16>
    %get3A_47 = arith.constant 0 : index
    %get3A_48 = arith.constant 0 : index
    %get3A_49 = vector.load %arg10[%get3A_47, %get3A_48] : memref<256x128xbf16, #tpu.memory_space<vmem>>, vector<256x128xbf16>
    %dot_general3A_50 = arith.constant dense<0.000000e+00> : vector<4000x128xf32>
    %dot_general3A_51 = tpu.matmul %convert_element_type3A_46, %get3A_49, %dot_general3A_50 {dimension_numbers = #tpu.dot_dimension_numbers<[1], [0], [0], [1], [0, 0, 1, 1], [], []>, transpose_lhs_hint = false} : vector<4000x256xbf16>, vector<256x128xbf16>, vector<4000x128xf32> -> vector<4000x128xf32>
    %get3A_52 = arith.constant 0 : index
    %get3A_53 = arith.constant 0 : index
    %get3A_54 = vector.load %arg11[%get3A_52, %get3A_53] : memref<1x128xf32, #tpu.memory_space<vmem>>, vector<1x128xf32>
    %add3A_55 = vector.broadcast %get3A_54 : vector<1x128xf32> to vector<4000x128xf32>
    %add3A_56 = arith.addf %dot_general3A_51, %add3A_55 : vector<4000x128xf32>
    %swap3A = arith.constant 0 : index
    %swap3A_57 = arith.constant 0 : index
    %swap3A_58 = vector.load %arg12[%swap3A, %swap3A_57] : memref<4000x128xf32, #tpu.memory_space<vmem>>, vector<4000x128xf32>
    tpu.vector_store %arg12[%swap3A, %swap3A_57], %add3A_56 {strides = array<i32>} : memref<4000x128xf32, #tpu.memory_space<vmem>>, vector<4000x128xf32>,
    return
  }
  func.func @transform_0(%arg0: i32) -> (i32, i32) {
    %c0_i32 = arith.constant 0 : i32
    %c0_i32_0 = arith.constant 0 : i32
    return %arg0, %c0_i32 : i32, i32
  }
  func.func @transform_1(%arg0: i32) -> (i32, i32) {
    %c0_i32 = arith.constant 0 : i32
    %c0_i32_0 = arith.constant 0 : i32
    return %arg0, %c0_i32 : i32, i32
  }
  func.func @transform_2(%arg0: i32) -> (i32, i32) {
    %c0_i32 = arith.constant 0 : i32
    %c0_i32_0 = arith.constant 0 : i32
    return %arg0, %c0_i32 : i32, i32
  }
  func.func @transform_3(%arg0: i32) -> (i32, i32) {
    %c0_i32 = arith.constant 0 : i32
    %c0_i32_0 = arith.constant 0 : i32
    %c0_i32_1 = arith.constant 0 : i32
    return %c0_i32, %c0_i32_0 : i32, i32
  }
  func.func @transform_4(%arg0: i32) -> (i32, i32) {
    %c0_i32 = arith.constant 0 : i32
    %c0_i32_0 = arith.constant 0 : i32
    %c0_i32_1 = arith.constant 0 : i32
    return %c0_i32, %c0_i32_0 : i32, i32
  }
  func.func @transform_5(%arg0: i32) -> (i32, i32) {
    %c0_i32 = arith.constant 0 : i32
    %c0_i32_0 = arith.constant 0 : i32
    %c0_i32_1 = arith.constant 0 : i32
    return %c0_i32, %c0_i32_0 : i32, i32
  }
  func.func @transform_6(%arg0: i32) -> (i32, i32) {
    %c0_i32 = arith.constant 0 : i32
    %c0_i32_0 = arith.constant 0 : i32
    %c0_i32_1 = arith.constant 0 : i32
    return %c0_i32, %c0_i32_0 : i32, i32
  }
  func.func @transform_7(%arg0: i32) -> (i32, i32) {
    %c0_i32 = arith.constant 0 : i32
    %c0_i32_0 = arith.constant 0 : i32
    %c0_i32_1 = arith.constant 0 : i32
    return %c0_i32, %c0_i32_0 : i32, i32
  }
  func.func @transform_8(%arg0: i32) -> (i32, i32) {
    %c0_i32 = arith.constant 0 : i32
    %c0_i32_0 = arith.constant 0 : i32
    %c0_i32_1 = arith.constant 0 : i32
    return %c0_i32, %c0_i32_0 : i32, i32
  }
  func.func @transform_9(%arg0: i32) -> (i32, i32) {
    %c0_i32 = arith.constant 0 : i32
    %c0_i32_0 = arith.constant 0 : i32
    %c0_i32_1 = arith.constant 0 : i32
    return %c0_i32, %c0_i32_0 : i32, i32
  }
  func.func @transform_10(%arg0: i32) -> (i32, i32) {
    %c0_i32 = arith.constant 0 : i32
    %c0_i32_0 = arith.constant 0 : i32
    %c0_i32_1 = arith.constant 0 : i32
    return %c0_i32, %c0_i32_0 : i32, i32
  }
  func.func @transform_11(%arg0: i32) -> (i32, i32) {
    %c0_i32 = arith.constant 0 : i32
    %c0_i32_0 = arith.constant 0 : i32
    return %arg0, %c0_i32 : i32, i32
  }
}

module attributes {stable_mosaic.version = 14 : i64} {
  func.func @_node_body(%arg0: i32, %arg1: memref<1000x128xf32, #tpu.memory_space<vmem>>, %arg2: memref<1000x128xf32, #tpu.memory_space<vmem>>, %arg3: memref<1000x128xf32, #tpu.memory_space<vmem>>, %arg4: memref<1000x128xf32, #tpu.memory_space<vmem>>, %arg5: memref<1000x128xf32, #tpu.memory_space<vmem>>, %arg6: memref<128x256xf32, #tpu.memory_space<vmem>>, %arg7: memref<128x256xf32, #tpu.memory_space<vmem>>, %arg8: memref<1x256xf32, #tpu.memory_space<vmem>>, %arg9: memref<256x256xf32, #tpu.memory_space<vmem>>, %arg10: memref<1x256xf32, #tpu.memory_space<vmem>>, %arg11: memref<256x128xf32, #tpu.memory_space<vmem>>, %arg12: memref<1x128xf32, #tpu.memory_space<vmem>>, %arg13: memref<128x256xf32, #tpu.memory_space<vmem>>, %arg14: memref<1x256xf32, #tpu.memory_space<vmem>>, %arg15: memref<256x256xf32, #tpu.memory_space<vmem>>, %arg16: memref<1x256xf32, #tpu.memory_space<vmem>>, %arg17: memref<256x10xf32, #tpu.memory_space<vmem>>, %arg18: memref<1x10xf32, #tpu.memory_space<vmem>>, %arg19: memref<1000x10xf32, #tpu.memory_space<vmem>>) attributes {dimension_semantics = [#tpu.dimension_semantics<arbitrary>], iteration_bounds = array<i64: 10>, scalar_prefetch = 0 : i64, scratch_operands = 0 : i64, tpu.core_type = #tpu.core_type<tc>, window_params = [{transform_indices = @transform_0, window_bounds = array<i64: 1000, 128>}, {transform_indices = @transform_1, window_bounds = array<i64: 1000, 128>}, {transform_indices = @transform_2, window_bounds = array<i64: 1000, 128>}, {transform_indices = @transform_3, window_bounds = array<i64: 1000, 128>}, {transform_indices = @transform_4, window_bounds = array<i64: 1000, 128>}, {pipeline_mode = #tpu.pipeline_mode<synchronous>, transform_indices = @transform_5, window_bounds = array<i64: 128, 256>}, {pipeline_mode = #tpu.pipeline_mode<synchronous>, transform_indices = @transform_6, window_bounds = array<i64: 128, 256>}, {pipeline_mode = #tpu.pipeline_mode<synchronous>, transform_indices = @transform_7, window_bounds = array<i64: 1, 256>}, {pipeline_mode = #tpu.pipeline_mode<synchronous>, transform_indices = @transform_8, window_bounds = array<i64: 256, 256>}, {pipeline_mode = #tpu.pipeline_mode<synchronous>, transform_indices = @transform_9, window_bounds = array<i64: 1, 256>}, {pipeline_mode = #tpu.pipeline_mode<synchronous>, transform_indices = @transform_10, window_bounds = array<i64: 256, 128>}, {pipeline_mode = #tpu.pipeline_mode<synchronous>, transform_indices = @transform_11, window_bounds = array<i64: 1, 128>}, {pipeline_mode = #tpu.pipeline_mode<synchronous>, transform_indices = @transform_12, window_bounds = array<i64: 128, 256>}, {pipeline_mode = #tpu.pipeline_mode<synchronous>, transform_indices = @transform_13, window_bounds = array<i64: 1, 256>}, {pipeline_mode = #tpu.pipeline_mode<synchronous>, transform_indices = @transform_14, window_bounds = array<i64: 256, 256>}, {pipeline_mode = #tpu.pipeline_mode<synchronous>, transform_indices = @transform_15, window_bounds = array<i64: 1, 256>}, {pipeline_mode = #tpu.pipeline_mode<synchronous>, transform_indices = @transform_16, window_bounds = array<i64: 256, 10>}, {pipeline_mode = #tpu.pipeline_mode<synchronous>, transform_indices = @transform_17, window_bounds = array<i64: 1, 10>}, {transform_indices = @transform_18, window_bounds = array<i64: 1000, 10>}]} {
    %get3A = arith.constant 0 : index
    %get3A_0 = arith.constant 0 : index
    %get3A_1 = vector.load %arg4[%get3A, %get3A_0] : memref<1000x128xf32, #tpu.memory_space<vmem>>, vector<1000x128xf32>
    %slice3A = vector.extract_strided_slice %get3A_1 {offsets = [0, 0], sizes = [1000, 1], strides = [1, 1]} : vector<1000x128xf32> to vector<1000x1xf32>
    %get3A_2 = arith.constant 0 : index
    %get3A_3 = arith.constant 0 : index
    %get3A_4 = vector.load %arg5[%get3A_2, %get3A_3] : memref<1000x128xf32, #tpu.memory_space<vmem>>, vector<1000x128xf32>
    %slice3A_5 = vector.extract_strided_slice %get3A_4 {offsets = [0, 0], sizes = [1000, 1], strides = [1, 1]} : vector<1000x128xf32> to vector<1000x1xf32>
    %add3A = arith.addf %slice3A, %slice3A_5 : vector<1000x1xf32>
    %get3A_6 = arith.constant 0 : index
    %get3A_7 = arith.constant 0 : index
    %get3A_8 = vector.load %arg2[%get3A_6, %get3A_7] : memref<1000x128xf32, #tpu.memory_space<vmem>>, vector<1000x128xf32>
    %get3A_9 = arith.constant 0 : index
    %get3A_10 = arith.constant 0 : index
    %get3A_11 = vector.load %arg3[%get3A_9, %get3A_10] : memref<1000x128xf32, #tpu.memory_space<vmem>>, vector<1000x128xf32>
    %add3A_12 = arith.addf %get3A_8, %get3A_11 : vector<1000x128xf32>
    %max3A = arith.constant 1.000000e+00 : f32
    %max3A_13 = vector.broadcast %max3A : f32 to vector<1000x1xf32>
    %max3A_14 = arith.maximumf %add3A, %max3A_13 : vector<1000x1xf32>
    %div3A = vector.broadcast %max3A_14 : vector<1000x1xf32> to vector<1000x128xf32>
    %div3A_15 = arith.divf %add3A_12, %div3A : vector<1000x128xf32>
    %get3A_16 = arith.constant 0 : index
    %get3A_17 = arith.constant 0 : index
    %get3A_18 = vector.load %arg1[%get3A_16, %get3A_17] : memref<1000x128xf32, #tpu.memory_space<vmem>>, vector<1000x128xf32>
    %get3A_19 = arith.constant 0 : index
    %get3A_20 = arith.constant 0 : index
    %get3A_21 = vector.load %arg6[%get3A_19, %get3A_20] : memref<128x256xf32, #tpu.memory_space<vmem>>, vector<128x256xf32>
    %dot_general3A = arith.constant dense<0.000000e+00> : vector<1000x256xf32>
    %dot_general3A_22 = tpu.matmul %get3A_18, %get3A_21, %dot_general3A {dimension_numbers = #tpu.dot_dimension_numbers<[1], [0], [0], [1], [0, 0, 1, 1], [], []>, transpose_lhs_hint = false} : vector<1000x128xf32>, vector<128x256xf32>, vector<1000x256xf32> -> vector<1000x256xf32>
    %get3A_23 = arith.constant 0 : index
    %get3A_24 = arith.constant 0 : index
    %get3A_25 = vector.load %arg7[%get3A_23, %get3A_24] : memref<128x256xf32, #tpu.memory_space<vmem>>, vector<128x256xf32>
    %dot_general3A_26 = arith.constant dense<0.000000e+00> : vector<1000x256xf32>
    %dot_general3A_27 = tpu.matmul %div3A_15, %get3A_25, %dot_general3A_26 {dimension_numbers = #tpu.dot_dimension_numbers<[1], [0], [0], [1], [0, 0, 1, 1], [], []>, transpose_lhs_hint = false} : vector<1000x128xf32>, vector<128x256xf32>, vector<1000x256xf32> -> vector<1000x256xf32>
    %add3A_28 = arith.addf %dot_general3A_22, %dot_general3A_27 : vector<1000x256xf32>
    %get3A_29 = arith.constant 0 : index
    %get3A_30 = arith.constant 0 : index
    %get3A_31 = vector.load %arg8[%get3A_29, %get3A_30] : memref<1x256xf32, #tpu.memory_space<vmem>>, vector<1x256xf32>
    %add3A_32 = vector.broadcast %get3A_31 : vector<1x256xf32> to vector<1000x256xf32>
    %add3A_33 = arith.addf %add3A_28, %add3A_32 : vector<1000x256xf32>
    %max3A_34 = arith.constant 0.000000e+00 : f32
    %max3A_35 = vector.broadcast %max3A_34 : f32 to vector<1000x256xf32>
    %max3A_36 = arith.maximumf %add3A_33, %max3A_35 : vector<1000x256xf32>
    %get3A_37 = arith.constant 0 : index
    %get3A_38 = arith.constant 0 : index
    %get3A_39 = vector.load %arg9[%get3A_37, %get3A_38] : memref<256x256xf32, #tpu.memory_space<vmem>>, vector<256x256xf32>
    %dot_general3A_40 = arith.constant dense<0.000000e+00> : vector<1000x256xf32>
    %dot_general3A_41 = tpu.matmul %max3A_36, %get3A_39, %dot_general3A_40 {dimension_numbers = #tpu.dot_dimension_numbers<[1], [0], [0], [1], [0, 0, 1, 1], [], []>, transpose_lhs_hint = false} : vector<1000x256xf32>, vector<256x256xf32>, vector<1000x256xf32> -> vector<1000x256xf32>
    %get3A_42 = arith.constant 0 : index
    %get3A_43 = arith.constant 0 : index
    %get3A_44 = vector.load %arg10[%get3A_42, %get3A_43] : memref<1x256xf32, #tpu.memory_space<vmem>>, vector<1x256xf32>
    %add3A_45 = vector.broadcast %get3A_44 : vector<1x256xf32> to vector<1000x256xf32>
    %add3A_46 = arith.addf %dot_general3A_41, %add3A_45 : vector<1000x256xf32>
    %max3A_47 = arith.constant 0.000000e+00 : f32
    %max3A_48 = vector.broadcast %max3A_47 : f32 to vector<1000x256xf32>
    %max3A_49 = arith.maximumf %add3A_46, %max3A_48 : vector<1000x256xf32>
    %get3A_50 = arith.constant 0 : index
    %get3A_51 = arith.constant 0 : index
    %get3A_52 = vector.load %arg11[%get3A_50, %get3A_51] : memref<256x128xf32, #tpu.memory_space<vmem>>, vector<256x128xf32>
    %dot_general3A_53 = arith.constant dense<0.000000e+00> : vector<1000x128xf32>
    %dot_general3A_54 = tpu.matmul %max3A_49, %get3A_52, %dot_general3A_53 {dimension_numbers = #tpu.dot_dimension_numbers<[1], [0], [0], [1], [0, 0, 1, 1], [], []>, transpose_lhs_hint = false} : vector<1000x256xf32>, vector<256x128xf32>, vector<1000x128xf32> -> vector<1000x128xf32>
    %get3A_55 = arith.constant 0 : index
    %get3A_56 = arith.constant 0 : index
    %get3A_57 = vector.load %arg12[%get3A_55, %get3A_56] : memref<1x128xf32, #tpu.memory_space<vmem>>, vector<1x128xf32>
    %add3A_58 = vector.broadcast %get3A_57 : vector<1x128xf32> to vector<1000x128xf32>
    %add3A_59 = arith.addf %dot_general3A_54, %add3A_58 : vector<1000x128xf32>
    %get3A_60 = arith.constant 0 : index
    %get3A_61 = arith.constant 0 : index
    %get3A_62 = vector.load %arg13[%get3A_60, %get3A_61] : memref<128x256xf32, #tpu.memory_space<vmem>>, vector<128x256xf32>
    %dot_general3A_63 = arith.constant dense<0.000000e+00> : vector<1000x256xf32>
    %dot_general3A_64 = tpu.matmul %add3A_59, %get3A_62, %dot_general3A_63 {dimension_numbers = #tpu.dot_dimension_numbers<[1], [0], [0], [1], [0, 0, 1, 1], [], []>, transpose_lhs_hint = false} : vector<1000x128xf32>, vector<128x256xf32>, vector<1000x256xf32> -> vector<1000x256xf32>
    %get3A_65 = arith.constant 0 : index
    %get3A_66 = arith.constant 0 : index
    %get3A_67 = vector.load %arg14[%get3A_65, %get3A_66] : memref<1x256xf32, #tpu.memory_space<vmem>>, vector<1x256xf32>
    %add3A_68 = vector.broadcast %get3A_67 : vector<1x256xf32> to vector<1000x256xf32>
    %add3A_69 = arith.addf %dot_general3A_64, %add3A_68 : vector<1000x256xf32>
    %max3A_70 = arith.constant 0.000000e+00 : f32
    %max3A_71 = vector.broadcast %max3A_70 : f32 to vector<1000x256xf32>
    %max3A_72 = arith.maximumf %add3A_69, %max3A_71 : vector<1000x256xf32>
    %get3A_73 = arith.constant 0 : index
    %get3A_74 = arith.constant 0 : index
    %get3A_75 = vector.load %arg15[%get3A_73, %get3A_74] : memref<256x256xf32, #tpu.memory_space<vmem>>, vector<256x256xf32>
    %dot_general3A_76 = arith.constant dense<0.000000e+00> : vector<1000x256xf32>
    %dot_general3A_77 = tpu.matmul %max3A_72, %get3A_75, %dot_general3A_76 {dimension_numbers = #tpu.dot_dimension_numbers<[1], [0], [0], [1], [0, 0, 1, 1], [], []>, transpose_lhs_hint = false} : vector<1000x256xf32>, vector<256x256xf32>, vector<1000x256xf32> -> vector<1000x256xf32>
    %get3A_78 = arith.constant 0 : index
    %get3A_79 = arith.constant 0 : index
    %get3A_80 = vector.load %arg16[%get3A_78, %get3A_79] : memref<1x256xf32, #tpu.memory_space<vmem>>, vector<1x256xf32>
    %add3A_81 = vector.broadcast %get3A_80 : vector<1x256xf32> to vector<1000x256xf32>
    %add3A_82 = arith.addf %dot_general3A_77, %add3A_81 : vector<1000x256xf32>
    %max3A_83 = arith.constant 0.000000e+00 : f32
    %max3A_84 = vector.broadcast %max3A_83 : f32 to vector<1000x256xf32>
    %max3A_85 = arith.maximumf %add3A_82, %max3A_84 : vector<1000x256xf32>
    %get3A_86 = arith.constant 0 : index
    %get3A_87 = arith.constant 0 : index
    %get3A_88 = vector.load %arg17[%get3A_86, %get3A_87] : memref<256x10xf32, #tpu.memory_space<vmem>>, vector<256x10xf32>
    %dot_general3A_89 = arith.constant dense<0.000000e+00> : vector<1000x10xf32>
    %dot_general3A_90 = tpu.matmul %max3A_85, %get3A_88, %dot_general3A_89 {dimension_numbers = #tpu.dot_dimension_numbers<[1], [0], [0], [1], [0, 0, 1, 1], [], []>, transpose_lhs_hint = false} : vector<1000x256xf32>, vector<256x10xf32>, vector<1000x10xf32> -> vector<1000x10xf32>
    %get3A_91 = arith.constant 0 : index
    %get3A_92 = arith.constant 0 : index
    %get3A_93 = vector.load %arg18[%get3A_91, %get3A_92] : memref<1x10xf32, #tpu.memory_space<vmem>>, vector<1x10xf32>
    %add3A_94 = vector.broadcast %get3A_93 : vector<1x10xf32> to vector<1000x10xf32>
    %add3A_95 = arith.addf %dot_general3A_90, %add3A_94 : vector<1000x10xf32>
    %swap3A = arith.constant 0 : index
    %swap3A_96 = arith.constant 0 : index
    %swap3A_97 = vector.load %arg19[%swap3A, %swap3A_96] : memref<1000x10xf32, #tpu.memory_space<vmem>>, vector<1000x10xf32>
    tpu.vector_store %arg19[%swap3A, %swap3A_96], %add3A_95 {strides = array<i32>} : memref<1000x10xf32, #tpu.memory_space<vmem>>, vector<1000x10xf32>,
    return
  }
  func.func @transform_0(%arg0: i32) -> (i32, i32) {
    %c0_i32 = arith.constant 0 : i32
    %c0_i32_0 = arith.constant 0 : i32
    return %arg0, %c0_i32 : i32, i32
  }
  func.func @transform_1(%arg0: i32) -> (i32, i32) {
    %c0_i32 = arith.constant 0 : i32
    %c0_i32_0 = arith.constant 0 : i32
    return %arg0, %c0_i32 : i32, i32
  }
  func.func @transform_2(%arg0: i32) -> (i32, i32) {
    %c0_i32 = arith.constant 0 : i32
    %c0_i32_0 = arith.constant 0 : i32
    return %arg0, %c0_i32 : i32, i32
  }
  func.func @transform_3(%arg0: i32) -> (i32, i32) {
    %c0_i32 = arith.constant 0 : i32
    %c0_i32_0 = arith.constant 0 : i32
    return %arg0, %c0_i32 : i32, i32
  }
  func.func @transform_4(%arg0: i32) -> (i32, i32) {
    %c0_i32 = arith.constant 0 : i32
    %c0_i32_0 = arith.constant 0 : i32
    return %arg0, %c0_i32 : i32, i32
  }
  func.func @transform_5(%arg0: i32) -> (i32, i32) {
    %c0_i32 = arith.constant 0 : i32
    %c0_i32_0 = arith.constant 0 : i32
    %c0_i32_1 = arith.constant 0 : i32
    return %c0_i32, %c0_i32_0 : i32, i32
  }
  func.func @transform_6(%arg0: i32) -> (i32, i32) {
    %c0_i32 = arith.constant 0 : i32
    %c0_i32_0 = arith.constant 0 : i32
    %c0_i32_1 = arith.constant 0 : i32
    return %c0_i32, %c0_i32_0 : i32, i32
  }
  func.func @transform_7(%arg0: i32) -> (i32, i32) {
    %c0_i32 = arith.constant 0 : i32
    %c0_i32_0 = arith.constant 0 : i32
    %c0_i32_1 = arith.constant 0 : i32
    return %c0_i32, %c0_i32_0 : i32, i32
  }
  func.func @transform_8(%arg0: i32) -> (i32, i32) {
    %c0_i32 = arith.constant 0 : i32
    %c0_i32_0 = arith.constant 0 : i32
    %c0_i32_1 = arith.constant 0 : i32
    return %c0_i32, %c0_i32_0 : i32, i32
  }
  func.func @transform_9(%arg0: i32) -> (i32, i32) {
    %c0_i32 = arith.constant 0 : i32
    %c0_i32_0 = arith.constant 0 : i32
    %c0_i32_1 = arith.constant 0 : i32
    return %c0_i32, %c0_i32_0 : i32, i32
  }
  func.func @transform_10(%arg0: i32) -> (i32, i32) {
    %c0_i32 = arith.constant 0 : i32
    %c0_i32_0 = arith.constant 0 : i32
    %c0_i32_1 = arith.constant 0 : i32
    return %c0_i32, %c0_i32_0 : i32, i32
  }
  func.func @transform_11(%arg0: i32) -> (i32, i32) {
    %c0_i32 = arith.constant 0 : i32
    %c0_i32_0 = arith.constant 0 : i32
    %c0_i32_1 = arith.constant 0 : i32
    return %c0_i32, %c0_i32_0 : i32, i32
  }
  func.func @transform_12(%arg0: i32) -> (i32, i32) {
    %c0_i32 = arith.constant 0 : i32
    %c0_i32_0 = arith.constant 0 : i32
    %c0_i32_1 = arith.constant 0 : i32
    return %c0_i32, %c0_i32_0 : i32, i32
  }
  func.func @transform_13(%arg0: i32) -> (i32, i32) {
    %c0_i32 = arith.constant 0 : i32
    %c0_i32_0 = arith.constant 0 : i32
    %c0_i32_1 = arith.constant 0 : i32
    return %c0_i32, %c0_i32_0 : i32, i32
  }
  func.func @transform_14(%arg0: i32) -> (i32, i32) {
    %c0_i32 = arith.constant 0 : i32
    %c0_i32_0 = arith.constant 0 : i32
    %c0_i32_1 = arith.constant 0 : i32
    return %c0_i32, %c0_i32_0 : i32, i32
  }
  func.func @transform_15(%arg0: i32) -> (i32, i32) {
    %c0_i32 = arith.constant 0 : i32
    %c0_i32_0 = arith.constant 0 : i32
    %c0_i32_1 = arith.constant 0 : i32
    return %c0_i32, %c0_i32_0 : i32, i32
  }
  func.func @transform_16(%arg0: i32) -> (i32, i32) {
    %c0_i32 = arith.constant 0 : i32
    %c0_i32_0 = arith.constant 0 : i32
    %c0_i32_1 = arith.constant 0 : i32
    return %c0_i32, %c0_i32_0 : i32, i32
  }
  func.func @transform_17(%arg0: i32) -> (i32, i32) {
    %c0_i32 = arith.constant 0 : i32
    %c0_i32_0 = arith.constant 0 : i32
    %c0_i32_1 = arith.constant 0 : i32
    return %c0_i32, %c0_i32_0 : i32, i32
  }
  func.func @transform_18(%arg0: i32) -> (i32, i32) {
    %c0_i32 = arith.constant 0 : i32
    %c0_i32_0 = arith.constant 0 : i32
    return %arg0, %c0_i32 : i32, i32
  }
}

</mosaic_0001>

<sc_bundles>
// kernel: kernel.11.cloned.1.call-start
scs
__scs_entry_jumppad:
0x0: {  	(pc) =	sbr.rel $0x88, $3  }
0x1: {  	(tag) =	ssettag $0x0;
	lr =	simm.s32 $0x1  }
0x2: {  	[smem:$0x3F86] =	sst lr;
	_ =	strace $0xD0000000  }
0x3: {  	_ = 	snop  }
0x4: {  	_ = 	snop  }
0x5: {  	_ = 	snop  }
0x6: {  	_ = 	snop  }
0x7: {  	_ = 	snop  }
__scs_overlays_trampoline_lowered:
0x8: {  	[smem:$0x3F95] =	sst s0  }
0x9: {  	[smem:$0x3F96] =	sst s1  }
0xa: {  	[smem:$0x3F97] =	sst s2  }
0xb: {  	[smem:$0x3F98] =	sst s3  }
0xc: {  	[smem:$0x3F99] =	sst s4  }
0xd: {  	[smem:$0x3F9A] =	sst s5  }
0xe: {  	[smem:$0x3F9B] =	sst s6  }
0xf: {  	[smem:$0x3F9C] =	sst s7  }
0x10: {  	[smem:$0x3F9D] =	sst s8  }
0x11: {  	[smem:$0x3F9E] =	sst s9;
	s0 =	simm.s32 @!p0 $0x0  }
0x12: {  	s1 =	sld [smem:$0x3F84];
	s0 =	simm.s32 @p0 $0x1  }
0x13: {  	[smem:$0x3F9F] =	sst s0;
	s0 =	simm.s32 @!p1 $0x0  }
0x14: {  	s2 =	sld [smem:$0x3F83];
	s0 =	simm.s32 @p1 $0x1  }
0x15: {  	[smem:$0x3FA0] =	sst s0;
	s0 =	simm.s32 @!p2 $0x0  }
0x16: {  	s3 =	sld [smem:$0x3FDB];
	s0 =	simm.s32 @p2 $0x1  }
0x17: {  	s4 =	simm.s32 $0x1BF5;
	[smem:$0x3FA2] =	sst s0  }
0x18: {  	s0 =	sld [smem:$0x3F85];
	_ =	swait.ge [sflag:s4], $0x0  }
0x19: {  	s7 =	sld [smem:$0x3F86]  }
0x1a: {  	s8 =	sadd.s32 $0xFFFFE003, lr  }
0x1b: {  	s9 =	sadd.s32 $0xFFFFFEF7, lr;
	s5 =	simm.s32 $0xFFFFFFFF;
	p2 =	slt.u32 s8, $0xFFFFF086  }
0x1c: {  	p1 =	slt.u32 s9, $0xF7A;
	s5 =	simm.s32 @!p2 $0x0  }
0x1d: {  	s5 =	simm.s32 @p1 $0x1;
	p0 =	seq.s32 s7, s2  }
0x1e: {  	s7 =	smul.u32 @!p0 $0xF7A, s2;
	p2 =	seq.s32 @!p0 s5, $0x0  }
0x1f: {  	s9 =	smul.u32 $0xF7A, s1;
	s8 =	simm.s32 @!p0 $0x1BF5;
	p2 =	por !p2, p0  }
0x20: {  	[sflag:s8] =	ssyncset.s32 @!p0 $0xFFFFF086;
	s6 =	sadd.s32 @!p0 s3, s7;
	s7 =	simm.s32 @!p0 $0x108  }
0x21: {  	s3 =	sadd.s32 s3, s9;
	s6 =	sadd.s32 @!p0 $0x88, s6;
	s7 =	simm.s32 @p2 $0x1082  }
0x22: {  	[simem:s7], [sflag:s8] =	dma.local @!p0 [hbm:s6], $0xF7A  }
0x23: {  	s9 =	sor.u32 $0xD0000000, s2;
	s6 =	simm.s32 $0x108;
	_ =	swait.ge @!p0 [sflag:s8], $0x0  }
0x24: {  	s3 =	sadd.s32 $0x88, s3;
	s6 =	simm.s32 @!p1 $0x1082;
	[sflag:s4] =	ssyncset.s32 $0xFFFFF086  }
0x25: {  	[simem:s6], [sflag:s4] =	dma.local [hbm:s3], $0xF7A  }
0x26: {  	[smem:$0x3F86] =	sst s1;
	(tag) =	ssettag s2;
	_ =	strace s9  }
0x27: {  	s1 =	sld [smem:$0x3F96]  }
0x28: {  	s2 =	sld [smem:$0x3F97]  }
0x29: {  	s4 =	sld [smem:$0x3F99]  }
0x2a: {  	p0 =	seq.s32 s5, $0x0;
	s5 =	sld [smem:$0x3F9A]  }
0x2b: {  	s6 =	sld [smem:$0x3F9B]  }
0x2c: {  	s7 =	sld [smem:$0x3F9C]  }
0x2d: {  	s3 =	simm.s32 $0x108;
	s8 =	sld [smem:$0x3F9D]  }
0x2e: {  	s3 =	simm.s32 @!p0 $0x1082;
	s9 =	sld [smem:$0x3F9E]  }
0x2f: {  	lr =	sadd.s32 s0, s3;
	s0 =	sld [smem:$0x3F95]  }
0x30: {  	s3 =	sld [smem:$0x3F98]  }
0x31: {  	[smem:$0x3FA1] =	sst s10  }
0x32: {  	s10 =	sld [smem:$0x3F9F];
	_ =	sdelay $0x3  }
0x33: {  	p0 =	seq.s32 s10, $0x1;
	s10 =	sld [smem:$0x3FA1];
	_ =	sdelay $0x3  }
0x34: {  	[smem:$0x3FA1] =	sst s10  }
0x35: {  	s10 =	sld [smem:$0x3FA0];
	_ =	sdelay $0x3  }
0x36: {  	p1 =	seq.s32 s10, $0x1;
	s10 =	sld [smem:$0x3FA1];
	_ =	sdelay $0x3  }
0x37: {  	[smem:$0x3FA1] =	sst s10  }
0x38: {  	s10 =	sld [smem:$0x3FA2]  }
0x39: {  	_ = 	snop;
	(pc) =	sbr.ind lr, $3  }
0x3a: {  	_ = 	snop  }
0x3b: {  	_ = 	snop  }
0x3c: {  	p2 =	seq.s32 s10, $0x1;
	s10 =	sld [smem:$0x3FA1]  }
0x3d: {  	_ =	shalt  }
0x3e: {  	_ =	shalt  }
0x3f: {  	_ =	shalt  }
0x40: {  	_ =	shalt  }
0x41: {  	_ =	shalt  }
0x42: {  	_ =	shalt  }
0x43: {  	_ =	shalt  }
0x44: {  	_ =	shalt  }
0x45: {  	_ =	shalt  }
0x46: {  	_ =	shalt  }
0x47: {  	_ =	shalt  }
0x48: {  	_ =	shalt  }
0x49: {  	_ =	shalt  }
0x4a: {  	_ =	shalt  }
0x4b: {  	_ =	shalt  }
0x4c: {  	_ =	shalt  }
0x4d: {  	_ =	shalt  }
0x4e: {  	_ =	shalt  }
0x4f: {  	_ =	shalt  }
0x50: {  	_ =	shalt  }
0x51: {  	_ =	shalt  }
0x52: {  	_ =	shalt  }
0x53: {  	_ =	shalt  }
0x54: {  	_ =	shalt  }
0x55: {  	_ =	shalt  }
0x56: {  	_ =	shalt  }
0x57: {  	_ =	shalt  }
0x58: {  	_ =	shalt  }
0x59: {  	_ =	shalt  }
0x5a: {  	_ =	shalt  }
0x5b: {  	_ =	shalt  }
0x5c: {  	_ =	shalt  }
0x5d: {  	_ =	shalt  }
0x5e: {  	_ =	shalt  }
0x5f: {  	_ =	shalt  }
0x60: {  	_ =	shalt  }
0x61: {  	_ =	shalt  }
0x62: {  	_ =	shalt  }
0x63: {  	_ =	shalt  }
0x64: {  	_ =	shalt  }
0x65: {  	_ =	shalt  }
0x66: {  	_ =	shalt  }
0x67: {  	_ =	shalt  }
0x68: {  	_ =	shalt  }
0x69: {  	_ =	shalt  }
0x6a: {  	_ =	shalt  }
0x6b: {  	_ =	shalt  }
0x6c: {  	_ =	shalt  }
0x6d: {  	_ =	shalt  }
0x6e: {  	_ =	shalt  }
0x6f: {  	_ =	shalt  }
0x70: {  	_ =	shalt  }
0x71: {  	_ =	shalt  }
0x72: {  	_ =	shalt  }
0x73: {  	_ =	shalt  }
0x74: {  	_ =	shalt  }
0x75: {  	_ =	shalt  }
0x76: {  	_ =	shalt  }
0x77: {  	_ =	shalt  }
0x78: {  	_ =	shalt  }
0x79: {  	_ =	shalt  }
0x7a: {  	_ =	shalt  }
0x7b: {  	_ =	shalt  }
0x7c: {  	_ =	shalt  }
0x7d: {  	_ =	shalt  }
0x7e: {  	_ =	shalt  }
0x7f: {  	_ =	shalt  }
0x80: {  	_ =	shalt  }
0x81: {  	_ =	shalt  }
0x82: {  	_ =	shalt  }
0x83: {  	_ =	shalt  }
0x84: {  	_ =	shalt  }
0x85: {  	_ =	shalt  }
0x86: {  	_ =	shalt  }
0x87: {  	_ =	shalt  }
.Lfunc_end0:
.L_simem_size_0:
called_computation.1_lowered:
.L_overlay_start_0:
0x88: {  	s2 =	sld [smem:$0x3FD9]  }
0x89: {  	s3 =	sld [smem:$0x3FFE];
	_ =	sdelay $0x1  }
0x8a: {  	s1 =	srdreg.scid  }
0x8b: {  	s0 =	sand.u32 $0x1, s1  }
0x8c: {  	s16 =	sshll.u32 s0, $0xA;
	s2 =	sadd.s32 s3, s2  }
0x8d: {  	s2 =	sadd.s32 s2, s16  }
0x8e: {  	[smem:$0x3FAD] =	sst s2  }
0x8f: {  	_ = 	snop  }
0x90: {  	(tm) =	ssettm $0x1  }
0x91: {  	s17 =	sld [smem:$0x3FFB];
	_ =	sdelay $0x3  }
0x92: {  	_ =	strace s17  }
0x93: {  	s2 =	sld [smem:$0x3FFC];
	_ =	sdelay $0x3  }
0x94: {  	_ =	strace s2  }
0x95: {  	s2 =	sld [smem:$0x3FFD];
	_ =	sdelay $0x3  }
0x96: {  	_ =	strace s2  }
0x97: {  	_ =	strace $0x8FFFFFFF  }
0x98: {  	s18 =	sld [smem:$0x3FDB];
	_ =	sdelay $0x1  }
0x99: {  	s19 =	simm.s32 $_scs_section_size  }
0x9a: {  	s4 =	simm.s32 $_size__tile_overlayer_lowered;
	s5 =	simm.s32 $_tile_overlayer_lowered  }
0x9b: {  	s22 =	simm.s32 $0x1BFF;
	s21 =	sshll.u32 s5, $0x1;
	s2 =	sadd.s32 s19, s18  }
0x9c: {  	s6 =	simm.s32 $0x0;
	s20 =	sshll.u32 s4, $0x1;
	s4 =	sadd.s32 s21, s2  }
0x9d: {  	[timem:s6], [sflag:s22] =	dma.local [hbm:s4], s20  }
0x9e: {  	_ =	swait.ge [sflag:s22], s20  }
0x9f: {  	s3 =	ssub.s32 $0x0, s20;
	[sflag:s22] =	ssyncset.done $0x0  }
0xa0: {  	[sflag:s22] =	ssyncadd.s32 s3;
	_ =	sdelay $0x1  }
0xa1: {  	s23 =	simm.s32 $0x1B8B  }
0xa2: {  	_ =	swait.ge [sflag:s23], $0x1  }
0xa3: {  	[sflag:s23] =	ssyncset.done $0x0  }
0xa4: {  	s25 =	simm.s32 $0x1B8E;
	s24 =	sld [smem:$0x3FFE];
	[sflag:s23] =	ssyncadd.s32 $0xFFFFFFFF  }
0xa5: {  	s26 =	simm.s32 $execute0_lowered;
	[smem:$0x3FD2] =	sst s25  }
0xa6: {  	s4 =	sshll.u32 s26, $0x1;
	_ =	strace $0x80000046;
	[dreg:$0x1] =	wrdreg $0xFFFFFFFF  }
0xa7: {  	s28 =	simm.s32 $_size_execute0_lowered;
	s2 =	sadd.s32 s2, s4;
	[dreg:$0x0] =	wrdreg $0x0  }
0xa8: {  	s4 =	sshll.u32 s28, $0x1;
	[dreg:$0x2] =	wrdreg s2  }
0xa9: {  	[dreg:$0x3] =	wrdreg s4  }
0xaa: {  	[dreg:$0x4] =	wrdreg $0xC0  }
0xab: {  	_ =	task [dreg:s6], $0x5FFFF  }
0xac: {  	[dreg:$0x1] =	wrdreg $0xFFFFFFFF  }
0xad: {  	[dreg:$0x0] =	wrdreg $0x60  }
0xae: {  	[dreg:$0x2] =	wrdreg s24  }
0xaf: {  	[dreg:$0x3] =	wrdreg $0xA  }
0xb0: {  	_ =	task.clear_ibuf [dreg:s6], $0x4FFFF;
	_ =	strace $0x90000046  }
0xb1: {  	s29 =	simm.s32 $0xA;
	_ =	strace $0x80000048  }
0xb2: {  	_ =	swait.ge [sflag:s29], $0x1  }
0xb3: {  	[sflag:s29] =	ssyncadd.s32 $0xFFFFFFFF  }
0xb4: {  	_ =	strace $0x90000048  }
0xb5: {  	_ =	sfence  }
0xb6: {  	s30 =	sld [smem:$0x0];
	_ =	sdelay $0x2  }
0xb7: {  	s31 =	sshll.u32 s1, $0xD;
	s1 =	sshrl.u32 s1, $0x2  }
0xb8: {  	s3 =	sand.u32 $0x4000, s31;
	s1 =	sadd.s32 s1, s30  }
0xb9: {  	s0 =	sor.u32 s3, s0;
	s1 =	sshll.u32 s1, $0x11  }
0xba: {  	s0 =	sor.u32 s1, s0  }
0xbb: {  	s0 =	sadd.s32 $0x8F2B, s0  }
0xbc: {  	[sflag:s0] =	ssyncadd.remote.s32 $0x1  }
0xbd: {  	_ =	sfence.sel $0xFFFF  }
0xbe: {  	[dreg:$0x0] =	wrdreg $0xFFFFFFFF;
	(pc) =	sbr.abs _section_cstart, $3  }
0xbf: {  	[dreg:$0x1] =	wrdreg $0xFFFFFFFF  }
0xc0: {  	_ =	task.clear_ibuf [dreg:s6], $0x2FFFF;
	_ =	strace $0x9FFFFFFF  }
0xc1: {  	(tm) =	ssettm $0x7FFFFFFF  }
tec
execute0_lowered:
.L_overlay_start_1:
0x0: {  	(tag) =	ssettag $0x1  }
0x1: {  	s0 =	rddreg [dreg:$0x0];
	s2 =	simm.s32 $0x0;
	s1 =	srdreg.scid  }
0x2: {  	s13 =	stileid.u32;
	s18 =	simm.s32 $0x2;
	s19 =	simm.s32 $0x28  }
0x3: {  	s21 =	simm.s32 $0xCC00;
	s23 =	simm.s32 $0x13000;
	s15 =	simm.s32 $0x10800  }
0x4: {  	s14 =	simm.s32 $0xCBA0;
	s16 =	simm.s32 $0x18000;
	s17 =	simm.s32 $0x3  }
0x5: {  	s20 =	simm.s32 $0x0;
	[smem:$0x7FF] =	sst s2;
	s1 =	sand.u32 $0x1, s1  }
0x6: {  	s5 =	sshll.u32 s13, $0x1;
	s3 =	sadd.s32 $0x19A00, s0;
	s9 =	smul.u32 $0x4E20, s13  }
0x7: {  	s4 =	sadd.s32 $0x5E00, s0;
	s6 =	sadd.s32 $0x40C00, s0;
	s26 =	smul.u32 $0x4E200, s13  }
0x8: {  	s8 =	sadd.s32 $0x522C00, s0;
	s13 =	simm.s32 $0x11C00;
	s12 =	smul.u32 $0x2710, s1  }
0x9: {  	s7 =	sor.u32 s1, s5;
	s24 =	ssub.s32 $0x2, s1;
	s28 =	smul.u32 $0x27100, s1  }
0xa: {  	_ =	strace $0x80000047;
	s7 =	smul.u32 $0x2710, s7;
	s10 =	sshrl.u32 s24, $0x1  }
0xb: {  	s5 =	sadd.s32 $0xFC00, s0;
	s30 =	sadd.s32 s26, s6;
	s0 =	ssub.s32 s24, s10  }
0xc: {  	s29 =	sadd.s32 s12, s9;
	s31 =	sadd.s32 s28, s30;
	s11 =	sshrl.u32 s7, $0x3  }
.Ltmp0:
0xd: {  	s0 =	smax.u32 s0, $0x1;
	[dreg:$0x5] =	wrdreg s31;
	(pc) =	sbr.rel .LBB2_1-.Ltmp0, $4  }
0xe: {  	s10 =	sadd.s32 s26, s8;
	s25 =	sadd.s32 s4, s11;
	[dreg:$0x4] =	wrdreg s0  }
0xf: {  	s9 =	simm.s32 $0xCB78;
	s11 =	sadd.s32 s5, s11;
	[dreg:$0x2] =	wrdreg s25  }
0x10: {  	s12 =	sadd.s32 $0xC8, s29;
	s0 =	sadd.s32 s28, s10;
	[dreg:$0x3] =	wrdreg s11  }
0x11: {  	s10 =	simm.s32 $0x16C00;
	[dreg:$0x6] =	wrdreg s0;
	s11 =	simm.s32 $0xCAA0  }
.LBB2_5:
0x12: {  	s0 =	simm.s32 $0x4  }
0x13: {  	_ =	swait.ge [sflag:s0], $0x6400  }
0x14: {  	[sflag:s0] =	ssyncset.done $0x0  }
0x15: {  	[sflag:s0] =	ssyncadd.s32 $0xFFFF9C00  }
0x16: {  	_ =	swait.ge [sflag:s0], $0x6400  }
0x17: {  	[sflag:s0] =	ssyncset.done $0x0  }
0x18: {  	s1 =	simm.s32 $0x5;
	[sflag:s0] =	ssyncadd.s32 $0xFFFF9C00  }
0x19: {  	_ =	swait.ge [sflag:s1], $0x6400  }
0x1a: {  	[sflag:s1] =	ssyncset.done $0x0  }
0x1b: {  	[sflag:s1] =	ssyncadd.s32 $0xFFFF9C00  }
0x1c: {  	_ =	swait.ge [sflag:s1], $0x6400  }
0x1d: {  	s20 =	rddreg [dreg:$0x7]  }
0x1e: {  	s31 =	rddreg [dreg:$0x4];
	s20 =	sadd.s32 $0x1, s20  }
0x1f: {  	p0 =	sne.s32 s20, s31  }
.Ltmp1:
0x20: {  	_ = 	snop;
	(pc) =	sbr.rel @!p0 .LBB2_6-.Ltmp1, $3  }
0x21: {  	_ =	sdelay $0x1  }
0x22: {  	[sflag:s1] =	ssyncset.done $0x0  }
0x23: {  	[sflag:s1] =	ssyncadd.s32 $0xFFFF9C00  }
.LBB2_1:
0x24: {  	[dreg:$0x7] =	wrdreg s20  }
0x25: {  	s0 =	rddreg [dreg:$0x2]  }
.Ltmp2:
0x26: {  	s31 =	rddreg [dreg:$0x3];
	(pc) =	sbr.rel .LBB2_2-.Ltmp2, $4  }
0x27: {  	s1 =	simm.s32 $0x100;
	s20 =	rddreg [dreg:$0x6]  }
0x28: {  	[tilespmem:s2], [sflag:$0x1] =	stream.linear.gather [hbm4b:s0+s2], $0xC8, $0x38;
	[tilespmem:$0x19400] =	vst v63  }
0x29: {  	s22 =	rddreg [dreg:$0x5];
	s24 =	simm.s32 $0x0;
	s25 =	simm.s32 $0x0  }
0x2a: {  	[tilespmem:s1], [sflag:$0x1] =	stream.linear.gather [hbm4b:s31+s2], $0xC8, $0x38;
	[tilespmem:$0x19400] =	vst v63  }
.LBB2_4:
0x2b: {  	s24 =	sadd.s32 $0xC8, s24  }
0x2c: {  	p0 =	sne.s32 s24, $0x2710  }
.Ltmp3:
0x2d: {  	_ = 	snop;
	(pc) =	sbr.rel @!p0 .LBB2_5-.Ltmp3, $2  }
0x2e: {  	_ =	sdelay $0x2  }
0x2f: {  	s25 =	sadd.s32 $0x1, s25;
	s22 =	sadd.s32 $0xC80, s22;
	s20 =	sadd.s32 $0xC80, s20  }
.LBB2_2:
0x30: {  	s26 =	sand.u32 $0x1, s25  }
0x31: {  	p0 =	seq.s32 s26, $0x1  }
0x32: {  	s28 =	simm.s32 @!p0 $0x1  }
0x33: {  	_ =	swait.ge @!p0 [sflag:s28], $0xC8  }
0x34: {  	[sflag:s28] =	ssyncset.done @!p0 $0x0  }
0x35: {  	[sflag:s28] =	ssyncadd.s32 @!p0 $0xFFFFFF38  }
0x36: {  	p1 =	slt.u32 @!p0 s25, $0x2;
	_ =	swait.ge @!p0 [sflag:s28], $0xC8  }
0x37: {  	p1 =	por p1, p0;
	[sflag:s28] =	ssyncset.done @!p0 $0x0  }
0x38: {  	[sflag:s28] =	ssyncadd.s32 @!p0 $0xFFFFFF38;
	s28 =	simm.s32 @!p1 $0x4  }
0x39: {  	_ =	swait.ge @!p1 [sflag:s28], $0x6400  }
0x3a: {  	[sflag:s28] =	ssyncset.done @!p1 $0x0  }
0x3b: {  	[sflag:s28] =	ssyncadd.s32 @!p1 $0xFFFF9C00  }
0x3c: {  	_ =	swait.ge @!p1 [sflag:s28], $0x6400  }
0x3d: {  	s31 =	simm.s32 @!p0 $0x28;
	[sflag:s28] =	ssyncset.done @!p1 $0x0  }
0x3e: {  	s29 =	simm.s32 @!p0 $0x200;
	[sflag:s28] =	ssyncadd.s32 @!p1 $0xFFFF9C00;
	s28 =	simm.s32 @!p0 $0x0  }
0x3f: {  	[tilespmem:s29], [sflag:$0x3] =	stream.indirect.gather @!p0 [hbm4b:s3+s31], $0x80, s28, s31, $0xb8;
	[tilespmem:$0x19400] =	vst v63  }
0x40: {  	s0 =	simm.s32 @!p0 $0x100;
	s30 =	simm.s32 @!p0 $0x6600  }
0x41: {  	[tilespmem:s30], [sflag:$0x3] =	stream.indirect.gather @!p0 [hbm4b:s3+s31], $0x80, s0, s31, $0xb8;
	[tilespmem:$0x19400] =	vst v63  }
0x42: {  	s0 =	simm.s32 @!p0 $0x1600  }
0x43: {  	[tilespmem:s0], [sflag:$0x3] =	stream.indirect.gather @!p0 [hbm4b:s3+s31], $0x80, s31, s31, $0xb8;
	[tilespmem:$0x19400] =	vst v63  }
0x44: {  	s1 =	simm.s32 @!p0 $0x7A00;
	s0 =	simm.s32 @!p0 $0x128  }
0x45: {  	[tilespmem:s1], [sflag:$0x3] =	stream.indirect.gather @!p0 [hbm4b:s3+s31], $0x80, s0, s31, $0xb8;
	[tilespmem:$0x19400] =	vst v63  }
0x46: {  	s0 =	simm.s32 @!p0 $0x50;
	s1 =	simm.s32 @!p0 $0x2A00  }
0x47: {  	[tilespmem:s1], [sflag:$0x3] =	stream.indirect.gather @!p0 [hbm4b:s3+s31], $0x80, s0, s31, $0xb8;
	[tilespmem:$0x19400] =	vst v63  }
0x48: {  	s0 =	simm.s32 @!p0 $0x150;
	s1 =	simm.s32 @!p0 $0x8E00  }
0x49: {  	[tilespmem:s1], [sflag:$0x3] =	stream.indirect.gather @!p0 [hbm4b:s3+s31], $0x80, s0, s31, $0xb8;
	[tilespmem:$0x19400] =	vst v63  }
0x4a: {  	s0 =	simm.s32 @!p0 $0x78;
	s1 =	simm.s32 @!p0 $0x3E00  }
0x4b: {  	[tilespmem:s1], [sflag:$0x3] =	stream.indirect.gather @!p0 [hbm4b:s3+s31], $0x80, s0, s31, $0xb8;
	[tilespmem:$0x19400] =	vst v63  }
0x4c: {  	s0 =	simm.s32 @!p0 $0x178;
	s1 =	simm.s32 @!p0 $0xA200  }
0x4d: {  	[tilespmem:s1], [sflag:$0x3] =	stream.indirect.gather @!p0 [hbm4b:s3+s31], $0x80, s0, s31, $0xb8;
	[tilespmem:$0x19400] =	vst v63  }
0x4e: {  	s0 =	simm.s32 @!p0 $0xA0;
	s1 =	simm.s32 @!p0 $0x5200  }
0x4f: {  	[tilespmem:s1], [sflag:$0x3] =	stream.indirect.gather @!p0 [hbm4b:s3+s31], $0x80, s0, s31, $0xb8;
	[tilespmem:$0x19400] =	vst v63  }
0x50: {  	s0 =	simm.s32 @!p0 $0x1A0;
	s1 =	simm.s32 @!p0 $0xB600  }
0x51: {  	[tilespmem:s1], [sflag:$0x3] =	stream.indirect.gather @!p0 [hbm4b:s3+s31], $0x80, s0, s31, $0xb8;
	[tilespmem:$0x19400] =	vst v63  }
0x52: {  	s0 =	sadd.s32 @!p0 s24, s12  }
0x53: {  	s0 =	sshrl.u32 @!p0 s0, $0x3  }
0x54: {  	s31 =	simm.s32 @!p0 $0xCA00;
	s1 =	sadd.s32 @!p0 s4, s0  }
0x55: {  	[tilespmem:s31], [sflag:$0x2] =	stream.linear.gather @!p0 [hbm4b:s1+s28], $0xC8, $0x38;
	[tilespmem:$0x19400] =	vst v63  }
0x56: {  	s0 =	sadd.s32 @!p0 s5, s0;
	s1 =	simm.s32 @!p0 $0xCB00  }
0x57: {  	[tilespmem:s1], [sflag:$0x2] =	stream.linear.gather @!p0 [hbm4b:s0+s28], $0xC8, $0x38;
	[tilespmem:$0x19400] =	vst v63  }
0x58: {  	s0 =	simm.s32 @!p0 $0x3  }
0x59: {  	_ =	swait.ge @!p0 [sflag:s0], $0x1400  }
0x5a: {  	[sflag:s0] =	ssyncset.done @!p0 $0x0  }
0x5b: {  	[sflag:s0] =	ssyncadd.s32 @!p0 $0xFFFFEC00  }
0x5c: {  	_ =	swait.ge @!p0 [sflag:s0], $0x1400  }
0x5d: {  	[sflag:s0] =	ssyncset.done @!p0 $0x0  }
0x5e: {  	[sflag:s0] =	ssyncadd.s32 @!p0 $0xFFFFEC00  }
0x5f: {  	_ =	swait.ge @!p0 [sflag:s0], $0x1400  }
0x60: {  	[sflag:s0] =	ssyncset.done @!p0 $0x0  }
0x61: {  	[sflag:s0] =	ssyncadd.s32 @!p0 $0xFFFFEC00  }
0x62: {  	_ =	swait.ge @!p0 [sflag:s0], $0x1400  }
0x63: {  	[sflag:s0] =	ssyncset.done @!p0 $0x0  }
0x64: {  	[sflag:s0] =	ssyncadd.s32 @!p0 $0xFFFFEC00  }
0x65: {  	_ =	swait.ge @!p0 [sflag:s0], $0x1400  }
0x66: {  	[sflag:s0] =	ssyncset.done @!p0 $0x0  }
0x67: {  	[sflag:s0] =	ssyncadd.s32 @!p0 $0xFFFFEC00  }
0x68: {  	_ =	swait.ge @!p0 [sflag:s0], $0x1400  }
0x69: {  	[sflag:s0] =	ssyncset.done @!p0 $0x0  }
0x6a: {  	[sflag:s0] =	ssyncadd.s32 @!p0 $0xFFFFEC00  }
0x6b: {  	_ =	swait.ge @!p0 [sflag:s0], $0x1400  }
0x6c: {  	[sflag:s0] =	ssyncset.done @!p0 $0x0  }
0x6d: {  	[sflag:s0] =	ssyncadd.s32 @!p0 $0xFFFFEC00  }
0x6e: {  	_ =	swait.ge @!p0 [sflag:s0], $0x1400  }
0x6f: {  	[sflag:s0] =	ssyncset.done @!p0 $0x0  }
0x70: {  	[sflag:s0] =	ssyncadd.s32 @!p0 $0xFFFFEC00  }
0x71: {  	_ =	swait.ge @!p0 [sflag:s0], $0x1400  }
0x72: {  	[sflag:s0] =	ssyncset.done @!p0 $0x0  }
0x73: {  	[sflag:s0] =	ssyncadd.s32 @!p0 $0xFFFFEC00  }
0x74: {  	_ =	swait.ge @!p0 [sflag:s0], $0x1400  }
0x75: {  	[sflag:s0] =	ssyncset.done @!p0 $0x0  }
0x76: {  	[sflag:s0] =	ssyncadd.s32 @!p0 $0xFFFFEC00  }
0x77: {  	[hbm4b:s22+s28] =	stream.linear.scatter @!p0 [tilespmem:s29], [sflag:$0x4], $0x6400, $0x38;
	[tilespmem:$0x19400] =	vst v63  }
0x78: {  	p1 =	seq.s32 @!p0 s26, $0x0  }
0x79: {  	[hbm4b:s20+s28] =	stream.linear.scatter @!p0 [tilespmem:s30], [sflag:$0x4], $0x6400, $0x38;
	[tilespmem:$0x19400] =	vst v63  }
0x7a: {  	p0 =	por p0, !p1  }
.Ltmp4:
0x7b: {  	_ = 	snop;
	(pc) =	sbr.rel @!p0 .LBB2_4-.Ltmp4, $1  }
0x7c: {  	_ =	sdelay $0x3  }
0x7d: {  	_ =	swait.ge [sflag:s18], $0xC8  }
0x7e: {  	[sflag:s18] =	ssyncset.done $0x0  }
0x7f: {  	[sflag:s18] =	ssyncadd.s32 $0xFFFFFF38  }
0x80: {  	_ =	swait.ge [sflag:s18], $0xC8  }
0x81: {  	p0 =	slt.u32 s25, $0x2;
	[sflag:s18] =	ssyncset.done $0x0  }
0x82: {  	s0 =	simm.s32 @!p0 $0x5;
	[sflag:s18] =	ssyncadd.s32 $0xFFFFFF38  }
0x83: {  	_ =	swait.ge @!p0 [sflag:s0], $0x6400  }
0x84: {  	[sflag:s0] =	ssyncset.done @!p0 $0x0  }
0x85: {  	[sflag:s0] =	ssyncadd.s32 @!p0 $0xFFFF9C00  }
0x86: {  	_ =	swait.ge @!p0 [sflag:s0], $0x6400  }
0x87: {  	[sflag:s0] =	ssyncset.done @!p0 $0x0  }
0x88: {  	s26 =	simm.s32 $0xCA00;
	[sflag:s0] =	ssyncadd.s32 @!p0 $0xFFFF9C00  }
0x89: {  	[tilespmem:s21], [sflag:$0x3] =	stream.indirect.gather [hbm4b:s3+s19], $0x80, s26, s19, $0xb8;
	[tilespmem:$0x19400] =	vst v63  }
0x8a: {  	s28 =	simm.s32 $0xCB00  }
0x8b: {  	[tilespmem:s23], [sflag:$0x3] =	stream.indirect.gather [hbm4b:s3+s19], $0x80, s28, s19, $0xb8;
	[tilespmem:$0x19400] =	vst v63  }
0x8c: {  	s29 =	simm.s32 $0xCA28;
	s1 =	simm.s32 $0xE000  }
0x8d: {  	[tilespmem:s1], [sflag:$0x3] =	stream.indirect.gather [hbm4b:s3+s19], $0x80, s29, s19, $0xb8;
	[tilespmem:$0x19400] =	vst v63  }
0x8e: {  	s30 =	simm.s32 $0xCB28;
	s31 =	simm.s32 $0x14400  }
0x8f: {  	[tilespmem:s31], [sflag:$0x3] =	stream.indirect.gather [hbm4b:s3+s19], $0x80, s30, s19, $0xb8;
	[tilespmem:$0x19400] =	vst v63  }
0x90: {  	s26 =	simm.s32 $0xF400;
	s1 =	simm.s32 $0xCA50  }
0x91: {  	[tilespmem:s26], [sflag:$0x3] =	stream.indirect.gather [hbm4b:s3+s19], $0x80, s1, s19, $0xb8;
	[tilespmem:$0x19400] =	vst v63  }
0x92: {  	s28 =	simm.s32 $0xCB50;
	s29 =	simm.s32 $0x15800  }
0x93: {  	[tilespmem:s29], [sflag:$0x3] =	stream.indirect.gather [hbm4b:s3+s19], $0x80, s28, s19, $0xb8;
	[tilespmem:$0x19400] =	vst v63  }
0x94: {  	s30 =	simm.s32 $0xCA78  }
0x95: {  	[tilespmem:s15], [sflag:$0x3] =	stream.indirect.gather [hbm4b:s3+s19], $0x80, s30, s19, $0xb8;
	[tilespmem:$0x19400] =	vst v63  }
0x96: {  	p0 =	seq.s32 s24, $0x2648  }
0x97: {  	[tilespmem:s10], [sflag:$0x3] =	stream.indirect.gather [hbm4b:s3+s19], $0x80, s9, s19, $0xb8;
	[tilespmem:$0x19400] =	vst v63  }
0x98: {  	s0 =	sadd.s32 @!p0 s24, s12  }
0x99: {  	[tilespmem:s13], [sflag:$0x3] =	stream.indirect.gather [hbm4b:s3+s19], $0x80, s11, s19, $0xb8;
	[tilespmem:$0x19400] =	vst v63  }
0x9a: {  	s0 =	sshrl.u32 @!p0 s0, $0x3  }
0x9b: {  	[tilespmem:s16], [sflag:$0x3] =	stream.indirect.gather [hbm4b:s3+s19], $0x80, s14, s19, $0xb8;
	[tilespmem:$0x19400] =	vst v63  }
0x9c: {  	s1 =	sadd.s32 @!p0 s4, s0;
	s26 =	simm.s32 @!p0 $0x0  }
0x9d: {  	[tilespmem:s26], [sflag:$0x1] =	stream.linear.gather @!p0 [hbm4b:s1+s26], $0xC8, $0x38;
	[tilespmem:$0x19400] =	vst v63  }
0x9e: {  	s0 =	sadd.s32 @!p0 s5, s0;
	s1 =	simm.s32 @!p0 $0x100  }
0x9f: {  	[tilespmem:s1], [sflag:$0x1] =	stream.linear.gather @!p0 [hbm4b:s0+s26], $0xC8, $0x38;
	[tilespmem:$0x19400] =	vst v63  }
0xa0: {  	_ =	swait.ge [sflag:s17], $0x1400  }
0xa1: {  	[sflag:s17] =	ssyncset.done $0x0  }
0xa2: {  	[sflag:s17] =	ssyncadd.s32 $0xFFFFEC00  }
0xa3: {  	_ =	swait.ge [sflag:s17], $0x1400  }
0xa4: {  	[sflag:s17] =	ssyncset.done $0x0  }
0xa5: {  	[sflag:s17] =	ssyncadd.s32 $0xFFFFEC00  }
0xa6: {  	_ =	swait.ge [sflag:s17], $0x1400  }
0xa7: {  	[sflag:s17] =	ssyncset.done $0x0  }
0xa8: {  	[sflag:s17] =	ssyncadd.s32 $0xFFFFEC00  }
0xa9: {  	_ =	swait.ge [sflag:s17], $0x1400  }
0xaa: {  	[sflag:s17] =	ssyncset.done $0x0  }
0xab: {  	[sflag:s17] =	ssyncadd.s32 $0xFFFFEC00  }
0xac: {  	_ =	swait.ge [sflag:s17], $0x1400  }
0xad: {  	[sflag:s17] =	ssyncset.done $0x0  }
0xae: {  	[sflag:s17] =	ssyncadd.s32 $0xFFFFEC00  }
0xaf: {  	_ =	swait.ge [sflag:s17], $0x1400  }
0xb0: {  	[sflag:s17] =	ssyncset.done $0x0  }
0xb1: {  	[sflag:s17] =	ssyncadd.s32 $0xFFFFEC00  }
0xb2: {  	_ =	swait.ge [sflag:s17], $0x1400  }
0xb3: {  	[sflag:s17] =	ssyncset.done $0x0  }
0xb4: {  	[sflag:s17] =	ssyncadd.s32 $0xFFFFEC00  }
0xb5: {  	_ =	swait.ge [sflag:s17], $0x1400  }
0xb6: {  	[sflag:s17] =	ssyncset.done $0x0  }
0xb7: {  	[sflag:s17] =	ssyncadd.s32 $0xFFFFEC00  }
0xb8: {  	_ =	swait.ge [sflag:s17], $0x1400  }
0xb9: {  	s0 =	smov.u32 s24;
	[sflag:s17] =	ssyncset.done $0x0  }
0xba: {  	s0 =	simm.s32 @p0 $0x2648;
	[sflag:s17] =	ssyncadd.s32 $0xFFFFEC00  }
0xbb: {  	s0 =	sadd.s32 s7, s0;
	_ =	swait.ge [sflag:s17], $0x1400  }
.Ltmp5:
0xbc: {  	s0 =	sshll.u32 s0, $0x4;
	[sflag:s17] =	ssyncset.done $0x0;
	(pc) =	sbr.rel .LBB2_4-.Ltmp5, $4  }
0xbd: {  	s31 =	sadd.s32 s6, s0;
	[sflag:s17] =	ssyncadd.s32 $0xFFFFEC00  }
0xbe: {  	[hbm4b:s31+s2] =	stream.linear.scatter [tilespmem:s21], [sflag:$0x5], $0x6400, $0x38;
	[tilespmem:$0x19400] =	vst v63  }
0xbf: {  	s0 =	sadd.s32 s8, s0  }
0xc0: {  	[hbm4b:s0+s2] =	stream.linear.scatter [tilespmem:s23], [sflag:$0x5], $0x6400, $0x38;
	[tilespmem:$0x19400] =	vst v63  }
.LBB2_6:
0xc1: {  	_ =	sfence.sel $0x180000  }
0xc2: {  	[bflag:$0x0] =	sbarrier.arrive $0xFFFF  }
0xc3: {  	_ =	strace $0x90000047  }
0xc4: {  	s0 =	stileid.u32;
	[bflag:$0x2] =	sbarrier.arrive $0xFFFF  }
0xc5: {  	p0 =	sne.s32 s0, $0x0;
	s0 =	rddreg [dreg:$0x1]  }
0xc6: {  	s0 =	sadd.s32 @!p0 $0x100000, s0  }
0xc7: {  	[sflag:s0] =	ssyncadd.tile.s32 @!p0 $0x1;
	_ =	shalt  }
.Lfunc_end2:
_tile_overlayer_lowered:
.L_overlay_start_2:
0xc8: {  	(tag) =	ssettag $0x2  }
0xc9: {  	s0 =	rddreg [dreg:$0x0];
	s2 =	stileid.u32  }
0xca: {  	s1 =	rddreg [dreg:$0x1];
	p0 =	sne.s32 s2, $0x0  }
0xcb: {  	s3 =	rddreg [dreg:$0x2];
	[bflag:$0x3] =	sbarrier.arrive $0xFFFF;
	s2 =	simm.s32 @!p0 $0x1C06  }
0xcc: {  	[timem:s3], [sflag:s2] =	dma.local @!p0 [hbm:s0], s1  }
0xcd: {  	s0 =	simm.s32 @!p0 $0x6  }
0xce: {  	_ =	swait.ge @!p0 [sflag:s0], s1  }
0xcf: {  	s1 =	ssub.s32 @!p0 $0x0, s1;
	[sflag:s0] =	ssyncset.done @!p0 $0x0  }
0xd0: {  	[sflag:s0] =	ssyncadd.s32 @!p0 s1  }
0xd1: {  	[bflag:$0x3] =	sbarrier.arrive $0xFFFF  }
0xd2: {  	_ =	shalt  }

// kernel: kernel.14.cloned.1.call-start
scs
__scs_entry_jumppad:
0x0: {  	(pc) =	sbr.rel $0x88, $3  }
0x1: {  	(tag) =	ssettag $0x0;
	lr =	simm.s32 $0x1  }
0x2: {  	[smem:$0x3F86] =	sst lr;
	_ =	strace $0xD0000000  }
0x3: {  	_ = 	snop  }
0x4: {  	_ = 	snop  }
0x5: {  	_ = 	snop  }
0x6: {  	_ = 	snop  }
0x7: {  	_ = 	snop  }
__scs_overlays_trampoline_lowered:
0x8: {  	[smem:$0x3F95] =	sst s0  }
0x9: {  	[smem:$0x3F96] =	sst s1  }
0xa: {  	[smem:$0x3F97] =	sst s2  }
0xb: {  	[smem:$0x3F98] =	sst s3  }
0xc: {  	[smem:$0x3F99] =	sst s4  }
0xd: {  	[smem:$0x3F9A] =	sst s5  }
0xe: {  	[smem:$0x3F9B] =	sst s6  }
0xf: {  	[smem:$0x3F9C] =	sst s7  }
0x10: {  	[smem:$0x3F9D] =	sst s8  }
0x11: {  	[smem:$0x3F9E] =	sst s9;
	s0 =	simm.s32 @!p0 $0x0  }
0x12: {  	s1 =	sld [smem:$0x3F84];
	s0 =	simm.s32 @p0 $0x1  }
0x13: {  	[smem:$0x3F9F] =	sst s0;
	s0 =	simm.s32 @!p1 $0x0  }
0x14: {  	s2 =	sld [smem:$0x3F83];
	s0 =	simm.s32 @p1 $0x1  }
0x15: {  	[smem:$0x3FA0] =	sst s0;
	s0 =	simm.s32 @!p2 $0x0  }
0x16: {  	s3 =	sld [smem:$0x3FDB];
	s0 =	simm.s32 @p2 $0x1  }
0x17: {  	s4 =	simm.s32 $0x1BF5;
	[smem:$0x3FA2] =	sst s0  }
0x18: {  	s0 =	sld [smem:$0x3F85];
	_ =	swait.ge [sflag:s4], $0x0  }
0x19: {  	s7 =	sld [smem:$0x3F86]  }
0x1a: {  	s8 =	sadd.s32 $0xFFFFE003, lr  }
0x1b: {  	s9 =	sadd.s32 $0xFFFFFEF7, lr;
	s5 =	simm.s32 $0xFFFFFFFF;
	p2 =	slt.u32 s8, $0xFFFFF086  }
0x1c: {  	p1 =	slt.u32 s9, $0xF7A;
	s5 =	simm.s32 @!p2 $0x0  }
0x1d: {  	s5 =	simm.s32 @p1 $0x1;
	p0 =	seq.s32 s7, s2  }
0x1e: {  	s7 =	smul.u32 @!p0 $0xF7A, s2;
	p2 =	seq.s32 @!p0 s5, $0x0  }
0x1f: {  	s9 =	smul.u32 $0xF7A, s1;
	s8 =	simm.s32 @!p0 $0x1BF5;
	p2 =	por !p2, p0  }
0x20: {  	[sflag:s8] =	ssyncset.s32 @!p0 $0xFFFFF086;
	s6 =	sadd.s32 @!p0 s3, s7;
	s7 =	simm.s32 @!p0 $0x108  }
0x21: {  	s3 =	sadd.s32 s3, s9;
	s6 =	sadd.s32 @!p0 $0x88, s6;
	s7 =	simm.s32 @p2 $0x1082  }
0x22: {  	[simem:s7], [sflag:s8] =	dma.local @!p0 [hbm:s6], $0xF7A  }
0x23: {  	s9 =	sor.u32 $0xD0000000, s2;
	s6 =	simm.s32 $0x108;
	_ =	swait.ge @!p0 [sflag:s8], $0x0  }
0x24: {  	s3 =	sadd.s32 $0x88, s3;
	s6 =	simm.s32 @!p1 $0x1082;
	[sflag:s4] =	ssyncset.s32 $0xFFFFF086  }
0x25: {  	[simem:s6], [sflag:s4] =	dma.local [hbm:s3], $0xF7A  }
0x26: {  	[smem:$0x3F86] =	sst s1;
	(tag) =	ssettag s2;
	_ =	strace s9  }
0x27: {  	s1 =	sld [smem:$0x3F96]  }
0x28: {  	s2 =	sld [smem:$0x3F97]  }
0x29: {  	s4 =	sld [smem:$0x3F99]  }
0x2a: {  	p0 =	seq.s32 s5, $0x0;
	s5 =	sld [smem:$0x3F9A]  }
0x2b: {  	s6 =	sld [smem:$0x3F9B]  }
0x2c: {  	s7 =	sld [smem:$0x3F9C]  }
0x2d: {  	s3 =	simm.s32 $0x108;
	s8 =	sld [smem:$0x3F9D]  }
0x2e: {  	s3 =	simm.s32 @!p0 $0x1082;
	s9 =	sld [smem:$0x3F9E]  }
0x2f: {  	lr =	sadd.s32 s0, s3;
	s0 =	sld [smem:$0x3F95]  }
0x30: {  	s3 =	sld [smem:$0x3F98]  }
0x31: {  	[smem:$0x3FA1] =	sst s10  }
0x32: {  	s10 =	sld [smem:$0x3F9F];
	_ =	sdelay $0x3  }
0x33: {  	p0 =	seq.s32 s10, $0x1;
	s10 =	sld [smem:$0x3FA1];
	_ =	sdelay $0x3  }
0x34: {  	[smem:$0x3FA1] =	sst s10  }
0x35: {  	s10 =	sld [smem:$0x3FA0];
	_ =	sdelay $0x3  }
0x36: {  	p1 =	seq.s32 s10, $0x1;
	s10 =	sld [smem:$0x3FA1];
	_ =	sdelay $0x3  }
0x37: {  	[smem:$0x3FA1] =	sst s10  }
0x38: {  	s10 =	sld [smem:$0x3FA2]  }
0x39: {  	_ = 	snop;
	(pc) =	sbr.ind lr, $3  }
0x3a: {  	_ = 	snop  }
0x3b: {  	_ = 	snop  }
0x3c: {  	p2 =	seq.s32 s10, $0x1;
	s10 =	sld [smem:$0x3FA1]  }
0x3d: {  	_ =	shalt  }
0x3e: {  	_ =	shalt  }
0x3f: {  	_ =	shalt  }
0x40: {  	_ =	shalt  }
0x41: {  	_ =	shalt  }
0x42: {  	_ =	shalt  }
0x43: {  	_ =	shalt  }
0x44: {  	_ =	shalt  }
0x45: {  	_ =	shalt  }
0x46: {  	_ =	shalt  }
0x47: {  	_ =	shalt  }
0x48: {  	_ =	shalt  }
0x49: {  	_ =	shalt  }
0x4a: {  	_ =	shalt  }
0x4b: {  	_ =	shalt  }
0x4c: {  	_ =	shalt  }
0x4d: {  	_ =	shalt  }
0x4e: {  	_ =	shalt  }
0x4f: {  	_ =	shalt  }
0x50: {  	_ =	shalt  }
0x51: {  	_ =	shalt  }
0x52: {  	_ =	shalt  }
0x53: {  	_ =	shalt  }
0x54: {  	_ =	shalt  }
0x55: {  	_ =	shalt  }
0x56: {  	_ =	shalt  }
0x57: {  	_ =	shalt  }
0x58: {  	_ =	shalt  }
0x59: {  	_ =	shalt  }
0x5a: {  	_ =	shalt  }
0x5b: {  	_ =	shalt  }
0x5c: {  	_ =	shalt  }
0x5d: {  	_ =	shalt  }
0x5e: {  	_ =	shalt  }
0x5f: {  	_ =	shalt  }
0x60: {  	_ =	shalt  }
0x61: {  	_ =	shalt  }
0x62: {  	_ =	shalt  }
0x63: {  	_ =	shalt  }
0x64: {  	_ =	shalt  }
0x65: {  	_ =	shalt  }
0x66: {  	_ =	shalt  }
0x67: {  	_ =	shalt  }
0x68: {  	_ =	shalt  }
0x69: {  	_ =	shalt  }
0x6a: {  	_ =	shalt  }
0x6b: {  	_ =	shalt  }
0x6c: {  	_ =	shalt  }
0x6d: {  	_ =	shalt  }
0x6e: {  	_ =	shalt  }
0x6f: {  	_ =	shalt  }
0x70: {  	_ =	shalt  }
0x71: {  	_ =	shalt  }
0x72: {  	_ =	shalt  }
0x73: {  	_ =	shalt  }
0x74: {  	_ =	shalt  }
0x75: {  	_ =	shalt  }
0x76: {  	_ =	shalt  }
0x77: {  	_ =	shalt  }
0x78: {  	_ =	shalt  }
0x79: {  	_ =	shalt  }
0x7a: {  	_ =	shalt  }
0x7b: {  	_ =	shalt  }
0x7c: {  	_ =	shalt  }
0x7d: {  	_ =	shalt  }
0x7e: {  	_ =	shalt  }
0x7f: {  	_ =	shalt  }
0x80: {  	_ =	shalt  }
0x81: {  	_ =	shalt  }
0x82: {  	_ =	shalt  }
0x83: {  	_ =	shalt  }
0x84: {  	_ =	shalt  }
0x85: {  	_ =	shalt  }
0x86: {  	_ =	shalt  }
0x87: {  	_ =	shalt  }
.Lfunc_end0:
.L_simem_size_0:
called_computation.2_lowered:
.L_overlay_start_0:
0x88: {  	s2 =	sld [smem:$0x3FD9]  }
0x89: {  	s3 =	sld [smem:$0x3FFE];
	_ =	sdelay $0x1  }
0x8a: {  	s1 =	srdreg.scid  }
0x8b: {  	s0 =	sand.u32 $0x1, s1  }
0x8c: {  	s17 =	sshll.u32 s0, $0xA;
	s2 =	sadd.s32 s3, s2  }
0x8d: {  	s2 =	sadd.s32 s2, s17  }
0x8e: {  	[smem:$0x3FAD] =	sst s2  }
0x8f: {  	_ = 	snop  }
0x90: {  	(tm) =	ssettm $0x1  }
0x91: {  	s18 =	sld [smem:$0x3FFB];
	_ =	sdelay $0x3  }
0x92: {  	_ =	strace s18  }
0x93: {  	s2 =	sld [smem:$0x3FFC];
	_ =	sdelay $0x3  }
0x94: {  	_ =	strace s2  }
0x95: {  	s2 =	sld [smem:$0x3FFD];
	_ =	sdelay $0x3  }
0x96: {  	_ =	strace s2  }
0x97: {  	_ =	strace $0x8FFFFFFF  }
0x98: {  	s19 =	sld [smem:$0x3FDB];
	_ =	sdelay $0x1  }
0x99: {  	s20 =	simm.s32 $_scs_section_size  }
0x9a: {  	s4 =	simm.s32 $_size__tile_overlayer_lowered;
	s5 =	simm.s32 $_tile_overlayer_lowered  }
0x9b: {  	s6 =	simm.s32 $0x1BFF;
	s21 =	sshll.u32 s5, $0x1;
	s3 =	sadd.s32 s20, s19  }
0x9c: {  	s22 =	simm.s32 $0x0;
	s4 =	sshll.u32 s4, $0x1;
	s5 =	sadd.s32 s21, s3  }
0x9d: {  	[timem:s22], [sflag:s6] =	dma.local [hbm:s5], s4  }
0x9e: {  	_ =	swait.ge [sflag:s6], s4  }
0x9f: {  	s4 =	ssub.s32 $0x0, s4;
	[sflag:s6] =	ssyncset.done $0x0  }
0xa0: {  	[sflag:s6] =	ssyncadd.s32 s4;
	_ =	sdelay $0x1  }
0xa1: {  	s23 =	simm.s32 $0x1B8B  }
0xa2: {  	_ =	swait.ge [sflag:s23], $0x1  }
0xa3: {  	[sflag:s23] =	ssyncset.done $0x0  }
0xa4: {  	[sflag:s23] =	ssyncadd.s32 $0xFFFFFFFF  }
0xa5: {  	s4 =	sld [smem:$0x0]  }
0xa6: {  	s5 =	sand.u32 $0xFFFFFFFE, s1  }
0xa7: {  	p0 =	sne.s32 s1, s5  }
0xa8: {  	s5 =	sshll.u32 @p0 s5, $0xE  }
0xa9: {  	s5 =	sadd.s32 @p0 $0x11B8D, s5;
	s6 =	sshll.u32 @p0 s4, $0x11  }
0xaa: {  	s5 =	sor.u32 @p0 s6, s5  }
0xab: {  	[sflag:s5] =	ssyncadd.remote.s32 @p0 $0x1;
	_ =	sdelay $0x1  }
0xac: {  	s5 =	simm.s32 @p0 $0x1B8D  }
0xad: {  	_ =	swait.eq @p0 [sflag:s5], $0x1  }
0xae: {  	[sflag:s5] =	ssyncadd.s32 @p0 $0xFFFFFFFF  }
0xaf: {  	s6 =	sshll.u32 @!p0 s1, $0xE  }
0xb0: {  	s6 =	sor.u32 @!p0 $0x4000, s6;
	s5 =	simm.s32 @!p0 $0x1B8D  }
0xb1: {  	s4 =	sshll.u32 @!p0 s4, $0x11;
	s6 =	sadd.s32 @!p0 $0x11B8D, s6;
	_ =	swait.eq @!p0 [sflag:s5], $0x1  }
0xb2: {  	s4 =	sor.u32 @!p0 s4, s6;
	[sflag:s5] =	ssyncadd.s32 @!p0 $0xFFFFFFFF  }
0xb3: {  	s25 =	simm.s32 $0x1B8E;
	s24 =	sld [smem:$0x3FFE];
	[sflag:s4] =	ssyncadd.remote.s32 @!p0 $0x1  }
0xb4: {  	s26 =	simm.s32 $execute0_lowered;
	[smem:$0x3FD2] =	sst s25  }
0xb5: {  	s5 =	sshll.u32 s26, $0x1;
	_ =	strace $0x8000004C;
	[dreg:$0x1] =	wrdreg $0xFFFFFFFF  }
0xb6: {  	s28 =	simm.s32 $_size_execute0_lowered;
	s3 =	sadd.s32 s3, s5;
	[dreg:$0x0] =	wrdreg $0x0  }
0xb7: {  	s5 =	sshll.u32 s28, $0x1;
	[dreg:$0x2] =	wrdreg s3  }
0xb8: {  	[dreg:$0x3] =	wrdreg s5  }
0xb9: {  	[dreg:$0x4] =	wrdreg $0xC0  }
0xba: {  	_ =	task [dreg:s22], $0x5FFFF  }
0xbb: {  	[dreg:$0x1] =	wrdreg $0xFFFFFFFF  }
0xbc: {  	[dreg:$0x0] =	wrdreg $0x60  }
0xbd: {  	[dreg:$0x2] =	wrdreg s24  }
0xbe: {  	[dreg:$0x3] =	wrdreg $0x51000  }
0xbf: {  	[dreg:$0x4] =	wrdreg $0xA  }
0xc0: {  	_ =	task.clear_ibuf [dreg:s22], $0x5FFFF;
	_ =	strace $0x9000004C  }
0xc1: {  	s29 =	simm.s32 $0xA;
	_ =	strace $0x8000004E  }
0xc2: {  	_ =	swait.ge [sflag:s29], $0x1  }
0xc3: {  	[sflag:s29] =	ssyncadd.s32 $0xFFFFFFFF  }
0xc4: {  	_ =	strace $0x9000004E  }
0xc5: {  	_ =	sfence  }
0xc6: {  	s30 =	sld [smem:$0x0];
	_ =	sdelay $0x2  }
0xc7: {  	s31 =	sshll.u32 s1, $0xD;
	s1 =	sshrl.u32 s1, $0x2  }
0xc8: {  	s4 =	sand.u32 $0x4000, s31;
	s1 =	sadd.s32 s1, s30  }
0xc9: {  	s0 =	sor.u32 s4, s0;
	s1 =	sshll.u32 s1, $0x11  }
0xca: {  	s0 =	sor.u32 s1, s0  }
0xcb: {  	s0 =	sadd.s32 $0x8F2B, s0  }
0xcc: {  	[sflag:s0] =	ssyncadd.remote.s32 $0x1  }
0xcd: {  	_ =	sfence.sel $0xFFFF  }
0xce: {  	[dreg:$0x0] =	wrdreg $0xFFFFFFFF;
	(pc) =	sbr.abs _section_cstart, $3  }
0xcf: {  	[dreg:$0x1] =	wrdreg $0xFFFFFFFF  }
0xd0: {  	_ =	task.clear_ibuf [dreg:s22], $0x2FFFF;
	_ =	strace $0x9FFFFFFF  }
0xd1: {  	(tm) =	ssettm $0x7FFFFFFF  }
tec
execute0_lowered:
.L_overlay_start_1:
0x0: {  	(tag) =	ssettag $0x1  }
0x1: {  	s0 =	stileid.u32  }
0x2: {  	s5 =	rddreg [dreg:$0x0];
	s7 =	smul.u32 $0x2800, s0  }
0x3: {  	s2 =	rddreg [dreg:$0x1];
	s11 =	smul.u32 $0x50000, s0  }
0x4: {  	s4 =	srdreg.scid;
	s1 =	simm.s32 $0x0;
	s16 =	smul.u32 $0x4E200, s0  }
0x5: {  	s20 =	simm.s32 $0x5000;
	s13 =	sand.u32 $0x1, s4;
	s18 =	smul.u32 $0x4E20, s0  }
0x6: {  	s21 =	simm.s32 $0x1;
	s23 =	simm.s32 $0x4;
	s6 =	smul.u32 $0x28000, s13  }
0x7: {  	s24 =	simm.s32 $0x0;
	s26 =	sshll.u32 s0, $0x1;
	s17 =	smul.u32 $0x27100, s13  }
0x8: {  	[smem:$0x7FF] =	sst s1;
	s8 =	sor.u32 s13, s26;
	s19 =	smul.u32 $0x2710, s13  }
0x9: {  	s15 =	sadd.s32 $0xF36C00, s5;
	s4 =	sadd.s32 $0xFC00, s5;
	s9 =	smul.u32 $0x2710, s8  }
0xa: {  	_ =	strace $0x8000004D;
	s28 =	ssub.s32 $0x2, s13;
	s8 =	smul.u32 $0x27100, s8  }
0xb: {  	s29 =	sshrl.u32 s28, $0x1;
	s31 =	sshrl.u32 s11, $0x2;
	s16 =	sadd.s32 s16, s15  }
0xc: {  	s6 =	sadd.s32 s7, s6;
	s12 =	ssub.s32 s28, s29;
	s7 =	sadd.s32 s31, s2  }
0xd: {  	s17 =	sadd.s32 s17, s16;
	s18 =	sadd.s32 s19, s18;
	s19 =	simm.s32 $0x3  }
0xe: {  	s10 =	sadd.s32 s6, s5;
	s5 =	sadd.s32 s15, s8;
	s30 =	sshrl.u32 s9, $0x3  }
0xf: {  	s9 =	smax.u32 s12, $0x1;
	s11 =	sadd.s32 $0x5000, s7;
	s12 =	sadd.s32 $0x7800, s7  }
0x10: {  	s13 =	sadd.s32 $0xA000, s7;
	s14 =	sadd.s32 $0xC800, s7;
	s15 =	sadd.s32 $0xF000, s7  }
0x11: {  	s16 =	sadd.s32 $0x11800, s7;
	s17 =	sadd.s32 $0x500, s17;
	s18 =	sadd.s32 $0x50, s18  }
0x12: {  	v0 =	vimm.f32 $0.0e+00;
	s6 =	sadd.s32 s4, s30;
	s8 =	sadd.s32 $0xA54C00, s10;
	s10 =	sadd.s32 $0x2800, s7  }
.LBB2_1:
0x13: {  	s25 =	simm.s32 $0x70;
	s26 =	simm.s32 $0x3C0  }
.LBB2_2:
0x14: {  	p0 =	sne.s32 s26, $0x9FC0;
	[tilespmem:s25+$0x0] =	vst v0  }
0x15: {  	[tilespmem:s25+$0xFFFFFF90] =	vst v0  }
0x16: {  	[tilespmem:s25+$0xFFFFFFA0] =	vst v0  }
.Ltmp0:
0x17: {  	[tilespmem:s25+$0xFFFFFFB0] =	vst v0;
	(pc) =	sbr.rel @p0 .LBB2_2-.Ltmp0, $4  }
0x18: {  	[tilespmem:s25+$0xFFFFFFC0] =	vst v0  }
0x19: {  	[tilespmem:s25+$0xFFFFFFD0] =	vst v0  }
0x1a: {  	[tilespmem:s25+$0xFFFFFFE0] =	vst v0  }
0x1b: {  	[tilespmem:s25+$0xFFFFFFF0] =	vst v0;
	s25 =	sshra.s32 s26, $0x2;
	s26 =	sadd.s32 $0x200, s26  }
0x1c: {  	[tilespmem:s25+$0x0] =	vst v0  }
0x1d: {  	[tilespmem:s25+$0xFFFFFF90] =	vst v0  }
0x1e: {  	[tilespmem:s25+$0xFFFFFFA0] =	vst v0  }
0x1f: {  	[tilespmem:s25+$0xFFFFFFB0] =	vst v0  }
0x20: {  	[tilespmem:s25+$0xFFFFFFC0] =	vst v0  }
0x21: {  	[tilespmem:s25+$0xFFFFFFD0] =	vst v0  }
0x22: {  	[tilespmem:s25+$0xFFFFFFE0] =	vst v0  }
0x23: {  	[tilespmem:s25+$0xFFFFFFF0] =	vst v0;
	s31 =	simm.s32 $0x0  }
0x24: {  	[spmem:s7] =	stream.linear.scatter [tilespmem:s31], [sflag:$0x3], $0x2800, $0x38;
	[tilespmem:$0x19100] =	vst v63  }
0x25: {  	_ =	swait.ge [sflag:s19], $0x2800  }
0x26: {  	[sflag:s19] =	ssyncset.done $0x0  }
0x27: {  	[sflag:s19] =	ssyncadd.s32 $0xFFFFD800  }
0x28: {  	[spmem:s10] =	stream.linear.scatter [tilespmem:s31], [sflag:$0x3], $0x2800, $0x38;
	[tilespmem:$0x19100] =	vst v63  }
0x29: {  	_ =	swait.ge [sflag:s19], $0x2800  }
0x2a: {  	[sflag:s19] =	ssyncset.done $0x0  }
0x2b: {  	[sflag:s19] =	ssyncadd.s32 $0xFFFFD800  }
0x2c: {  	[spmem:s11] =	stream.linear.scatter [tilespmem:s31], [sflag:$0x3], $0x2800, $0x38;
	[tilespmem:$0x19100] =	vst v63  }
0x2d: {  	_ =	swait.ge [sflag:s19], $0x2800  }
0x2e: {  	[sflag:s19] =	ssyncset.done $0x0  }
0x2f: {  	[sflag:s19] =	ssyncadd.s32 $0xFFFFD800  }
0x30: {  	[spmem:s12] =	stream.linear.scatter [tilespmem:s31], [sflag:$0x3], $0x2800, $0x38;
	[tilespmem:$0x19100] =	vst v63  }
0x31: {  	_ =	swait.ge [sflag:s19], $0x2800  }
0x32: {  	[sflag:s19] =	ssyncset.done $0x0  }
0x33: {  	[sflag:s19] =	ssyncadd.s32 $0xFFFFD800  }
0x34: {  	[spmem:s13] =	stream.linear.scatter [tilespmem:s31], [sflag:$0x3], $0x2800, $0x38;
	[tilespmem:$0x19100] =	vst v63  }
0x35: {  	_ =	swait.ge [sflag:s19], $0x2800  }
0x36: {  	[sflag:s19] =	ssyncset.done $0x0  }
0x37: {  	[sflag:s19] =	ssyncadd.s32 $0xFFFFD800  }
0x38: {  	[spmem:s14] =	stream.linear.scatter [tilespmem:s31], [sflag:$0x3], $0x2800, $0x38;
	[tilespmem:$0x19100] =	vst v63  }
0x39: {  	_ =	swait.ge [sflag:s19], $0x2800  }
0x3a: {  	[sflag:s19] =	ssyncset.done $0x0  }
0x3b: {  	[sflag:s19] =	ssyncadd.s32 $0xFFFFD800  }
0x3c: {  	[spmem:s15] =	stream.linear.scatter [tilespmem:s31], [sflag:$0x3], $0x2800, $0x38;
	[tilespmem:$0x19100] =	vst v63  }
0x3d: {  	_ =	swait.ge [sflag:s19], $0x2800  }
0x3e: {  	[sflag:s19] =	ssyncset.done $0x0  }
0x3f: {  	[sflag:s19] =	ssyncadd.s32 $0xFFFFD800  }
0x40: {  	[spmem:s16] =	stream.linear.scatter [tilespmem:s31], [sflag:$0x3], $0x2800, $0x38;
	[tilespmem:$0x19100] =	vst v63  }
0x41: {  	_ =	swait.ge [sflag:s19], $0x2800  }
0x42: {  	[sflag:s19] =	ssyncset.done $0x0  }
0x43: {  	s25 =	sand.u32 $0x1, s31;
	[sflag:s19] =	ssyncadd.s32 $0xFFFFD800  }
0x44: {  	p0 =	seq.s32 s25, $0x1;
	[bflag:$0x0] =	sbarrier.arrive $0xFFFF  }
0x45: {  	[tilespmem:s31], [sflag:$0x1] =	stream.linear.gather [hbm4b:s5+s31], $0x2800, $0x38;
	[tilespmem:$0x19100] =	vst v63  }
0x46: {  	s25 =	simm.s32 @p0 $0x2  }
0x47: {  	[tilespmem:s20], [sflag:$0x1] =	stream.linear.gather [hbm4b:s6+s31], $0x50, $0x38;
	[tilespmem:$0x19100] =	vst v63  }
0x48: {  	_ =	swait.ge @p0 [sflag:s25], $0x2800  }
0x49: {  	[sflag:s25] =	ssyncset.done @p0 $0x0  }
0x4a: {  	[sflag:s25] =	ssyncadd.s32 @p0 $0xFFFFD800  }
0x4b: {  	_ =	swait.ge @p0 [sflag:s25], $0x50  }
0x4c: {  	[sflag:s25] =	ssyncset.done @p0 $0x0  }
0x4d: {  	s26 =	sshrl.u32 s18, $0x3;
	[sflag:s25] =	ssyncadd.s32 @p0 $0xFFFFFFB0;
	s25 =	simm.s32 @p0 $0x0  }
0x4e: {  	[tilespmem:s25], [sflag:$0x1] =	stream.linear.gather @p0 [hbm4b:s17+s25], $0x2800, $0x38;
	[tilespmem:$0x19100] =	vst v63  }
0x4f: {  	s26 =	sadd.s32 s4, s26;
	s28 =	simm.s32 @p0 $0x5000;
	s29 =	simm.s32 @!p0 $0x1  }
0x50: {  	[tilespmem:s28], [sflag:$0x1] =	stream.linear.gather @p0 [hbm4b:s26+s25], $0x50, $0x38;
	[tilespmem:$0x19100] =	vst v63  }
0x51: {  	s30 =	simm.s32 @p0 $0x2800;
	s25 =	simm.s32 @p0 $0x50;
	s28 =	simm.s32 @p0 $0x5080  }
0x52: {  	[spmem:s2] =	stream.indirect.scatter.add.f32 @p0 [tilespmem:s30], [sflag:$0x3], $0x80, s28, s25, $0xb8;
	[tilespmem:$0x19100] =	vst v63  }
0x53: {  	_ =	swait.ge @!p0 [sflag:s29], $0x2800  }
0x54: {  	[sflag:s29] =	ssyncset.done @!p0 $0x0  }
0x55: {  	[sflag:s29] =	ssyncadd.s32 @!p0 $0xFFFFD800  }
0x56: {  	_ =	swait.ge @!p0 [sflag:s29], $0x50  }
0x57: {  	[sflag:s29] =	ssyncset.done @!p0 $0x0  }
0x58: {  	s25 =	simm.s32 @!p0 $0x0;
	s28 =	simm.s32 @!p0 $0x2800;
	[sflag:s29] =	ssyncadd.s32 @!p0 $0xFFFFFFB0  }
0x59: {  	[tilespmem:s28], [sflag:$0x2] =	stream.linear.gather @!p0 [hbm4b:s17+s25], $0x2800, $0x38;
	[tilespmem:$0x19100] =	vst v63  }
0x5a: {  	s30 =	simm.s32 $0x1;
	s29 =	simm.s32 @!p0 $0x5080;
	s28 =	simm.s32 @!p0 $0x4  }
0x5b: {  	[tilespmem:s29], [sflag:$0x2] =	stream.linear.gather @!p0 [hbm4b:s26+s25], $0x50, $0x38;
	[tilespmem:$0x19100] =	vst v63  }
0x5c: {  	s28 =	simm.s32 @p0 $0x3;
	s26 =	simm.s32 @!p0 $0x50;
	s29 =	simm.s32 @!p0 $0x5000  }
0x5d: {  	[spmem:s2] =	stream.indirect.scatter.add.f32 @!p0 [tilespmem:s25], [sflag:$0x4], $0x80, s29, s26, $0xb8;
	[tilespmem:$0x19100] =	vst v63  }
0x5e: {  	s30 =	sand.u32 $0x1, s30;
	s29 =	simm.s32 $0x2;
	_ =	swait.ge [sflag:s28], $0x2800  }
0x5f: {  	s26 =	sadd.s32 $0x50, s18;
	s25 =	sadd.s32 $0x500, s17;
	[sflag:s28] =	ssyncset.done $0x0  }
.LBB2_4:
0x60: {  	p1 =	seq.s32 s30, $0x1  }
0x61: {  	[sflag:s28] =	ssyncadd.s32 $0xFFFFD800;
	s30 =	smov.u32 s29;
	s29 =	sadd.s32 $0x1, s29  }
0x62: {  	p0 =	sne.s32 s29, $0x7C;
	s31 =	simm.s32 @p1 $0x2;
	s28 =	simm.s32 @!p1 $0x4  }
0x63: {  	_ =	swait.ge @p1 [sflag:s31], $0x2800  }
0x64: {  	[sflag:s31] =	ssyncset.done @p1 $0x0  }
0x65: {  	[sflag:s31] =	ssyncadd.s32 @p1 $0xFFFFD800  }
0x66: {  	_ =	swait.ge @p1 [sflag:s31], $0x50  }
0x67: {  	[sflag:s31] =	ssyncset.done @p1 $0x0  }
0x68: {  	s0 =	sshrl.u32 s26, $0x3;
	[sflag:s31] =	ssyncadd.s32 @p1 $0xFFFFFFB0;
	s31 =	simm.s32 @p1 $0x0  }
0x69: {  	[tilespmem:s31], [sflag:$0x1] =	stream.linear.gather @p1 [hbm4b:s25+s31], $0x2800, $0x38;
	[tilespmem:$0x19100] =	vst v63  }
0x6a: {  	s0 =	sadd.s32 s4, s0;
	s3 =	simm.s32 @p1 $0x5000;
	s22 =	simm.s32 @!p1 $0x1  }
0x6b: {  	[tilespmem:s3], [sflag:$0x1] =	stream.linear.gather @p1 [hbm4b:s0+s31], $0x50, $0x38;
	[tilespmem:$0x19100] =	vst v63  }
0x6c: {  	s1 =	simm.s32 @p1 $0x2800;
	s3 =	simm.s32 @p1 $0x50;
	s31 =	simm.s32 @p1 $0x5080  }
0x6d: {  	[spmem:s2] =	stream.indirect.scatter.add.f32 @p1 [tilespmem:s1], [sflag:$0x3], $0x80, s31, s3, $0xb8;
	[tilespmem:$0x19100] =	vst v63  }
0x6e: {  	_ =	swait.ge @!p1 [sflag:s22], $0x2800  }
0x6f: {  	[sflag:s22] =	ssyncset.done @!p1 $0x0  }
0x70: {  	[sflag:s22] =	ssyncadd.s32 @!p1 $0xFFFFD800  }
0x71: {  	_ =	swait.ge @!p1 [sflag:s22], $0x50  }
0x72: {  	[sflag:s22] =	ssyncset.done @!p1 $0x0  }
0x73: {  	s1 =	simm.s32 @!p1 $0x0;
	s3 =	simm.s32 @!p1 $0x2800;
	[sflag:s22] =	ssyncadd.s32 @!p1 $0xFFFFFFB0  }
0x74: {  	[tilespmem:s3], [sflag:$0x2] =	stream.linear.gather @!p1 [hbm4b:s25+s1], $0x2800, $0x38;
	[tilespmem:$0x19100] =	vst v63  }
0x75: {  	s3 =	simm.s32 @!p1 $0x5080  }
0x76: {  	[tilespmem:s3], [sflag:$0x2] =	stream.linear.gather @!p1 [hbm4b:s0+s1], $0x50, $0x38;
	[tilespmem:$0x19100] =	vst v63  }
.Ltmp1:
0x77: {  	_ = 	snop;
	(pc) =	sbr.rel @p0 .LBB2_4-.Ltmp1, $4  }
0x78: {  	s28 =	simm.s32 @p1 $0x3;
	s0 =	simm.s32 @!p1 $0x50;
	s3 =	simm.s32 @!p1 $0x5000  }
0x79: {  	[spmem:s2] =	stream.indirect.scatter.add.f32 @!p1 [tilespmem:s1], [sflag:$0x4], $0x80, s3, s0, $0xb8;
	[tilespmem:$0x19100] =	vst v63  }
0x7a: {  	s26 =	sadd.s32 $0x50, s26;
	_ =	swait.ge [sflag:s28], $0x2800  }
0x7b: {  	s30 =	sand.u32 $0x1, s30;
	s25 =	sadd.s32 $0x500, s25;
	[sflag:s28] =	ssyncset.done $0x0  }
0x7c: {  	p0 =	seq.s32 s30, $0x1  }
0x7d: {  	[sflag:s28] =	ssyncadd.s32 $0xFFFFD800;
	s0 =	simm.s32 @p0 $0x2  }
0x7e: {  	_ =	swait.ge @p0 [sflag:s0], $0x2800  }
0x7f: {  	[sflag:s0] =	ssyncset.done @p0 $0x0  }
0x80: {  	[sflag:s0] =	ssyncadd.s32 @p0 $0xFFFFD800  }
0x81: {  	_ =	swait.ge @p0 [sflag:s0], $0x50  }
0x82: {  	[sflag:s0] =	ssyncset.done @p0 $0x0  }
0x83: {  	s1 =	sshrl.u32 s26, $0x3;
	[sflag:s0] =	ssyncadd.s32 @p0 $0xFFFFFFB0;
	s0 =	simm.s32 @p0 $0x0  }
0x84: {  	[tilespmem:s0], [sflag:$0x1] =	stream.linear.gather @p0 [hbm4b:s25+s0], $0x2800, $0x38;
	[tilespmem:$0x19100] =	vst v63  }
0x85: {  	s1 =	sadd.s32 s4, s1;
	s3 =	simm.s32 @p0 $0x5000;
	s22 =	simm.s32 @!p0 $0x1  }
0x86: {  	[tilespmem:s3], [sflag:$0x1] =	stream.linear.gather @p0 [hbm4b:s1+s0], $0x50, $0x38;
	[tilespmem:$0x19100] =	vst v63  }
0x87: {  	s26 =	simm.s32 @p0 $0x2800;
	s0 =	simm.s32 @p0 $0x50;
	s3 =	simm.s32 @p0 $0x5080  }
0x88: {  	[spmem:s2] =	stream.indirect.scatter.add.f32 @p0 [tilespmem:s26], [sflag:$0x3], $0x80, s3, s0, $0xb8;
	[tilespmem:$0x19100] =	vst v63  }
0x89: {  	_ =	swait.ge @!p0 [sflag:s22], $0x2800  }
0x8a: {  	[sflag:s22] =	ssyncset.done @!p0 $0x0  }
0x8b: {  	[sflag:s22] =	ssyncadd.s32 @!p0 $0xFFFFD800  }
0x8c: {  	_ =	swait.ge @!p0 [sflag:s22], $0x50  }
0x8d: {  	[sflag:s22] =	ssyncset.done @!p0 $0x0  }
0x8e: {  	s0 =	simm.s32 @!p0 $0x0;
	s3 =	simm.s32 @!p0 $0x2800;
	[sflag:s22] =	ssyncadd.s32 @!p0 $0xFFFFFFB0  }
0x8f: {  	[tilespmem:s3], [sflag:$0x2] =	stream.linear.gather @!p0 [hbm4b:s25+s0], $0x2800, $0x38;
	[tilespmem:$0x19100] =	vst v63  }
0x90: {  	s22 =	simm.s32 @!p0 $0x5080;
	s3 =	simm.s32 @!p0 $0x4  }
0x91: {  	[tilespmem:s22], [sflag:$0x2] =	stream.linear.gather @!p0 [hbm4b:s1+s0], $0x50, $0x38;
	[tilespmem:$0x19100] =	vst v63  }
0x92: {  	s3 =	simm.s32 @p0 $0x3;
	s1 =	simm.s32 @!p0 $0x50;
	s22 =	simm.s32 @!p0 $0x5000  }
0x93: {  	[spmem:s2] =	stream.indirect.scatter.add.f32 @!p0 [tilespmem:s0], [sflag:$0x4], $0x80, s22, s1, $0xb8;
	[tilespmem:$0x19100] =	vst v63  }
0x94: {  	_ =	swait.ge [sflag:s3], $0x2800  }
0x95: {  	[sflag:s3] =	ssyncset.done $0x0  }
0x96: {  	[sflag:s3] =	ssyncadd.s32 $0xFFFFD800  }
0x97: {  	_ =	swait.ge [sflag:s21], $0x2800  }
0x98: {  	[sflag:s21] =	ssyncset.done $0x0  }
0x99: {  	[sflag:s21] =	ssyncadd.s32 $0xFFFFD800  }
0x9a: {  	_ =	swait.ge [sflag:s21], $0x50  }
0x9b: {  	[sflag:s21] =	ssyncset.done $0x0  }
0x9c: {  	s28 =	simm.s32 $0x0;
	s29 =	simm.s32 $0x50;
	[sflag:s21] =	ssyncadd.s32 $0xFFFFFFB0  }
0x9d: {  	[spmem:s2] =	stream.indirect.scatter.add.f32 [tilespmem:s28], [sflag:$0x4], $0x80, s20, s29, $0xb8;
	[tilespmem:$0x19100] =	vst v63  }
0x9e: {  	s30 =	stileid.u32;
	_ =	swait.ge [sflag:s23], $0x2800  }
0x9f: {  	s31 =	sshrl.u32 s7, $0x3;
	s24 =	sadd.s32 $0x1, s24;
	[sflag:s23] =	ssyncset.done $0x0  }
0xa0: {  	s0 =	sshll.u32 s30, $0x6;
	p0 =	sne.s32 s24, s9;
	[sflag:s23] =	ssyncadd.s32 $0xFFFFD800  }
.Ltmp2:
0xa1: {  	s0 =	sor.u32 $0x1C03, s0;
	[bflag:$0x0] =	sbarrier.arrive $0xFFFF;
	(pc) =	sbr.rel @p0 .LBB2_1-.Ltmp2, $4  }
0xa2: {  	[hbm:s8], [sflag:s0] =	dma.local [spmem:s31], $0x2800  }
0xa3: {  	_ =	swait.ge [sflag:s19], $0x2800  }
0xa4: {  	[sflag:s19] =	ssyncset.done $0x0  }
0xa5: {  	[sflag:s19] =	ssyncadd.s32 $0xFFFFD800  }
0xa6: {  	_ =	sfence.sel $0x180000  }
0xa7: {  	[bflag:$0x0] =	sbarrier.arrive $0xFFFF  }
0xa8: {  	_ =	strace $0x9000004D  }
0xa9: {  	s0 =	stileid.u32;
	[bflag:$0x2] =	sbarrier.arrive $0xFFFF  }
0xaa: {  	p0 =	sne.s32 s0, $0x0;
	s0 =	rddreg [dreg:$0x2]  }
0xab: {  	s0 =	sadd.s32 @!p0 $0x100000, s0  }
0xac: {  	[sflag:s0] =	ssyncadd.tile.s32 @!p0 $0x1;
	_ =	shalt  }
.Lfunc_end2:
_tile_overlayer_lowered:
.L_overlay_start_2:
0xad: {  	(tag) =	ssettag $0x2  }
0xae: {  	s0 =	rddreg [dreg:$0x0];
	s2 =	stileid.u32  }
0xaf: {  	s1 =	rddreg [dreg:$0x1];
	p0 =	sne.s32 s2, $0x0  }
0xb0: {  	s3 =	rddreg [dreg:$0x2];
	[bflag:$0x3] =	sbarrier.arrive $0xFFFF;
	s2 =	simm.s32 @!p0 $0x1C03  }
0xb1: {  	[timem:s3], [sflag:s2] =	dma.local @!p0 [hbm:s0], s1  }
0xb2: {  	s0 =	simm.s32 @!p0 $0x3  }
0xb3: {  	_ =	swait.ge @!p0 [sflag:s0], s1  }
0xb4: {  	s1 =	ssub.s32 @!p0 $0x0, s1;
	[sflag:s0] =	ssyncset.done @!p0 $0x0  }
0xb5: {  	[sflag:s0] =	ssyncadd.s32 @!p0 s1  }
0xb6: {  	[bflag:$0x3] =	sbarrier.arrive $0xFFFF  }
0xb7: {  	_ =	shalt  }

// kernel: kernel.8.cloned.1.call-start
scs
__scs_entry_jumppad:
0x0: {  	(pc) =	sbr.rel $0x88, $3  }
0x1: {  	(tag) =	ssettag $0x0;
	lr =	simm.s32 $0x1  }
0x2: {  	[smem:$0x3F86] =	sst lr;
	_ =	strace $0xD0000000  }
0x3: {  	_ = 	snop  }
0x4: {  	_ = 	snop  }
0x5: {  	_ = 	snop  }
0x6: {  	_ = 	snop  }
0x7: {  	_ = 	snop  }
__scs_overlays_trampoline_lowered:
0x8: {  	[smem:$0x3F95] =	sst s0  }
0x9: {  	[smem:$0x3F96] =	sst s1  }
0xa: {  	[smem:$0x3F97] =	sst s2  }
0xb: {  	[smem:$0x3F98] =	sst s3  }
0xc: {  	[smem:$0x3F99] =	sst s4  }
0xd: {  	[smem:$0x3F9A] =	sst s5  }
0xe: {  	[smem:$0x3F9B] =	sst s6  }
0xf: {  	[smem:$0x3F9C] =	sst s7  }
0x10: {  	[smem:$0x3F9D] =	sst s8  }
0x11: {  	[smem:$0x3F9E] =	sst s9;
	s0 =	simm.s32 @!p0 $0x0  }
0x12: {  	s1 =	sld [smem:$0x3F84];
	s0 =	simm.s32 @p0 $0x1  }
0x13: {  	[smem:$0x3F9F] =	sst s0;
	s0 =	simm.s32 @!p1 $0x0  }
0x14: {  	s2 =	sld [smem:$0x3F83];
	s0 =	simm.s32 @p1 $0x1  }
0x15: {  	[smem:$0x3FA0] =	sst s0;
	s0 =	simm.s32 @!p2 $0x0  }
0x16: {  	s3 =	sld [smem:$0x3FDB];
	s0 =	simm.s32 @p2 $0x1  }
0x17: {  	s4 =	simm.s32 $0x1BF5;
	[smem:$0x3FA2] =	sst s0  }
0x18: {  	s0 =	sld [smem:$0x3F85];
	_ =	swait.ge [sflag:s4], $0x0  }
0x19: {  	s7 =	sld [smem:$0x3F86]  }
0x1a: {  	s8 =	sadd.s32 $0xFFFFE003, lr  }
0x1b: {  	s9 =	sadd.s32 $0xFFFFFEF7, lr;
	s5 =	simm.s32 $0xFFFFFFFF;
	p2 =	slt.u32 s8, $0xFFFFF086  }
0x1c: {  	p1 =	slt.u32 s9, $0xF7A;
	s5 =	simm.s32 @!p2 $0x0  }
0x1d: {  	s5 =	simm.s32 @p1 $0x1;
	p0 =	seq.s32 s7, s2  }
0x1e: {  	s7 =	smul.u32 @!p0 $0xF7A, s2;
	p2 =	seq.s32 @!p0 s5, $0x0  }
0x1f: {  	s9 =	smul.u32 $0xF7A, s1;
	s8 =	simm.s32 @!p0 $0x1BF5;
	p2 =	por !p2, p0  }
0x20: {  	[sflag:s8] =	ssyncset.s32 @!p0 $0xFFFFF086;
	s6 =	sadd.s32 @!p0 s3, s7;
	s7 =	simm.s32 @!p0 $0x108  }
0x21: {  	s3 =	sadd.s32 s3, s9;
	s6 =	sadd.s32 @!p0 $0x88, s6;
	s7 =	simm.s32 @p2 $0x1082  }
0x22: {  	[simem:s7], [sflag:s8] =	dma.local @!p0 [hbm:s6], $0xF7A  }
0x23: {  	s9 =	sor.u32 $0xD0000000, s2;
	s6 =	simm.s32 $0x108;
	_ =	swait.ge @!p0 [sflag:s8], $0x0  }
0x24: {  	s3 =	sadd.s32 $0x88, s3;
	s6 =	simm.s32 @!p1 $0x1082;
	[sflag:s4] =	ssyncset.s32 $0xFFFFF086  }
0x25: {  	[simem:s6], [sflag:s4] =	dma.local [hbm:s3], $0xF7A  }
0x26: {  	[smem:$0x3F86] =	sst s1;
	(tag) =	ssettag s2;
	_ =	strace s9  }
0x27: {  	s1 =	sld [smem:$0x3F96]  }
0x28: {  	s2 =	sld [smem:$0x3F97]  }
0x29: {  	s4 =	sld [smem:$0x3F99]  }
0x2a: {  	p0 =	seq.s32 s5, $0x0;
	s5 =	sld [smem:$0x3F9A]  }
0x2b: {  	s6 =	sld [smem:$0x3F9B]  }
0x2c: {  	s7 =	sld [smem:$0x3F9C]  }
0x2d: {  	s3 =	simm.s32 $0x108;
	s8 =	sld [smem:$0x3F9D]  }
0x2e: {  	s3 =	simm.s32 @!p0 $0x1082;
	s9 =	sld [smem:$0x3F9E]  }
0x2f: {  	lr =	sadd.s32 s0, s3;
	s0 =	sld [smem:$0x3F95]  }
0x30: {  	s3 =	sld [smem:$0x3F98]  }
0x31: {  	[smem:$0x3FA1] =	sst s10  }
0x32: {  	s10 =	sld [smem:$0x3F9F];
	_ =	sdelay $0x3  }
0x33: {  	p0 =	seq.s32 s10, $0x1;
	s10 =	sld [smem:$0x3FA1];
	_ =	sdelay $0x3  }
0x34: {  	[smem:$0x3FA1] =	sst s10  }
0x35: {  	s10 =	sld [smem:$0x3FA0];
	_ =	sdelay $0x3  }
0x36: {  	p1 =	seq.s32 s10, $0x1;
	s10 =	sld [smem:$0x3FA1];
	_ =	sdelay $0x3  }
0x37: {  	[smem:$0x3FA1] =	sst s10  }
0x38: {  	s10 =	sld [smem:$0x3FA2]  }
0x39: {  	_ = 	snop;
	(pc) =	sbr.ind lr, $3  }
0x3a: {  	_ = 	snop  }
0x3b: {  	_ = 	snop  }
0x3c: {  	p2 =	seq.s32 s10, $0x1;
	s10 =	sld [smem:$0x3FA1]  }
0x3d: {  	_ =	shalt  }
0x3e: {  	_ =	shalt  }
0x3f: {  	_ =	shalt  }
0x40: {  	_ =	shalt  }
0x41: {  	_ =	shalt  }
0x42: {  	_ =	shalt  }
0x43: {  	_ =	shalt  }
0x44: {  	_ =	shalt  }
0x45: {  	_ =	shalt  }
0x46: {  	_ =	shalt  }
0x47: {  	_ =	shalt  }
0x48: {  	_ =	shalt  }
0x49: {  	_ =	shalt  }
0x4a: {  	_ =	shalt  }
0x4b: {  	_ =	shalt  }
0x4c: {  	_ =	shalt  }
0x4d: {  	_ =	shalt  }
0x4e: {  	_ =	shalt  }
0x4f: {  	_ =	shalt  }
0x50: {  	_ =	shalt  }
0x51: {  	_ =	shalt  }
0x52: {  	_ =	shalt  }
0x53: {  	_ =	shalt  }
0x54: {  	_ =	shalt  }
0x55: {  	_ =	shalt  }
0x56: {  	_ =	shalt  }
0x57: {  	_ =	shalt  }
0x58: {  	_ =	shalt  }
0x59: {  	_ =	shalt  }
0x5a: {  	_ =	shalt  }
0x5b: {  	_ =	shalt  }
0x5c: {  	_ =	shalt  }
0x5d: {  	_ =	shalt  }
0x5e: {  	_ =	shalt  }
0x5f: {  	_ =	shalt  }
0x60: {  	_ =	shalt  }
0x61: {  	_ =	shalt  }
0x62: {  	_ =	shalt  }
0x63: {  	_ =	shalt  }
0x64: {  	_ =	shalt  }
0x65: {  	_ =	shalt  }
0x66: {  	_ =	shalt  }
0x67: {  	_ =	shalt  }
0x68: {  	_ =	shalt  }
0x69: {  	_ =	shalt  }
0x6a: {  	_ =	shalt  }
0x6b: {  	_ =	shalt  }
0x6c: {  	_ =	shalt  }
0x6d: {  	_ =	shalt  }
0x6e: {  	_ =	shalt  }
0x6f: {  	_ =	shalt  }
0x70: {  	_ =	shalt  }
0x71: {  	_ =	shalt  }
0x72: {  	_ =	shalt  }
0x73: {  	_ =	shalt  }
0x74: {  	_ =	shalt  }
0x75: {  	_ =	shalt  }
0x76: {  	_ =	shalt  }
0x77: {  	_ =	shalt  }
0x78: {  	_ =	shalt  }
0x79: {  	_ =	shalt  }
0x7a: {  	_ =	shalt  }
0x7b: {  	_ =	shalt  }
0x7c: {  	_ =	shalt  }
0x7d: {  	_ =	shalt  }
0x7e: {  	_ =	shalt  }
0x7f: {  	_ =	shalt  }
0x80: {  	_ =	shalt  }
0x81: {  	_ =	shalt  }
0x82: {  	_ =	shalt  }
0x83: {  	_ =	shalt  }
0x84: {  	_ =	shalt  }
0x85: {  	_ =	shalt  }
0x86: {  	_ =	shalt  }
0x87: {  	_ =	shalt  }
.Lfunc_end0:
.L_simem_size_0:
called_computation_lowered:
.L_overlay_start_0:
0x88: {  	s2 =	sld [smem:$0x3FD9]  }
0x89: {  	s3 =	sld [smem:$0x3FFE];
	_ =	sdelay $0x1  }
0x8a: {  	s1 =	srdreg.scid  }
0x8b: {  	s0 =	sand.u32 $0x1, s1  }
0x8c: {  	s17 =	sshll.u32 s0, $0xA;
	s2 =	sadd.s32 s3, s2  }
0x8d: {  	s2 =	sadd.s32 s2, s17  }
0x8e: {  	[smem:$0x3FAD] =	sst s2  }
0x8f: {  	_ = 	snop  }
0x90: {  	(tm) =	ssettm $0x1  }
0x91: {  	s18 =	sld [smem:$0x3FFB];
	_ =	sdelay $0x3  }
0x92: {  	_ =	strace s18  }
0x93: {  	s2 =	sld [smem:$0x3FFC];
	_ =	sdelay $0x3  }
0x94: {  	_ =	strace s2  }
0x95: {  	s2 =	sld [smem:$0x3FFD];
	_ =	sdelay $0x3  }
0x96: {  	_ =	strace s2  }
0x97: {  	_ =	strace $0x8FFFFFFF  }
0x98: {  	s19 =	sld [smem:$0x3FDB];
	_ =	sdelay $0x1  }
0x99: {  	s20 =	simm.s32 $_scs_section_size  }
0x9a: {  	s4 =	simm.s32 $_size__tile_overlayer_lowered;
	s5 =	simm.s32 $_tile_overlayer_lowered  }
0x9b: {  	s6 =	simm.s32 $0x1BFF;
	s21 =	sshll.u32 s5, $0x1;
	s3 =	sadd.s32 s20, s19  }
0x9c: {  	s22 =	simm.s32 $0x0;
	s4 =	sshll.u32 s4, $0x1;
	s5 =	sadd.s32 s21, s3  }
0x9d: {  	[timem:s22], [sflag:s6] =	dma.local [hbm:s5], s4  }
0x9e: {  	_ =	swait.ge [sflag:s6], s4  }
0x9f: {  	s4 =	ssub.s32 $0x0, s4;
	[sflag:s6] =	ssyncset.done $0x0  }
0xa0: {  	[sflag:s6] =	ssyncadd.s32 s4;
	_ =	sdelay $0x1  }
0xa1: {  	s23 =	simm.s32 $0x1B8B  }
0xa2: {  	_ =	swait.ge [sflag:s23], $0x1  }
0xa3: {  	[sflag:s23] =	ssyncset.done $0x0  }
0xa4: {  	[sflag:s23] =	ssyncadd.s32 $0xFFFFFFFF  }
0xa5: {  	s4 =	sld [smem:$0x0]  }
0xa6: {  	s5 =	sand.u32 $0xFFFFFFFE, s1  }
0xa7: {  	p0 =	sne.s32 s1, s5  }
0xa8: {  	s5 =	sshll.u32 @p0 s5, $0xE  }
0xa9: {  	s5 =	sadd.s32 @p0 $0x11B8D, s5;
	s6 =	sshll.u32 @p0 s4, $0x11  }
0xaa: {  	s5 =	sor.u32 @p0 s6, s5  }
0xab: {  	[sflag:s5] =	ssyncadd.remote.s32 @p0 $0x1;
	_ =	sdelay $0x1  }
0xac: {  	s5 =	simm.s32 @p0 $0x1B8D  }
0xad: {  	_ =	swait.eq @p0 [sflag:s5], $0x1  }
0xae: {  	[sflag:s5] =	ssyncadd.s32 @p0 $0xFFFFFFFF  }
0xaf: {  	s6 =	sshll.u32 @!p0 s1, $0xE  }
0xb0: {  	s6 =	sor.u32 @!p0 $0x4000, s6;
	s5 =	simm.s32 @!p0 $0x1B8D  }
0xb1: {  	s4 =	sshll.u32 @!p0 s4, $0x11;
	s6 =	sadd.s32 @!p0 $0x11B8D, s6;
	_ =	swait.eq @!p0 [sflag:s5], $0x1  }
0xb2: {  	s4 =	sor.u32 @!p0 s4, s6;
	[sflag:s5] =	ssyncadd.s32 @!p0 $0xFFFFFFFF  }
0xb3: {  	s25 =	simm.s32 $0x1B8E;
	s24 =	sld [smem:$0x3FFE];
	[sflag:s4] =	ssyncadd.remote.s32 @!p0 $0x1  }
0xb4: {  	s26 =	simm.s32 $execute0_lowered;
	[smem:$0x3FD2] =	sst s25  }
0xb5: {  	s5 =	sshll.u32 s26, $0x1;
	_ =	strace $0x80000049;
	[dreg:$0x1] =	wrdreg $0xFFFFFFFF  }
0xb6: {  	s28 =	simm.s32 $_size_execute0_lowered;
	s3 =	sadd.s32 s3, s5;
	[dreg:$0x0] =	wrdreg $0x0  }
0xb7: {  	s5 =	sshll.u32 s28, $0x1;
	[dreg:$0x2] =	wrdreg s3  }
0xb8: {  	[dreg:$0x3] =	wrdreg s5  }
0xb9: {  	[dreg:$0x4] =	wrdreg $0xC0  }
0xba: {  	_ =	task [dreg:s22], $0x5FFFF  }
0xbb: {  	[dreg:$0x1] =	wrdreg $0xFFFFFFFF  }
0xbc: {  	[dreg:$0x0] =	wrdreg $0x60  }
0xbd: {  	[dreg:$0x2] =	wrdreg s24  }
0xbe: {  	[dreg:$0x3] =	wrdreg $0x29000  }
0xbf: {  	[dreg:$0x4] =	wrdreg $0x9  }
0xc0: {  	_ =	task.clear_ibuf [dreg:s22], $0x5FFFF;
	_ =	strace $0x90000049  }
0xc1: {  	s29 =	simm.s32 $0x9;
	_ =	strace $0x8000004B  }
0xc2: {  	_ =	swait.ge [sflag:s29], $0x1  }
0xc3: {  	[sflag:s29] =	ssyncadd.s32 $0xFFFFFFFF  }
0xc4: {  	_ =	strace $0x9000004B  }
0xc5: {  	_ =	sfence  }
0xc6: {  	s30 =	sld [smem:$0x0];
	_ =	sdelay $0x2  }
0xc7: {  	s31 =	sshll.u32 s1, $0xD;
	s1 =	sshrl.u32 s1, $0x2  }
0xc8: {  	s4 =	sand.u32 $0x4000, s31;
	s1 =	sadd.s32 s1, s30  }
0xc9: {  	s0 =	sor.u32 s4, s0;
	s1 =	sshll.u32 s1, $0x11  }
0xca: {  	s0 =	sor.u32 s1, s0  }
0xcb: {  	s0 =	sadd.s32 $0x8F2B, s0  }
0xcc: {  	[sflag:s0] =	ssyncadd.remote.s32 $0x1  }
0xcd: {  	_ =	sfence.sel $0xFFFF  }
0xce: {  	[dreg:$0x0] =	wrdreg $0xFFFFFFFF;
	(pc) =	sbr.abs _section_cstart, $3  }
0xcf: {  	[dreg:$0x1] =	wrdreg $0xFFFFFFFF  }
0xd0: {  	_ =	task.clear_ibuf [dreg:s22], $0x2FFFF;
	_ =	strace $0x9FFFFFFF  }
0xd1: {  	(tm) =	ssettm $0x7FFFFFFF  }
tec
execute0_lowered:
.L_overlay_start_1:
0x0: {  	(tag) =	ssettag $0x1  }
0x1: {  	s5 =	rddreg [dreg:$0x0]  }
0x2: {  	s2 =	rddreg [dreg:$0x1]  }
0x3: {  	s3 =	srdreg.scid;
	s1 =	stileid.u32  }
0x4: {  	s17 =	simm.s32 $0x3;
	s18 =	simm.s32 $0x2800;
	s19 =	simm.s32 $0x1  }
0x5: {  	s20 =	simm.s32 $0x50;
	s21 =	simm.s32 $0x4;
	s7 =	smul.u32 $0x2800, s1  }
0x6: {  	s22 =	simm.s32 $0x0;
	s9 =	sand.u32 $0x1, s3;
	s10 =	smul.u32 $0x50000, s1  }
0x7: {  	s3 =	simm.s32 $0x0;
	s6 =	sshll.u32 s1, $0x1;
	s14 =	smul.u32 $0x4E20, s1  }
0x8: {  	s4 =	smul.u32 $0x28000, s9;
	[smem:$0x7FF] =	sst s3;
	s6 =	sor.u32 s9, s6  }
0x9: {  	s8 =	ssub.s32 $0x2, s9;
	s15 =	smul.u32 $0x2710, s9;
	_ =	strace $0x8000004A  }
0xa: {  	s6 =	smul.u32 $0x2710, s6;
	s29 =	sshrl.u32 s8, $0x1;
	s31 =	sshrl.u32 s10, $0x2  }
0xb: {  	s7 =	sadd.s32 s7, s4;
	s4 =	sadd.s32 $0xFC00, s5;
	s8 =	ssub.s32 s8, s29  }
0xc: {  	s16 =	sadd.s32 s15, s14;
	s7 =	sadd.s32 s7, s5;
	s30 =	sshrl.u32 s6, $0x3  }
0xd: {  	s6 =	sadd.s32 s31, s2;
	s8 =	smax.u32 s8, $0x1;
	s16 =	sadd.s32 $0x50, s16  }
0xe: {  	s5 =	sadd.s32 s4, s30;
	s7 =	sadd.s32 $0xA04C00, s7;
	s9 =	sadd.s32 $0x2800, s6  }
0xf: {  	s10 =	sadd.s32 $0x5000, s6;
	s11 =	sadd.s32 $0x7800, s6;
	s12 =	sadd.s32 $0xA000, s6  }
0x10: {  	v0 =	vimm.f32 $0.0e+00;
	v1 =	vimm.f32 $1.000000000e+00;
	s13 =	sadd.s32 $0xC800, s6;
	s14 =	sadd.s32 $0xF000, s6;
	s15 =	sadd.s32 $0x11800, s6  }
.LBB2_1:
0x11: {  	s23 =	simm.s32 $0x70;
	s24 =	simm.s32 $0x3C0  }
.LBB2_2:
0x12: {  	p0 =	sne.s32 s24, $0x9FC0;
	[tilespmem:s23+$0x0] =	vst v0  }
0x13: {  	[tilespmem:s23+$0xFFFFFF90] =	vst v0  }
0x14: {  	[tilespmem:s23+$0xFFFFFFA0] =	vst v0  }
.Ltmp0:
0x15: {  	[tilespmem:s23+$0xFFFFFFB0] =	vst v0;
	(pc) =	sbr.rel @p0 .LBB2_2-.Ltmp0, $4  }
0x16: {  	[tilespmem:s23+$0xFFFFFFC0] =	vst v0  }
0x17: {  	[tilespmem:s23+$0xFFFFFFD0] =	vst v0  }
0x18: {  	[tilespmem:s23+$0xFFFFFFE0] =	vst v0  }
0x19: {  	[tilespmem:s23+$0xFFFFFFF0] =	vst v0;
	s23 =	sshra.s32 s24, $0x2;
	s24 =	sadd.s32 $0x200, s24  }
0x1a: {  	[tilespmem:s23+$0x0] =	vst v0  }
0x1b: {  	[tilespmem:s23+$0xFFFFFF90] =	vst v0  }
0x1c: {  	[tilespmem:s23+$0xFFFFFFA0] =	vst v0  }
0x1d: {  	[tilespmem:s23+$0xFFFFFFB0] =	vst v0  }
0x1e: {  	[tilespmem:s23+$0xFFFFFFC0] =	vst v0  }
0x1f: {  	[tilespmem:s23+$0xFFFFFFD0] =	vst v0  }
0x20: {  	[tilespmem:s23+$0xFFFFFFE0] =	vst v0  }
0x21: {  	[tilespmem:s23+$0xFFFFFFF0] =	vst v0  }
0x22: {  	[spmem:s6] =	stream.linear.scatter [tilespmem:s3], [sflag:$0x3], $0x2800, $0x38;
	[tilespmem:$0x16900] =	vst v63  }
0x23: {  	_ =	swait.ge [sflag:s17], $0x2800  }
0x24: {  	[sflag:s17] =	ssyncset.done $0x0  }
0x25: {  	[sflag:s17] =	ssyncadd.s32 $0xFFFFD800  }
0x26: {  	[spmem:s9] =	stream.linear.scatter [tilespmem:s3], [sflag:$0x3], $0x2800, $0x38;
	[tilespmem:$0x16900] =	vst v63  }
0x27: {  	_ =	swait.ge [sflag:s17], $0x2800  }
0x28: {  	[sflag:s17] =	ssyncset.done $0x0  }
0x29: {  	[sflag:s17] =	ssyncadd.s32 $0xFFFFD800  }
0x2a: {  	[spmem:s10] =	stream.linear.scatter [tilespmem:s3], [sflag:$0x3], $0x2800, $0x38;
	[tilespmem:$0x16900] =	vst v63  }
0x2b: {  	_ =	swait.ge [sflag:s17], $0x2800  }
0x2c: {  	[sflag:s17] =	ssyncset.done $0x0  }
0x2d: {  	[sflag:s17] =	ssyncadd.s32 $0xFFFFD800  }
0x2e: {  	[spmem:s11] =	stream.linear.scatter [tilespmem:s3], [sflag:$0x3], $0x2800, $0x38;
	[tilespmem:$0x16900] =	vst v63  }
0x2f: {  	_ =	swait.ge [sflag:s17], $0x2800  }
0x30: {  	[sflag:s17] =	ssyncset.done $0x0  }
0x31: {  	[sflag:s17] =	ssyncadd.s32 $0xFFFFD800  }
0x32: {  	[spmem:s12] =	stream.linear.scatter [tilespmem:s3], [sflag:$0x3], $0x2800, $0x38;
	[tilespmem:$0x16900] =	vst v63  }
0x33: {  	_ =	swait.ge [sflag:s17], $0x2800  }
0x34: {  	[sflag:s17] =	ssyncset.done $0x0  }
0x35: {  	[sflag:s17] =	ssyncadd.s32 $0xFFFFD800  }
0x36: {  	[spmem:s13] =	stream.linear.scatter [tilespmem:s3], [sflag:$0x3], $0x2800, $0x38;
	[tilespmem:$0x16900] =	vst v63  }
0x37: {  	_ =	swait.ge [sflag:s17], $0x2800  }
0x38: {  	[sflag:s17] =	ssyncset.done $0x0  }
0x39: {  	[sflag:s17] =	ssyncadd.s32 $0xFFFFD800  }
0x3a: {  	[spmem:s14] =	stream.linear.scatter [tilespmem:s3], [sflag:$0x3], $0x2800, $0x38;
	[tilespmem:$0x16900] =	vst v63  }
0x3b: {  	_ =	swait.ge [sflag:s17], $0x2800  }
0x3c: {  	[sflag:s17] =	ssyncset.done $0x0  }
0x3d: {  	[sflag:s17] =	ssyncadd.s32 $0xFFFFD800  }
0x3e: {  	[spmem:s15] =	stream.linear.scatter [tilespmem:s3], [sflag:$0x3], $0x2800, $0x38;
	[tilespmem:$0x16900] =	vst v63  }
0x3f: {  	_ =	swait.ge [sflag:s17], $0x2800  }
0x40: {  	[sflag:s17] =	ssyncset.done $0x0  }
0x41: {  	s23 =	simm.s32 $0x70;
	s24 =	simm.s32 $0x3C0;
	[sflag:s17] =	ssyncadd.s32 $0xFFFFD800  }
.LBB2_4:
0x42: {  	p0 =	sne.s32 s24, $0x9FC0;
	[tilespmem:s23+$0x0] =	vst v1  }
0x43: {  	[tilespmem:s23+$0xFFFFFF90] =	vst v1  }
0x44: {  	[tilespmem:s23+$0xFFFFFFA0] =	vst v1  }
.Ltmp1:
0x45: {  	[tilespmem:s23+$0xFFFFFFB0] =	vst v1;
	(pc) =	sbr.rel @p0 .LBB2_4-.Ltmp1, $4  }
0x46: {  	[tilespmem:s23+$0xFFFFFFC0] =	vst v1  }
0x47: {  	[tilespmem:s23+$0xFFFFFFD0] =	vst v1  }
0x48: {  	[tilespmem:s23+$0xFFFFFFE0] =	vst v1  }
0x49: {  	[tilespmem:s23+$0xFFFFFFF0] =	vst v1;
	s23 =	sshra.s32 s24, $0x2;
	s24 =	sadd.s32 $0x200, s24  }
0x4a: {  	[tilespmem:s23+$0x0] =	vst v1  }
0x4b: {  	[tilespmem:s23+$0xFFFFFF90] =	vst v1  }
0x4c: {  	[tilespmem:s23+$0xFFFFFFA0] =	vst v1  }
0x4d: {  	[tilespmem:s23+$0xFFFFFFB0] =	vst v1  }
0x4e: {  	[tilespmem:s23+$0xFFFFFFC0] =	vst v1  }
0x4f: {  	[tilespmem:s23+$0xFFFFFFD0] =	vst v1  }
0x50: {  	[tilespmem:s23+$0xFFFFFFE0] =	vst v1  }
0x51: {  	[tilespmem:s23+$0xFFFFFFF0] =	vst v1;
	s30 =	simm.s32 $0x0  }
0x52: {  	[bflag:$0x0] =	sbarrier.arrive $0xFFFF;
	s23 =	sand.u32 $0x1, s30  }
0x53: {  	[tilespmem:s18], [sflag:$0x1] =	stream.linear.gather [hbm4b:s5+s30], $0x50, $0x38;
	[tilespmem:$0x16900] =	vst v63  }
0x54: {  	p0 =	seq.s32 s23, $0x1  }
0x55: {  	s23 =	simm.s32 @p0 $0x2  }
0x56: {  	s24 =	sshrl.u32 s16, $0x3;
	_ =	swait.ge @p0 [sflag:s23], $0x50  }
0x57: {  	s24 =	sadd.s32 s4, s24;
	[sflag:s23] =	ssyncset.done @p0 $0x0  }
0x58: {  	s25 =	simm.s32 @p0 $0x2800;
	[sflag:s23] =	ssyncadd.s32 @p0 $0xFFFFFFB0;
	s23 =	simm.s32 @p0 $0x0  }
0x59: {  	[tilespmem:s25], [sflag:$0x1] =	stream.linear.gather @p0 [hbm4b:s24+s23], $0x50, $0x38;
	[tilespmem:$0x16900] =	vst v63  }
0x5a: {  	s26 =	simm.s32 @p0 $0x2880;
	s28 =	simm.s32 @!p0 $0x1;
	s25 =	simm.s32 @p0 $0x50  }
0x5b: {  	[spmem:s2] =	stream.indirect.scatter.add.f32 @p0 [tilespmem:s23], [sflag:$0x3], $0x80, s26, s25, $0xb8;
	[tilespmem:$0x16900] =	vst v63  }
0x5c: {  	_ =	swait.ge @!p0 [sflag:s28], $0x50  }
0x5d: {  	s23 =	simm.s32 @!p0 $0x4;
	[sflag:s28] =	ssyncset.done @!p0 $0x0  }
0x5e: {  	s25 =	simm.s32 @!p0 $0x0;
	s26 =	simm.s32 @!p0 $0x2880;
	[sflag:s28] =	ssyncadd.s32 @!p0 $0xFFFFFFB0  }
0x5f: {  	[tilespmem:s26], [sflag:$0x2] =	stream.linear.gather @!p0 [hbm4b:s24+s25], $0x50, $0x38;
	[tilespmem:$0x16900] =	vst v63  }
0x60: {  	s23 =	simm.s32 @p0 $0x3;
	s24 =	simm.s32 @!p0 $0x50;
	s26 =	simm.s32 @!p0 $0x2800  }
0x61: {  	[spmem:s2] =	stream.indirect.scatter.add.f32 @!p0 [tilespmem:s25], [sflag:$0x4], $0x80, s26, s24, $0xb8;
	[tilespmem:$0x16900] =	vst v63  }
0x62: {  	s31 =	simm.s32 $0x1;
	s25 =	simm.s32 $0x2;
	_ =	swait.ge [sflag:s23], $0x2800  }
0x63: {  	s26 =	sand.u32 $0x1, s31;
	s24 =	sadd.s32 $0x50, s16;
	[sflag:s23] =	ssyncset.done $0x0  }
.LBB2_6:
0x64: {  	p1 =	seq.s32 s26, $0x1  }
0x65: {  	[sflag:s23] =	ssyncadd.s32 $0xFFFFD800;
	s26 =	smov.u32 s25;
	s25 =	sadd.s32 $0x1, s25  }
0x66: {  	p0 =	sne.s32 s25, $0x7C;
	s28 =	simm.s32 @p1 $0x2;
	s23 =	simm.s32 @!p1 $0x4  }
0x67: {  	_ =	swait.ge @p1 [sflag:s28], $0x50  }
0x68: {  	s29 =	sshrl.u32 s24, $0x3;
	s30 =	simm.s32 @p1 $0x2800;
	[sflag:s28] =	ssyncset.done @p1 $0x0  }
0x69: {  	s29 =	sadd.s32 s4, s29;
	[sflag:s28] =	ssyncadd.s32 @p1 $0xFFFFFFB0;
	s28 =	simm.s32 @p1 $0x0  }
0x6a: {  	[tilespmem:s30], [sflag:$0x1] =	stream.linear.gather @p1 [hbm4b:s29+s28], $0x50, $0x38;
	[tilespmem:$0x16900] =	vst v63  }
0x6b: {  	s31 =	simm.s32 @p1 $0x2880;
	s0 =	simm.s32 @!p1 $0x1;
	s30 =	simm.s32 @p1 $0x50  }
0x6c: {  	[spmem:s2] =	stream.indirect.scatter.add.f32 @p1 [tilespmem:s28], [sflag:$0x3], $0x80, s31, s30, $0xb8;
	[tilespmem:$0x16900] =	vst v63  }
0x6d: {  	_ =	swait.ge @!p1 [sflag:s0], $0x50  }
0x6e: {  	[sflag:s0] =	ssyncset.done @!p1 $0x0  }
0x6f: {  	s28 =	simm.s32 @!p1 $0x2880;
	[sflag:s0] =	ssyncadd.s32 @!p1 $0xFFFFFFB0;
	s0 =	simm.s32 @!p1 $0x0  }
0x70: {  	[tilespmem:s28], [sflag:$0x2] =	stream.linear.gather @!p1 [hbm4b:s29+s0], $0x50, $0x38;
	[tilespmem:$0x16900] =	vst v63  }
.Ltmp2:
0x71: {  	_ = 	snop;
	(pc) =	sbr.rel @p0 .LBB2_6-.Ltmp2, $4  }
0x72: {  	s23 =	simm.s32 @p1 $0x3;
	s28 =	simm.s32 @!p1 $0x50;
	s29 =	simm.s32 @!p1 $0x2800  }
0x73: {  	[spmem:s2] =	stream.indirect.scatter.add.f32 @!p1 [tilespmem:s0], [sflag:$0x4], $0x80, s29, s28, $0xb8;
	[tilespmem:$0x16900] =	vst v63  }
0x74: {  	_ =	swait.ge [sflag:s23], $0x2800  }
0x75: {  	s24 =	sadd.s32 $0x50, s24;
	s26 =	sand.u32 $0x1, s26;
	[sflag:s23] =	ssyncset.done $0x0  }
0x76: {  	p0 =	seq.s32 s26, $0x1  }
0x77: {  	[sflag:s23] =	ssyncadd.s32 $0xFFFFD800;
	s0 =	simm.s32 @p0 $0x2  }
0x78: {  	_ =	swait.ge @p0 [sflag:s0], $0x50  }
0x79: {  	s29 =	sshrl.u32 s24, $0x3;
	s24 =	simm.s32 @p0 $0x2800;
	[sflag:s0] =	ssyncset.done @p0 $0x0  }
0x7a: {  	s23 =	sadd.s32 s4, s29;
	[sflag:s0] =	ssyncadd.s32 @p0 $0xFFFFFFB0;
	s0 =	simm.s32 @p0 $0x0  }
0x7b: {  	[tilespmem:s24], [sflag:$0x1] =	stream.linear.gather @p0 [hbm4b:s23+s0], $0x50, $0x38;
	[tilespmem:$0x16900] =	vst v63  }
0x7c: {  	s25 =	simm.s32 @p0 $0x2880;
	s26 =	simm.s32 @!p0 $0x1;
	s24 =	simm.s32 @p0 $0x50  }
0x7d: {  	[spmem:s2] =	stream.indirect.scatter.add.f32 @p0 [tilespmem:s0], [sflag:$0x3], $0x80, s25, s24, $0xb8;
	[tilespmem:$0x16900] =	vst v63  }
0x7e: {  	_ =	swait.ge @!p0 [sflag:s26], $0x50  }
0x7f: {  	s0 =	simm.s32 @!p0 $0x4;
	[sflag:s26] =	ssyncset.done @!p0 $0x0  }
0x80: {  	s24 =	simm.s32 @!p0 $0x0;
	s25 =	simm.s32 @!p0 $0x2880;
	[sflag:s26] =	ssyncadd.s32 @!p0 $0xFFFFFFB0  }
0x81: {  	[tilespmem:s25], [sflag:$0x2] =	stream.linear.gather @!p0 [hbm4b:s23+s24], $0x50, $0x38;
	[tilespmem:$0x16900] =	vst v63  }
0x82: {  	s0 =	simm.s32 @p0 $0x3;
	s23 =	simm.s32 @!p0 $0x50;
	s25 =	simm.s32 @!p0 $0x2800  }
0x83: {  	[spmem:s2] =	stream.indirect.scatter.add.f32 @!p0 [tilespmem:s24], [sflag:$0x4], $0x80, s25, s23, $0xb8;
	[tilespmem:$0x16900] =	vst v63  }
0x84: {  	_ =	swait.ge [sflag:s0], $0x2800  }
0x85: {  	[sflag:s0] =	ssyncset.done $0x0  }
0x86: {  	[sflag:s0] =	ssyncadd.s32 $0xFFFFD800  }
0x87: {  	_ =	swait.ge [sflag:s19], $0x50  }
0x88: {  	[sflag:s19] =	ssyncset.done $0x0  }
0x89: {  	[sflag:s19] =	ssyncadd.s32 $0xFFFFFFB0  }
0x8a: {  	[spmem:s2] =	stream.indirect.scatter.add.f32 [tilespmem:s3], [sflag:$0x4], $0x80, s18, s20, $0xb8;
	[tilespmem:$0x16900] =	vst v63  }
0x8b: {  	_ =	swait.ge [sflag:s21], $0x2800  }
0x8c: {  	s30 =	sshll.u32 s1, $0x6;
	s22 =	sadd.s32 $0x1, s22;
	[sflag:s21] =	ssyncset.done $0x0  }
0x8d: {  	s31 =	sshrl.u32 s6, $0x3;
	p0 =	sne.s32 s22, s8;
	[sflag:s21] =	ssyncadd.s32 $0xFFFFD800  }
.Ltmp3:
0x8e: {  	s0 =	sor.u32 $0x1C03, s30;
	[bflag:$0x0] =	sbarrier.arrive $0xFFFF;
	(pc) =	sbr.rel @p0 .LBB2_1-.Ltmp3, $4  }
0x8f: {  	[hbm:s7], [sflag:s0] =	dma.local [spmem:s31], $0x2800  }
0x90: {  	_ =	swait.ge [sflag:s17], $0x2800  }
0x91: {  	[sflag:s17] =	ssyncset.done $0x0  }
0x92: {  	[sflag:s17] =	ssyncadd.s32 $0xFFFFD800  }
0x93: {  	_ =	sfence.sel $0x180000  }
0x94: {  	[bflag:$0x0] =	sbarrier.arrive $0xFFFF  }
0x95: {  	_ =	strace $0x9000004A  }
0x96: {  	[bflag:$0x2] =	sbarrier.arrive $0xFFFF  }
0x97: {  	p0 =	sne.s32 s1, $0x0;
	s0 =	rddreg [dreg:$0x2]  }
0x98: {  	s0 =	sadd.s32 @!p0 $0x100000, s0  }
0x99: {  	[sflag:s0] =	ssyncadd.tile.s32 @!p0 $0x1;
	_ =	shalt  }
.Lfunc_end2:
_tile_overlayer_lowered:
.L_overlay_start_2:
0x9a: {  	(tag) =	ssettag $0x2  }
0x9b: {  	s0 =	rddreg [dreg:$0x0];
	s2 =	stileid.u32  }
0x9c: {  	s1 =	rddreg [dreg:$0x1];
	p0 =	sne.s32 s2, $0x0  }
0x9d: {  	s3 =	rddreg [dreg:$0x2];
	[bflag:$0x3] =	sbarrier.arrive $0xFFFF;
	s2 =	simm.s32 @!p0 $0x1C03  }
0x9e: {  	[timem:s3], [sflag:s2] =	dma.local @!p0 [hbm:s0], s1  }
0x9f: {  	s0 =	simm.s32 @!p0 $0x3  }
0xa0: {  	_ =	swait.ge @!p0 [sflag:s0], s1  }
0xa1: {  	s1 =	ssub.s32 @!p0 $0x0, s1;
	[sflag:s0] =	ssyncset.done @!p0 $0x0  }
0xa2: {  	[sflag:s0] =	ssyncadd.s32 @!p0 s1  }
0xa3: {  	[bflag:$0x3] =	sbarrier.arrive $0xFFFF  }
0xa4: {  	_ =	shalt  }

</sc_bundles>
